<compile_context>
chip_gen: v7x
topology: tpu7x:2x2x1
jax: 0.10.2.dev20260603
libtpu: 0.0.44.dev20260713+nightly
codegen_flags: <defaults>
</compile_context>

<pallas_src>
import jax
import jax.numpy as jnp
from jax import lax
from jax.experimental import pallas as pl
from jax.experimental.pallas import tpu as pltpu
from jax.experimental.pallas import tpu_sc as plsc
import numpy as np

_N = 10000
_NPAD = 10240
_NW = 16
_PP = _NPAD // _NW
_NBLK = _PP // 16
_CAND = 4 * _NPAD
_LEAF = _CAND // 16
_L2 = _LEAF // 16
_SCORE_THRESH = 0.05
_NMS_THRESH = 0.5
_DETS = 100
_IMG = 512.0
_CLIP = float(np.log(1000.0 / 16.0))


def _lane0_store(ref, i, val, lane):
    idx = jnp.full((16,), i, jnp.int32)
    if getattr(val, "shape", ()) != (16,):
        val = jnp.full((16,), val, ref.dtype)
    plsc.store_scatter(ref, [idx], val, mask=lane == 0)


def _sc_body(cl_h, br_h, pr_h,
             ox1_h, oy1_h, ox2_h, oy2_h, osc_h, olab_h,
             cl_v, br_v, pr_v, sL, bL, mxv, l1L,
             Ss, SL1, Sbox, Smax,
             sc_v, L1, L2r, L3r, smax_v, bbuf, sem,
             kx1r, ky1r, kx2r, ky2r, karr,
             ox1, oy1, ox2, oy2, osc, olab):
    wid = lax.axis_index("s")
    lane = lax.broadcasted_iota(jnp.int32, (16,), 0)

    base = wid * _PP
    c1 = pltpu.async_copy(cl_h.at[:, pl.ds(base, _PP)], cl_v, sem)
    c2 = pltpu.async_copy(br_h.at[:, pl.ds(base, _PP)], br_v, sem)
    c3 = pltpu.async_copy(pr_h.at[:, pl.ds(base, _PP)], pr_v, sem)
    c1.wait()
    c2.wait()
    c3.wait()

    def pa(g, mx):
        sl = pl.ds(g * 16, 16)
        p0 = pr_v[0, sl]
        p1 = pr_v[1, sl]
        p2 = pr_v[2, sl]
        p3 = pr_v[3, sl]
        w = p2 - p0
        h = p3 - p1
        cx = p0 + 0.5 * w
        cy = p1 + 0.5 * h
        l0 = cl_v[0, sl]
        l1 = cl_v[1, sl]
        l2 = cl_v[2, sl]
        l3 = cl_v[3, sl]
        l4 = cl_v[4, sl]
        lm = jnp.maximum(jnp.maximum(jnp.maximum(l0, l1), jnp.maximum(l2, l3)), l4)
        e0 = jnp.exp(l0 - lm)
        e1 = jnp.exp(l1 - lm)
        e2 = jnp.exp(l2 - lm)
        e3 = jnp.exp(l3 - lm)
        e4 = jnp.exp(l4 - lm)
        den = e0 + e1 + e2 + e3 + e4
        real = (base + g * 16 + lane) < _N
        es = [e1, e2, e3, e4]
        for c in range(1, 5):
            dx = br_v[4 * c + 0, sl] / 10.0
            dy = br_v[4 * c + 1, sl] / 10.0
            dw = jnp.minimum(br_v[4 * c + 2, sl] / 5.0, _CLIP)
            dh = jnp.minimum(br_v[4 * c + 3, sl] / 5.0, _CLIP)
            px = dx * w + cx
            py = dy * h + cy
            pw = jnp.exp(dw) * w
            ph = jnp.exp(dh) * h
            x1 = jnp.clip(px - 0.5 * pw, 0.0, _IMG)
            x2 = jnp.clip(px + 0.5 * pw, 0.0, _IMG)
            y1 = jnp.clip(py - 0.5 * ph, 0.0, _IMG)
            y2 = jnp.clip(py + 0.5 * ph, 0.0, _IMG)
            scr = es[c - 1] / den
            keep = ((scr > _SCORE_THRESH) & ((x2 - x1) >= 0.01)
                    & ((y2 - y1) >= 0.01) & real)
            ms = jnp.where(keep, scr, -1.0)
            _lane0_store(l1L, (c - 1) * _NBLK + g, jnp.max(ms), lane)
            sL[c - 1, sl] = ms
            bL[c - 1, pl.ds(g * 64, 16)] = x1
            bL[c - 1, pl.ds(g * 64 + 16, 16)] = y1
            bL[c - 1, pl.ds(g * 64 + 32, 16)] = x2
            bL[c - 1, pl.ds(g * 64 + 48, 16)] = y2
            mx = jnp.maximum(mx, jnp.maximum(jnp.maximum(x1, x2),
                                             jnp.maximum(y1, y2)))
        return mx

    mx = lax.fori_loop(0, _NBLK, pa, jnp.zeros((16,), jnp.float32))
    mxv[:] = mx

    cps = []
    for c in range(4):
        cps.append(pltpu.async_copy(
            sL.at[c], Ss.at[pl.ds(c * _NPAD + base, _PP)], sem))
        cps.append(pltpu.async_copy(
            bL.at[c],
            Sbox.at[pl.ds((c * (_NPAD // 16) + wid * _NBLK) * 64,
                          _NBLK * 64)], sem))
        cps.append(pltpu.async_copy(
            l1L.at[pl.ds(c * _NBLK, _NBLK)],
            SL1.at[pl.ds(c * (_NPAD // 16) + wid * _NBLK, _NBLK)], sem))
    cps.append(pltpu.async_copy(mxv, Smax.at[pl.ds(wid * 16, 16)], sem))
    for cp in cps:
        cp.wait()

    plsc.subcore_barrier()

    @pl.when(wid == 0)
    def _scan():
        pltpu.sync_copy(Ss, sc_v)
        pltpu.sync_copy(SL1, L1)
        pltpu.sync_copy(Smax, smax_v)
        m16 = smax_v[pl.ds(0, 16)]
        for i in range(1, _NW):
            m16 = jnp.maximum(m16, smax_v[pl.ds(i * 16, 16)])
        off_base = jnp.max(m16) + 1.0

        zf = jnp.zeros((16,), jnp.float32)
        zi = jnp.zeros((16,), jnp.int32)
        for j in range(8):
            sl = pl.ds(j * 16, 16)
            ox1[sl] = zf
            oy1[sl] = zf
            ox2[sl] = zf
            oy2[sl] = zf
            osc[sl] = zf
            olab[sl] = zi

        def bl2(chunk, _):
            idxb = chunk * 256 + lane * 16
            m = plsc.load_gather(L1, [idxb])
            for i in range(1, 16):
                m = jnp.maximum(m, plsc.load_gather(L1, [idxb + i]))
            L2r[pl.ds(chunk * 16, 16)] = m
            return 0

        lax.fori_loop(0, _L2 // 16, bl2, 0)

        for j in range(6):
            L2r[pl.ds(_L2 + j * 16, 16)] = jnp.full((16,), -2.0, jnp.float32)

        idxb = lane * 16
        m = plsc.load_gather(L2r, [idxb])
        for i in range(1, 16):
            m = jnp.maximum(m, plsc.load_gather(L2r, [idxb + i]))
        L3r[:] = m

        def cond(st):
            nk, stop = st
            return (nk < _DETS) & (stop == 0)

        def body(st):
            nk, stop = st
            v3 = L3r[:]
            g3 = jnp.max(v3)
            valid = g3 > 0.0
            l3 = plsc.all_reduce_ffs(v3 == g3)[0]
            v2 = L2r[pl.ds(l3 * 16, 16)]
            l2 = plsc.all_reduce_ffs(v2 == g3)[0]
            e2 = l3 * 16 + l2
            v1 = L1[pl.ds(e2 * 16, 16)]
            l1 = plsc.all_reduce_ffs(v1 == g3)[0]
            e1 = e2 * 16 + l1
            cp = pltpu.async_copy(Sbox.at[pl.ds(e1 * 64, 64)], bbuf, sem)
            v0 = sc_v[pl.ds(e1 * 16, 16)]
            l0 = plsc.all_reduce_ffs(v0 == g3)[0]
            k = e1 * 16 + l0

            @pl.when(valid)
            def _consume():
                v0n = jnp.where(lane == l0, -1.0, v0)
                _lane0_store(sc_v, k, jnp.float32(-1.0), lane)
                _lane0_store(L1, e1, jnp.max(v0n), lane)
                _lane0_store(L2r, e2, jnp.max(L1[pl.ds(e2 * 16, 16)]), lane)
                _lane0_store(L3r, l3, jnp.max(L2r[pl.ds(l3 * 16, 16)]), lane)

            cp.wait()

            def spl(q):
                return plsc.load_gather(bbuf, [jnp.full((16,), q, jnp.int32)])

            bo1 = spl(l0)
            bo2 = spl(l0 + 16)
            bo3 = spl(l0 + 32)
            bo4 = spl(l0 + 48)
            lab = k // _NPAD + 1
            off = lab.astype(jnp.float32) * off_base
            bx1 = bo1 + off
            by1 = bo2 + off
            bx2 = bo3 + off
            by2 = bo4 + off
            areac = (bx2 - bx1) * (by2 - by1)

            nblk = (nk + 15) // 16

            def iou_blk(j, hit):
                sl = pl.ds(j * 16, 16)
                kx1 = kx1r[sl]
                ky1 = ky1r[sl]
                kx2 = kx2r[sl]
                ky2 = ky2r[sl]
                kar = karr[sl]
                ltx = jnp.maximum(kx1, bx1)
                lty = jnp.maximum(ky1, by1)
                rbx = jnp.minimum(kx2, bx2)
                rby = jnp.minimum(ky2, by2)
                inter = (jnp.maximum(rbx - ltx, 0.0)
                         * jnp.maximum(rby - lty, 0.0))
                iou = inter / (kar + areac - inter + 1e-9)
                ok = (j * 16 + lane) < nk
                return hit | ((iou > _NMS_THRESH) & ok).astype(jnp.int32)

            hit = lax.fori_loop(0, nblk, iou_blk, jnp.zeros((16,), jnp.int32))
            rej = plsc.all_reduce_population_count(hit > 0)[0] > 0
            keep_it = valid & (~rej)

            @pl.when(keep_it)
            def _append():
                _lane0_store(kx1r, nk, bx1, lane)
                _lane0_store(ky1r, nk, by1, lane)
                _lane0_store(kx2r, nk, bx2, lane)
                _lane0_store(ky2r, nk, by2, lane)
                _lane0_store(karr, nk, areac, lane)
                _lane0_store(ox1, nk, bo1, lane)
                _lane0_store(oy1, nk, bo2, lane)
                _lane0_store(ox2, nk, bo3, lane)
                _lane0_store(oy2, nk, bo4, lane)
                _lane0_store(osc, nk, g3, lane)
                _lane0_store(olab, nk, lab, lane)

            nk2 = nk + keep_it.astype(jnp.int32)
            stop2 = jnp.where(valid, 0, 1).astype(jnp.int32)
            return nk2, stop2

        lax.while_loop(cond, body, (jnp.int32(0), jnp.int32(0)))

        pltpu.sync_copy(ox1, ox1_h)
        pltpu.sync_copy(oy1, oy1_h)
        pltpu.sync_copy(ox2, ox2_h)
        pltpu.sync_copy(oy2, oy2_h)
        pltpu.sync_copy(osc, osc_h)
        pltpu.sync_copy(olab, olab_h)


@jax.jit
def kernel(class_logits, box_regression, proposals):
    padn = _NPAD - _N
    clT = jnp.pad(class_logits, ((0, padn), (0, 0))).T
    brT = jnp.pad(box_regression, ((0, padn), (0, 0))).T
    prT = jnp.pad(proposals, ((0, padn), (0, 0))).T

    mesh = plsc.VectorSubcoreMesh(core_axis_name="c", subcore_axis_name="s",
                                  num_cores=1, num_subcores=_NW)
    f32 = jnp.float32
    run = pl.kernel(
        _sc_body,
        out_type=(
            jax.ShapeDtypeStruct((128,), f32),
            jax.ShapeDtypeStruct((128,), f32),
            jax.ShapeDtypeStruct((128,), f32),
            jax.ShapeDtypeStruct((128,), f32),
            jax.ShapeDtypeStruct((128,), f32),
            jax.ShapeDtypeStruct((128,), jnp.int32),
        ),
        mesh=mesh,
        compiler_params=pltpu.CompilerParams(needs_layout_passes=False),
        scratch_types=[
            pltpu.VMEM((5, _PP), f32),
            pltpu.VMEM((20, _PP), f32),
            pltpu.VMEM((4, _PP), f32),
            pltpu.VMEM((4, _PP), f32),
            pltpu.VMEM((4, _NBLK * 64), f32),
            pltpu.VMEM((16,), f32),
            pltpu.VMEM((4 * _NBLK,), f32),
            pltpu.VMEM_SHARED((_CAND,), f32),
            pltpu.VMEM_SHARED((_LEAF,), f32),
            pltpu.VMEM_SHARED((_LEAF * 64,), f32),
            pltpu.VMEM_SHARED((_NW * 16,), f32),
            pltpu.VMEM((_CAND,), f32),
            pltpu.VMEM((_LEAF,), f32),
            pltpu.VMEM((256,), f32),
            pltpu.VMEM((16,), f32),
            pltpu.VMEM((_NW * 16,), f32),
            pltpu.VMEM((64,), f32),
            pltpu.SemaphoreType.DMA,
            pltpu.VMEM((112,), f32),
            pltpu.VMEM((112,), f32),
            pltpu.VMEM((112,), f32),
            pltpu.VMEM((112,), f32),
            pltpu.VMEM((112,), f32),
            pltpu.VMEM((128,), f32),
            pltpu.VMEM((128,), f32),
            pltpu.VMEM((128,), f32),
            pltpu.VMEM((128,), f32),
            pltpu.VMEM((128,), f32),
            pltpu.VMEM((128,), jnp.int32),
        ],
    )
    x1, y1, x2, y2, sc, lab = run(clT, brT, prT)
    out_boxes = jnp.stack([x1, y1, x2, y2], axis=1)[:_DETS]
    return out_boxes, sc[:_DETS], lab[:_DETS]

# --- scband reference (transcript-rebuilt; emitter-appended) ---
"""Pipeline reference for scband-xamiro-iheads-8117488190273 (READ-ONLY COPY).

The authoritative reference and input builder live on the scoring server;
editing this copy changes nothing except your own understanding.
"""

import jax, jax.numpy as jnp
import numpy as np

N_PROPOSALS = 10000
NUM_CLASSES = 5
SCORE_THRESH = 0.05
NMS_THRESH = 0.5
DETS_PER_IMG = 100
IMG_H, IMG_W = 512.0, 512.0
BBOX_W = (10.0, 10.0, 5.0, 5.0)
BBOX_XFORM_CLIP = float(np.log(1000.0 / 16.0))


def setup_inputs(seed: int = 0) -> dict:
    key = jax.random.key(seed)
    k1, k2, k3 = jax.random.split(key, 3)
    class_logits = jax.random.normal(k1, (N_PROPOSALS, NUM_CLASSES), dtype=jnp.float32)
    box_regression = jax.random.normal(k2, (N_PROPOSALS, NUM_CLASSES * 4), dtype=jnp.float32)
    p = jax.random.uniform(k3, (N_PROPOSALS, 4), dtype=jnp.float32)
    x1 = p[:, 0] * 448.0
    y1 = p[:, 1] * 448.0
    x2 = x1 + 4.0 + p[:, 2] * 60.0
    y2 = y1 + 4.0 + p[:, 3] * 60.0
    proposals = jnp.stack([x1, y1, x2, y2], axis=1)
    return {"class_logits": class_logits, "box_regression": box_regression, "proposals": proposals}


def decode_boxes(rel_codes, proposals):
    wx, wy, ww, wh = BBOX_W
    widths = proposals[:, 2] - proposals[:, 0]
    heights = proposals[:, 3] - proposals[:, 1]
    ctr_x = proposals[:, 0] + 0.5 * widths
    ctr_y = proposals[:, 1] + 0.5 * heights
    codes = rel_codes.reshape(rel_codes.shape[0], -1, 4)
    dx = codes[:, :, 0] / wx
    dy = codes[:, :, 1] / wy
    dw = jnp.minimum(codes[:, :, 2] / ww, BBOX_XFORM_CLIP)
    dh = jnp.minimum(codes[:, :, 3] / wh, BBOX_XFORM_CLIP)
    pred_ctr_x = dx * widths[:, None] + ctr_x[:, None]
    pred_ctr_y = dy * heights[:, None] + ctr_y[:, None]
    pred_w = jnp.exp(dw) * widths[:, None]
    pred_h = jnp.exp(dh) * heights[:, None]
    x1 = pred_ctr_x - 0.5 * pred_w
    y1 = pred_ctr_y - 0.5 * pred_h
    x2 = pred_ctr_x + 0.5 * pred_w
    y2 = pred_ctr_y + 0.5 * pred_h
    return jnp.stack([x1, y1, x2, y2], axis=-1)


def iou_one_vs_all(box, boxes):
    area1 = (box[2] - box[0]) * (box[3] - box[1])
    areas = (boxes[:, 2] - boxes[:, 0]) * (boxes[:, 3] - boxes[:, 1])
    lt_x = jnp.maximum(box[0], boxes[:, 0])
    lt_y = jnp.maximum(box[1], boxes[:, 1])
    rb_x = jnp.minimum(box[2], boxes[:, 2])
    rb_y = jnp.minimum(box[3], boxes[:, 3])
    inter = jnp.clip(rb_x - lt_x, 0.0) * jnp.clip(rb_y - lt_y, 0.0)
    return inter / (area1 + areas - inter + 1e-9)


def greedy_nms(boxes, scores, iou_thresh, max_out):
    n = scores.shape[0]
    def body(i, state):
        s, keep, valid = state
        idx = jnp.argmax(s)
        is_valid = s[idx] > 0.0
        keep = keep.at[i].set(idx.astype(jnp.int32))
        valid = valid.at[i].set(is_valid)
        ious = iou_one_vs_all(boxes[idx], boxes)
        suppress = (ious > iou_thresh) | (jnp.arange(n) == idx)
        s = jnp.where(suppress, -1.0, s)
        return (s, keep, valid)
    keep0 = jnp.zeros((max_out,), dtype=jnp.int32)
    valid0 = jnp.zeros((max_out,), dtype=bool)
    _, keep, valid = jax.lax.fori_loop(0, max_out, body, (scores, keep0, valid0))
    return keep, valid


def _forward(class_logits, box_regression, proposals):
    N = class_logits.shape[0]
    pred_boxes = decode_boxes(box_regression, proposals)  # [N, C, 4]
    pred_scores = jax.nn.softmax(class_logits, axis=-1)   # [N, C]
    # clip boxes to image
    xs = jnp.clip(pred_boxes[..., 0::2], 0.0, IMG_W)
    ys = jnp.clip(pred_boxes[..., 1::2], 0.0, IMG_H)
    pred_boxes = jnp.stack([xs[..., 0], ys[..., 0], xs[..., 1], ys[..., 1]], axis=-1)
    # drop background class 0 and flatten
    boxes = pred_boxes[:, 1:, :].reshape(-1, 4)
    scores = pred_scores[:, 1:].reshape(-1)
    labels = jnp.tile(jnp.arange(1, NUM_CLASSES), (N,))
    # score threshold + remove small boxes (min_size=0.01)
    ws = boxes[:, 2] - boxes[:, 0]
    hs = boxes[:, 3] - boxes[:, 1]
    keep_mask = (scores > SCORE_THRESH) & (ws >= 0.01) & (hs >= 0.01)
    masked_scores = jnp.where(keep_mask, scores, -1.0)
    # batched_nms via per-class coordinate offsets
    max_coord = jax.lax.stop_gradient(jnp.max(boxes))
    offsets = labels.astype(jnp.float32) * (max_coord + 1.0)
    boxes_for_nms = boxes + offsets[:, None]
    keep, valid = greedy_nms(boxes_for_nms, masked_scores, NMS_THRESH, DETS_PER_IMG)
    vf = valid.astype(jnp.float32)
    out_boxes = boxes[keep] * vf[:, None]
    out_scores = scores[keep] * vf
    out_labels = jnp.where(valid, labels[keep], 0)
    return out_boxes, out_scores, out_labels


def reference(class_logits, box_regression, proposals):
    return _forward(class_logits, box_regression, proposals)

if __name__ == "__main__":
    import jax
    _d = setup_inputs()
    print(jax.jit(kernel)(*tuple(_d.values())))

</pallas_src>

<mosaic_0001>
#map = affine_map<(d0, d1) -> (0, 0)>
#map1 = affine_map<(d0, d1) -> (0)>
module attributes {stable_mosaic.version = 14 : i64} {
  func.func @_sc_body(%arg0: i32, %arg1: i32, %arg2: memref<5x10240xf32, #tpu.memory_space<hbm>>, %arg3: memref<20x10240xf32, #tpu.memory_space<hbm>>, %arg4: memref<4x10240xf32, #tpu.memory_space<hbm>>, %arg5: memref<128xf32, #tpu.memory_space<hbm>>, %arg6: memref<128xf32, #tpu.memory_space<hbm>>, %arg7: memref<128xf32, #tpu.memory_space<hbm>>, %arg8: memref<128xf32, #tpu.memory_space<hbm>>, %arg9: memref<128xf32, #tpu.memory_space<hbm>>, %arg10: memref<128xi32, #tpu.memory_space<hbm>>, %arg11: memref<5x640xf32, #tpu.memory_space<vmem>>, %arg12: memref<20x640xf32, #tpu.memory_space<vmem>>, %arg13: memref<4x640xf32, #tpu.memory_space<vmem>>, %arg14: memref<4x640xf32, #tpu.memory_space<vmem>>, %arg15: memref<4x2560xf32, #tpu.memory_space<vmem>>, %arg16: memref<16xf32, #tpu.memory_space<vmem>>, %arg17: memref<160xf32, #tpu.memory_space<vmem>>, %arg18: memref<40960xf32, #tpu.memory_space<vmem_shared>>, %arg19: memref<2560xf32, #tpu.memory_space<vmem_shared>>, %arg20: memref<163840xf32, #tpu.memory_space<vmem_shared>>, %arg21: memref<256xf32, #tpu.memory_space<vmem_shared>>, %arg22: memref<40960xf32, #tpu.memory_space<vmem>>, %arg23: memref<2560xf32, #tpu.memory_space<vmem>>, %arg24: memref<256xf32, #tpu.memory_space<vmem>>, %arg25: memref<16xf32, #tpu.memory_space<vmem>>, %arg26: memref<256xf32, #tpu.memory_space<vmem>>, %arg27: memref<64xf32, #tpu.memory_space<vmem>>, %arg28: memref<!tpu.dma_semaphore, #tpu.memory_space<semaphore_mem>>, %arg29: memref<112xf32, #tpu.memory_space<vmem>>, %arg30: memref<112xf32, #tpu.memory_space<vmem>>, %arg31: memref<112xf32, #tpu.memory_space<vmem>>, %arg32: memref<112xf32, #tpu.memory_space<vmem>>, %arg33: memref<112xf32, #tpu.memory_space<vmem>>, %arg34: memref<128xf32, #tpu.memory_space<vmem>>, %arg35: memref<128xf32, #tpu.memory_space<vmem>>, %arg36: memref<128xf32, #tpu.memory_space<vmem>>, %arg37: memref<128xf32, #tpu.memory_space<vmem>>, %arg38: memref<128xf32, #tpu.memory_space<vmem>>, %arg39: memref<128xi32, #tpu.memory_space<vmem>>) attributes {dimension_semantics = [#tpu.dimension_semantics<core_parallel>, #tpu.dimension_semantics<subcore_parallel>], iteration_bounds = array<i64: 1, 16>, scalar_prefetch = 0 : i64, scratch_operands = 29 : i64, tpu.core_type = #tpu.core_type<sc_vector_subcore>, window_params = [{transform_indices = #map}, {transform_indices = #map}, {transform_indices = #map}, {transform_indices = #map1}, {transform_indices = #map1}, {transform_indices = #map1}, {transform_indices = #map1}, {transform_indices = #map1}, {transform_indices = #map1}]} {
    %iota3A = tpu.iota {dimensions = array<i32: 0>} : vector<16xi32>
    %mul3A = arith.constant 640 : i32
    %mul3A_0 = arith.muli %arg1, %mul3A : i32
    %dma_start3A = arith.constant 0 : i32
    %dma_start3A_1 = tpu.memref_slice %arg2[%dma_start3A, %mul3A_0] : memref<5x10240xf32, #tpu.memory_space<hbm>> -> memref<5x640xf32, #tpu.memory_space<hbm>>
    %dma_start3A_2 = arith.constant 0 : i32
    %dma_start3A_3 = tpu.memref_slice %arg2[%dma_start3A_2, %mul3A_0] : memref<5x10240xf32, #tpu.memory_space<hbm>> -> memref<5x640xf32, #tpu.memory_space<hbm>>
    tpu.enqueue_dma source(%dma_start3A_3 : memref<5x640xf32, #tpu.memory_space<hbm>>) target(%arg11 : memref<5x640xf32, #tpu.memory_space<vmem>>) target_semaphore(%arg28 : memref<!tpu.dma_semaphore, #tpu.memory_space<semaphore_mem>>)
    %dma_start3A_4 = arith.constant 0 : i32
    %dma_start3A_5 = tpu.memref_slice %arg3[%dma_start3A_4, %mul3A_0] : memref<20x10240xf32, #tpu.memory_space<hbm>> -> memref<20x640xf32, #tpu.memory_space<hbm>>
    %dma_start3A_6 = arith.constant 0 : i32
    %dma_start3A_7 = tpu.memref_slice %arg3[%dma_start3A_6, %mul3A_0] : memref<20x10240xf32, #tpu.memory_space<hbm>> -> memref<20x640xf32, #tpu.memory_space<hbm>>
    tpu.enqueue_dma source(%dma_start3A_7 : memref<20x640xf32, #tpu.memory_space<hbm>>) target(%arg12 : memref<20x640xf32, #tpu.memory_space<vmem>>) target_semaphore(%arg28 : memref<!tpu.dma_semaphore, #tpu.memory_space<semaphore_mem>>)
    %dma_start3A_8 = arith.constant 0 : i32
    %dma_start3A_9 = tpu.memref_slice %arg4[%dma_start3A_8, %mul3A_0] : memref<4x10240xf32, #tpu.memory_space<hbm>> -> memref<4x640xf32, #tpu.memory_space<hbm>>
    %dma_start3A_10 = arith.constant 0 : i32
    %dma_start3A_11 = tpu.memref_slice %arg4[%dma_start3A_10, %mul3A_0] : memref<4x10240xf32, #tpu.memory_space<hbm>> -> memref<4x640xf32, #tpu.memory_space<hbm>>
    tpu.enqueue_dma source(%dma_start3A_11 : memref<4x640xf32, #tpu.memory_space<hbm>>) target(%arg13 : memref<4x640xf32, #tpu.memory_space<vmem>>) target_semaphore(%arg28 : memref<!tpu.dma_semaphore, #tpu.memory_space<semaphore_mem>>)
    %dma_wait3A = arith.constant 0 : i32
    %dma_wait3A_12 = tpu.memref_slice %arg2[%dma_wait3A, %mul3A_0] : memref<5x10240xf32, #tpu.memory_space<hbm>> -> memref<5x640xf32, #tpu.memory_space<hbm>>
    %dma_wait3A_13 = arith.constant 0 : i32
    %dma_wait3A_14 = tpu.memref_slice %arg2[%dma_wait3A_13, %mul3A_0] : memref<5x10240xf32, #tpu.memory_space<hbm>> -> memref<5x640xf32, #tpu.memory_space<hbm>>
    tpu.wait_dma2 semaphore(%arg28 : memref<!tpu.dma_semaphore, #tpu.memory_space<semaphore_mem>>) src(%dma_wait3A_14 : memref<5x640xf32, #tpu.memory_space<hbm>>) dst(%arg11 : memref<5x640xf32, #tpu.memory_space<vmem>>)
    %dma_wait3A_15 = arith.constant 0 : i32
    %dma_wait3A_16 = tpu.memref_slice %arg3[%dma_wait3A_15, %mul3A_0] : memref<20x10240xf32, #tpu.memory_space<hbm>> -> memref<20x640xf32, #tpu.memory_space<hbm>>
    %dma_wait3A_17 = arith.constant 0 : i32
    %dma_wait3A_18 = tpu.memref_slice %arg3[%dma_wait3A_17, %mul3A_0] : memref<20x10240xf32, #tpu.memory_space<hbm>> -> memref<20x640xf32, #tpu.memory_space<hbm>>
    tpu.wait_dma2 semaphore(%arg28 : memref<!tpu.dma_semaphore, #tpu.memory_space<semaphore_mem>>) src(%dma_wait3A_18 : memref<20x640xf32, #tpu.memory_space<hbm>>) dst(%arg12 : memref<20x640xf32, #tpu.memory_space<vmem>>)
    %dma_wait3A_19 = arith.constant 0 : i32
    %dma_wait3A_20 = tpu.memref_slice %arg4[%dma_wait3A_19, %mul3A_0] : memref<4x10240xf32, #tpu.memory_space<hbm>> -> memref<4x640xf32, #tpu.memory_space<hbm>>
    %dma_wait3A_21 = arith.constant 0 : i32
    %dma_wait3A_22 = tpu.memref_slice %arg4[%dma_wait3A_21, %mul3A_0] : memref<4x10240xf32, #tpu.memory_space<hbm>> -> memref<4x640xf32, #tpu.memory_space<hbm>>
    tpu.wait_dma2 semaphore(%arg28 : memref<!tpu.dma_semaphore, #tpu.memory_space<semaphore_mem>>) src(%dma_wait3A_22 : memref<4x640xf32, #tpu.memory_space<hbm>>) dst(%arg13 : memref<4x640xf32, #tpu.memory_space<vmem>>)
    %broadcast_in_dim3A = arith.constant 0.000000e+00 : f32
    %broadcast_in_dim3A_23 = vector.broadcast %broadcast_in_dim3A : f32 to vector<16xf32>
    %scan3A = arith.constant 0 : i32
    %scan3A_24 = arith.constant 40 : i32
    %scan3A_25 = arith.addi %scan3A, %scan3A_24 : i32
    %scan3A_26 = arith.constant 1 : i32
    %scan3A_27 = scf.for %scan3A_277 = %scan3A to %scan3A_25 step %scan3A_26 iter_args(%scan3A_278 = %broadcast_in_dim3A_23) -> (vector<16xf32>)  : i32 {
      %mul3A_279 = arith.constant 16 : i32
      %mul3A_280 = arith.muli %scan3A_277, %mul3A_279 : i32
      %get3A = arith.constant 0 : i32
      %get3A_281 = arith.index_cast %get3A : i32 to index
      %get3A_282 = arith.index_cast %mul3A_280 : i32 to index
      %get3A_283 = tpu.vector_load %arg13[%get3A_281, %get3A_282] {strides = array<i32>} : memref<4x640xf32, #tpu.memory_space<vmem>>, vector<16xf32>,
      %get3A_284 = arith.constant 1 : i32
      %get3A_285 = arith.index_cast %get3A_284 : i32 to index
      %get3A_286 = arith.index_cast %mul3A_280 : i32 to index
      %get3A_287 = tpu.vector_load %arg13[%get3A_285, %get3A_286] {strides = array<i32>} : memref<4x640xf32, #tpu.memory_space<vmem>>, vector<16xf32>,
      %get3A_288 = arith.constant 2 : i32
      %get3A_289 = arith.index_cast %get3A_288 : i32 to index
      %get3A_290 = arith.index_cast %mul3A_280 : i32 to index
      %get3A_291 = tpu.vector_load %arg13[%get3A_289, %get3A_290] {strides = array<i32>} : memref<4x640xf32, #tpu.memory_space<vmem>>, vector<16xf32>,
      %get3A_292 = arith.constant 3 : i32
      %get3A_293 = arith.index_cast %get3A_292 : i32 to index
      %get3A_294 = arith.index_cast %mul3A_280 : i32 to index
      %get3A_295 = tpu.vector_load %arg13[%get3A_293, %get3A_294] {strides = array<i32>} : memref<4x640xf32, #tpu.memory_space<vmem>>, vector<16xf32>,
      %sub3A = arith.subf %get3A_291, %get3A_283 : vector<16xf32>
      %sub3A_296 = arith.subf %get3A_295, %get3A_287 : vector<16xf32>
      %mul3A_297 = arith.constant 5.000000e-01 : f32
      %mul3A_298 = vector.broadcast %mul3A_297 : f32 to vector<16xf32>
      %mul3A_299 = arith.mulf %mul3A_298, %sub3A : vector<16xf32>
      %add3A_300 = arith.addf %get3A_283, %mul3A_299 : vector<16xf32>
      %mul3A_301 = arith.constant 5.000000e-01 : f32
      %mul3A_302 = vector.broadcast %mul3A_301 : f32 to vector<16xf32>
      %mul3A_303 = arith.mulf %mul3A_302, %sub3A_296 : vector<16xf32>
      %add3A_304 = arith.addf %get3A_287, %mul3A_303 : vector<16xf32>
      %get3A_305 = arith.constant 0 : i32
      %get3A_306 = arith.index_cast %get3A_305 : i32 to index
      %get3A_307 = arith.index_cast %mul3A_280 : i32 to index
      %get3A_308 = tpu.vector_load %arg11[%get3A_306, %get3A_307] {strides = array<i32>} : memref<5x640xf32, #tpu.memory_space<vmem>>, vector<16xf32>,
      %get3A_309 = arith.constant 1 : i32
      %get3A_310 = arith.index_cast %get3A_309 : i32 to index
      %get3A_311 = arith.index_cast %mul3A_280 : i32 to index
      %get3A_312 = tpu.vector_load %arg11[%get3A_310, %get3A_311] {strides = array<i32>} : memref<5x640xf32, #tpu.memory_space<vmem>>, vector<16xf32>,
      %get3A_313 = arith.constant 2 : i32
      %get3A_314 = arith.index_cast %get3A_313 : i32 to index
      %get3A_315 = arith.index_cast %mul3A_280 : i32 to index
      %get3A_316 = tpu.vector_load %arg11[%get3A_314, %get3A_315] {strides = array<i32>} : memref<5x640xf32, #tpu.memory_space<vmem>>, vector<16xf32>,
      %get3A_317 = arith.constant 3 : i32
      %get3A_318 = arith.index_cast %get3A_317 : i32 to index
      %get3A_319 = arith.index_cast %mul3A_280 : i32 to index
      %get3A_320 = tpu.vector_load %arg11[%get3A_318, %get3A_319] {strides = array<i32>} : memref<5x640xf32, #tpu.memory_space<vmem>>, vector<16xf32>,
      %get3A_321 = arith.constant 4 : i32
      %get3A_322 = arith.index_cast %get3A_321 : i32 to index
      %get3A_323 = arith.index_cast %mul3A_280 : i32 to index
      %get3A_324 = tpu.vector_load %arg11[%get3A_322, %get3A_323] {strides = array<i32>} : memref<5x640xf32, #tpu.memory_space<vmem>>, vector<16xf32>,
      %max3A = arith.maximumf %get3A_308, %get3A_312 : vector<16xf32>
      %max3A_325 = arith.maximumf %get3A_316, %get3A_320 : vector<16xf32>
      %max3A_326 = arith.maximumf %max3A, %max3A_325 : vector<16xf32>
      %max3A_327 = arith.maximumf %max3A_326, %get3A_324 : vector<16xf32>
      %sub3A_328 = arith.subf %get3A_308, %max3A_327 : vector<16xf32>
      %exp3A = math.exp %sub3A_328 : vector<16xf32>
      %sub3A_329 = arith.subf %get3A_312, %max3A_327 : vector<16xf32>
      %exp3A_330 = math.exp %sub3A_329 : vector<16xf32>
      %sub3A_331 = arith.subf %get3A_316, %max3A_327 : vector<16xf32>
      %exp3A_332 = math.exp %sub3A_331 : vector<16xf32>
      %sub3A_333 = arith.subf %get3A_320, %max3A_327 : vector<16xf32>
      %exp3A_334 = math.exp %sub3A_333 : vector<16xf32>
      %sub3A_335 = arith.subf %get3A_324, %max3A_327 : vector<16xf32>
      %exp3A_336 = math.exp %sub3A_335 : vector<16xf32>
      %add3A_337 = arith.addf %exp3A, %exp3A_330 : vector<16xf32>
      %add3A_338 = arith.addf %add3A_337, %exp3A_332 : vector<16xf32>
      %add3A_339 = arith.addf %add3A_338, %exp3A_334 : vector<16xf32>
      %add3A_340 = arith.addf %add3A_339, %exp3A_336 : vector<16xf32>
      %mul3A_341 = arith.constant 16 : i32
      %mul3A_342 = arith.muli %scan3A_277, %mul3A_341 : i32
      %add3A_343 = arith.addi %mul3A_0, %mul3A_342 : i32
      %add3A_344 = vector.broadcast %add3A_343 : i32 to vector<16xi32>
      %add3A_345 = arith.addi %add3A_344, %iota3A : vector<16xi32>
      %lt3A = arith.constant 10000 : i32
      %lt3A_346 = vector.broadcast %lt3A : i32 to vector<16xi32>
      %lt3A_347 = arith.cmpi slt, %add3A_345, %lt3A_346 : vector<16xi32>
      %get3A_348 = arith.constant 4 : i32
      %get3A_349 = arith.index_cast %get3A_348 : i32 to index
      %get3A_350 = arith.index_cast %mul3A_280 : i32 to index
      %get3A_351 = tpu.vector_load %arg12[%get3A_349, %get3A_350] {strides = array<i32>} : memref<20x640xf32, #tpu.memory_space<vmem>>, vector<16xf32>,
      %div3A = arith.constant 1.000000e+01 : f32
      %div3A_352 = vector.broadcast %div3A : f32 to vector<16xf32>
      %div3A_353 = arith.divf %get3A_351, %div3A_352 : vector<16xf32>
      %get3A_354 = arith.constant 5 : i32
      %get3A_355 = arith.index_cast %get3A_354 : i32 to index
      %get3A_356 = arith.index_cast %mul3A_280 : i32 to index
      %get3A_357 = tpu.vector_load %arg12[%get3A_355, %get3A_356] {strides = array<i32>} : memref<20x640xf32, #tpu.memory_space<vmem>>, vector<16xf32>,
      %div3A_358 = arith.constant 1.000000e+01 : f32
      %div3A_359 = vector.broadcast %div3A_358 : f32 to vector<16xf32>
      %div3A_360 = arith.divf %get3A_357, %div3A_359 : vector<16xf32>
      %get3A_361 = arith.constant 6 : i32
      %get3A_362 = arith.index_cast %get3A_361 : i32 to index
      %get3A_363 = arith.index_cast %mul3A_280 : i32 to index
      %get3A_364 = tpu.vector_load %arg12[%get3A_362, %get3A_363] {strides = array<i32>} : memref<20x640xf32, #tpu.memory_space<vmem>>, vector<16xf32>,
      %div3A_365 = arith.constant 5.000000e+00 : f32
      %div3A_366 = vector.broadcast %div3A_365 : f32 to vector<16xf32>
      %div3A_367 = arith.divf %get3A_364, %div3A_366 : vector<16xf32>
      %min3A = arith.constant 4.13516665 : f32
      %min3A_368 = vector.broadcast %min3A : f32 to vector<16xf32>
      %min3A_369 = arith.minimumf %div3A_367, %min3A_368 : vector<16xf32>
      %get3A_370 = arith.constant 7 : i32
      %get3A_371 = arith.index_cast %get3A_370 : i32 to index
      %get3A_372 = arith.index_cast %mul3A_280 : i32 to index
      %get3A_373 = tpu.vector_load %arg12[%get3A_371, %get3A_372] {strides = array<i32>} : memref<20x640xf32, #tpu.memory_space<vmem>>, vector<16xf32>,
      %div3A_374 = arith.constant 5.000000e+00 : f32
      %div3A_375 = vector.broadcast %div3A_374 : f32 to vector<16xf32>
      %div3A_376 = arith.divf %get3A_373, %div3A_375 : vector<16xf32>
      %min3A_377 = arith.constant 4.13516665 : f32
      %min3A_378 = vector.broadcast %min3A_377 : f32 to vector<16xf32>
      %min3A_379 = arith.minimumf %div3A_376, %min3A_378 : vector<16xf32>
      %mul3A_380 = arith.mulf %div3A_353, %sub3A : vector<16xf32>
      %add3A_381 = arith.addf %mul3A_380, %add3A_300 : vector<16xf32>
      %mul3A_382 = arith.mulf %div3A_360, %sub3A_296 : vector<16xf32>
      %add3A_383 = arith.addf %mul3A_382, %add3A_304 : vector<16xf32>
      %exp3A_384 = math.exp %min3A_369 : vector<16xf32>
      %mul3A_385 = arith.mulf %exp3A_384, %sub3A : vector<16xf32>
      %exp3A_386 = math.exp %min3A_379 : vector<16xf32>
      %mul3A_387 = arith.mulf %exp3A_386, %sub3A_296 : vector<16xf32>
      %mul3A_388 = arith.constant 5.000000e-01 : f32
      %mul3A_389 = vector.broadcast %mul3A_388 : f32 to vector<16xf32>
      %mul3A_390 = arith.mulf %mul3A_389, %mul3A_385 : vector<16xf32>
      %sub3A_391 = arith.subf %add3A_381, %mul3A_390 : vector<16xf32>
      %jit3A = arith.constant 0.000000e+00 : f32
      %jit3A_392 = arith.constant 5.120000e+02 : f32
      %max3A_393 = vector.broadcast %jit3A : f32 to vector<16xf32>
      %max3A_394 = arith.maximumf %max3A_393, %sub3A_391 : vector<16xf32>
      %min3A_395 = vector.broadcast %jit3A_392 : f32 to vector<16xf32>
      %min3A_396 = arith.minimumf %min3A_395, %max3A_394 : vector<16xf32>
      %mul3A_397 = arith.constant 5.000000e-01 : f32
      %mul3A_398 = vector.broadcast %mul3A_397 : f32 to vector<16xf32>
      %mul3A_399 = arith.mulf %mul3A_398, %mul3A_385 : vector<16xf32>
      %add3A_400 = arith.addf %add3A_381, %mul3A_399 : vector<16xf32>
      %jit3A_401 = arith.constant 0.000000e+00 : f32
      %jit3A_402 = arith.constant 5.120000e+02 : f32
      %max3A_403 = vector.broadcast %jit3A_401 : f32 to vector<16xf32>
      %max3A_404 = arith.maximumf %max3A_403, %add3A_400 : vector<16xf32>
      %min3A_405 = vector.broadcast %jit3A_402 : f32 to vector<16xf32>
      %min3A_406 = arith.minimumf %min3A_405, %max3A_404 : vector<16xf32>
      %mul3A_407 = arith.constant 5.000000e-01 : f32
      %mul3A_408 = vector.broadcast %mul3A_407 : f32 to vector<16xf32>
      %mul3A_409 = arith.mulf %mul3A_408, %mul3A_387 : vector<16xf32>
      %sub3A_410 = arith.subf %add3A_383, %mul3A_409 : vector<16xf32>
      %jit3A_411 = arith.constant 0.000000e+00 : f32
      %jit3A_412 = arith.constant 5.120000e+02 : f32
      %max3A_413 = vector.broadcast %jit3A_411 : f32 to vector<16xf32>
      %max3A_414 = arith.maximumf %max3A_413, %sub3A_410 : vector<16xf32>
      %min3A_415 = vector.broadcast %jit3A_412 : f32 to vector<16xf32>
      %min3A_416 = arith.minimumf %min3A_415, %max3A_414 : vector<16xf32>
      %mul3A_417 = arith.constant 5.000000e-01 : f32
      %mul3A_418 = vector.broadcast %mul3A_417 : f32 to vector<16xf32>
      %mul3A_419 = arith.mulf %mul3A_418, %mul3A_387 : vector<16xf32>
      %add3A_420 = arith.addf %add3A_383, %mul3A_419 : vector<16xf32>
      %jit3A_421 = arith.constant 0.000000e+00 : f32
      %jit3A_422 = arith.constant 5.120000e+02 : f32
      %max3A_423 = vector.broadcast %jit3A_421 : f32 to vector<16xf32>
      %max3A_424 = arith.maximumf %max3A_423, %add3A_420 : vector<16xf32>
      %min3A_425 = vector.broadcast %jit3A_422 : f32 to vector<16xf32>
      %min3A_426 = arith.minimumf %min3A_425, %max3A_424 : vector<16xf32>
      %div3A_427 = arith.divf %exp3A_330, %add3A_340 : vector<16xf32>
      %gt3A = arith.constant 5.000000e-02 : f32
      %gt3A_428 = vector.broadcast %gt3A : f32 to vector<16xf32>
      %gt3A_429 = arith.cmpf ogt, %div3A_427, %gt3A_428 : vector<16xf32>
      %sub3A_430 = arith.subf %min3A_406, %min3A_396 : vector<16xf32>
      %ge3A = arith.constant 0.00999999977 : f32
      %ge3A_431 = vector.broadcast %ge3A : f32 to vector<16xf32>
      %ge3A_432 = arith.cmpf oge, %sub3A_430, %ge3A_431 : vector<16xf32>
      %and3A = arith.andi %gt3A_429, %ge3A_432 : vector<16xi1>
      %sub3A_433 = arith.subf %min3A_426, %min3A_416 : vector<16xf32>
      %ge3A_434 = arith.constant 0.00999999977 : f32
      %ge3A_435 = vector.broadcast %ge3A_434 : f32 to vector<16xf32>
      %ge3A_436 = arith.cmpf oge, %sub3A_433, %ge3A_435 : vector<16xf32>
      %and3A_437 = arith.andi %and3A, %ge3A_436 : vector<16xi1>
      %and3A_438 = arith.andi %and3A_437, %lt3A_347 : vector<16xi1>
      %jit3A_439 = arith.constant -1.000000e+00 : f32
      %broadcast_in_dim3A_440 = vector.broadcast %jit3A_439 : f32 to vector<16xf32>
      %select_n3A = arith.select %and3A_438, %div3A_427, %broadcast_in_dim3A_440 : vector<16xi1>, vector<16xf32>
      %add3A_441 = arith.constant 0 : i32
      %add3A_442 = arith.addi %add3A_441, %scan3A_277 : i32
      %reduce_max3A = arith.constant true
      %reduce_max3A_443 = vector.broadcast %reduce_max3A : i1 to vector<16xi1>
      %reduce_max3A_444 = tpu.scan <max>, %select_n3A masked %reduce_max3A_443 : vector<16xf32>, vector<16xi1> -> vector<16xf32>
      %reduce_max3A_445 = vector.extract %reduce_max3A_444[15] : f32 from vector<16xf32>
      %broadcast_in_dim3A_446 = vector.broadcast %add3A_442 : i32 to vector<16xi32>
      %broadcast_in_dim3A_447 = vector.broadcast %reduce_max3A_445 : f32 to vector<16xf32>
      %eq3A_448 = arith.constant 0 : i32
      %eq3A_449 = vector.broadcast %eq3A_448 : i32 to vector<16xi32>
      %eq3A_450 = arith.cmpi eq, %iota3A, %eq3A_449 : vector<16xi32>
      tpu.vector_store_idx %arg17[%broadcast_in_dim3A_446], %broadcast_in_dim3A_447 masked %eq3A_450 : memref<160xf32, #tpu.memory_space<vmem>>[vector<16xi32>], vector<16xf32>, vector<16xi1>
      %swap3A_451 = arith.constant 0 : i32
      %swap3A_452 = arith.index_cast %swap3A_451 : i32 to index
      %swap3A_453 = arith.index_cast %mul3A_280 : i32 to index
      %swap3A_454 = tpu.vector_load %arg14[%swap3A_452, %swap3A_453] {strides = array<i32>} : memref<4x640xf32, #tpu.memory_space<vmem>>, vector<16xf32>,
      tpu.vector_store %arg14[%swap3A_452, %swap3A_453], %select_n3A {strides = array<i32>} : memref<4x640xf32, #tpu.memory_space<vmem>>, vector<16xf32>,
      %mul3A_455 = arith.constant 64 : i32
      %mul3A_456 = arith.muli %scan3A_277, %mul3A_455 : i32
      %swap3A_457 = arith.constant 0 : i32
      %swap3A_458 = arith.index_cast %swap3A_457 : i32 to index
      %swap3A_459 = arith.index_cast %mul3A_456 : i32 to index
      %swap3A_460 = tpu.vector_load %arg15[%swap3A_458, %swap3A_459] {strides = array<i32>} : memref<4x2560xf32, #tpu.memory_space<vmem>>, vector<16xf32>,
      tpu.vector_store %arg15[%swap3A_458, %swap3A_459], %min3A_396 {strides = array<i32>} : memref<4x2560xf32, #tpu.memory_space<vmem>>, vector<16xf32>,
      %mul3A_461 = arith.constant 64 : i32
      %mul3A_462 = arith.muli %scan3A_277, %mul3A_461 : i32
      %add3A_463 = arith.constant 16 : i32
      %add3A_464 = arith.addi %mul3A_462, %add3A_463 : i32
      %swap3A_465 = arith.constant 0 : i32
      %swap3A_466 = arith.index_cast %swap3A_465 : i32 to index
      %swap3A_467 = arith.index_cast %add3A_464 : i32 to index
      %swap3A_468 = tpu.vector_load %arg15[%swap3A_466, %swap3A_467] {strides = array<i32>} : memref<4x2560xf32, #tpu.memory_space<vmem>>, vector<16xf32>,
      tpu.vector_store %arg15[%swap3A_466, %swap3A_467], %min3A_416 {strides = array<i32>} : memref<4x2560xf32, #tpu.memory_space<vmem>>, vector<16xf32>,
      %mul3A_469 = arith.constant 64 : i32
      %mul3A_470 = arith.muli %scan3A_277, %mul3A_469 : i32
      %add3A_471 = arith.constant 32 : i32
      %add3A_472 = arith.addi %mul3A_470, %add3A_471 : i32
      %swap3A_473 = arith.constant 0 : i32
      %swap3A_474 = arith.index_cast %swap3A_473 : i32 to index
      %swap3A_475 = arith.index_cast %add3A_472 : i32 to index
      %swap3A_476 = tpu.vector_load %arg15[%swap3A_474, %swap3A_475] {strides = array<i32>} : memref<4x2560xf32, #tpu.memory_space<vmem>>, vector<16xf32>,
      tpu.vector_store %arg15[%swap3A_474, %swap3A_475], %min3A_406 {strides = array<i32>} : memref<4x2560xf32, #tpu.memory_space<vmem>>, vector<16xf32>,
      %mul3A_477 = arith.constant 64 : i32
      %mul3A_478 = arith.muli %scan3A_277, %mul3A_477 : i32
      %add3A_479 = arith.constant 48 : i32
      %add3A_480 = arith.addi %mul3A_478, %add3A_479 : i32
      %swap3A_481 = arith.constant 0 : i32
      %swap3A_482 = arith.index_cast %swap3A_481 : i32 to index
      %swap3A_483 = arith.index_cast %add3A_480 : i32 to index
      %swap3A_484 = tpu.vector_load %arg15[%swap3A_482, %swap3A_483] {strides = array<i32>} : memref<4x2560xf32, #tpu.memory_space<vmem>>, vector<16xf32>,
      tpu.vector_store %arg15[%swap3A_482, %swap3A_483], %min3A_426 {strides = array<i32>} : memref<4x2560xf32, #tpu.memory_space<vmem>>, vector<16xf32>,
      %max3A_485 = arith.maximumf %min3A_396, %min3A_406 : vector<16xf32>
      %max3A_486 = arith.maximumf %min3A_416, %min3A_426 : vector<16xf32>
      %max3A_487 = arith.maximumf %max3A_485, %max3A_486 : vector<16xf32>
      %max3A_488 = arith.maximumf %scan3A_278, %max3A_487 : vector<16xf32>
      %get3A_489 = arith.constant 8 : i32
      %get3A_490 = arith.index_cast %get3A_489 : i32 to index
      %get3A_491 = arith.index_cast %mul3A_280 : i32 to index
      %get3A_492 = tpu.vector_load %arg12[%get3A_490, %get3A_491] {strides = array<i32>} : memref<20x640xf32, #tpu.memory_space<vmem>>, vector<16xf32>,
      %div3A_493 = arith.constant 1.000000e+01 : f32
      %div3A_494 = vector.broadcast %div3A_493 : f32 to vector<16xf32>
      %div3A_495 = arith.divf %get3A_492, %div3A_494 : vector<16xf32>
      %get3A_496 = arith.constant 9 : i32
      %get3A_497 = arith.index_cast %get3A_496 : i32 to index
      %get3A_498 = arith.index_cast %mul3A_280 : i32 to index
      %get3A_499 = tpu.vector_load %arg12[%get3A_497, %get3A_498] {strides = array<i32>} : memref<20x640xf32, #tpu.memory_space<vmem>>, vector<16xf32>,
      %div3A_500 = arith.constant 1.000000e+01 : f32
      %div3A_501 = vector.broadcast %div3A_500 : f32 to vector<16xf32>
      %div3A_502 = arith.divf %get3A_499, %div3A_501 : vector<16xf32>
      %get3A_503 = arith.constant 10 : i32
      %get3A_504 = arith.index_cast %get3A_503 : i32 to index
      %get3A_505 = arith.index_cast %mul3A_280 : i32 to index
      %get3A_506 = tpu.vector_load %arg12[%get3A_504, %get3A_505] {strides = array<i32>} : memref<20x640xf32, #tpu.memory_space<vmem>>, vector<16xf32>,
      %div3A_507 = arith.constant 5.000000e+00 : f32
      %div3A_508 = vector.broadcast %div3A_507 : f32 to vector<16xf32>
      %div3A_509 = arith.divf %get3A_506, %div3A_508 : vector<16xf32>
      %min3A_510 = arith.constant 4.13516665 : f32
      %min3A_511 = vector.broadcast %min3A_510 : f32 to vector<16xf32>
      %min3A_512 = arith.minimumf %div3A_509, %min3A_511 : vector<16xf32>
      %get3A_513 = arith.constant 11 : i32
      %get3A_514 = arith.index_cast %get3A_513 : i32 to index
      %get3A_515 = arith.index_cast %mul3A_280 : i32 to index
      %get3A_516 = tpu.vector_load %arg12[%get3A_514, %get3A_515] {strides = array<i32>} : memref<20x640xf32, #tpu.memory_space<vmem>>, vector<16xf32>,
      %div3A_517 = arith.constant 5.000000e+00 : f32
      %div3A_518 = vector.broadcast %div3A_517 : f32 to vector<16xf32>
      %div3A_519 = arith.divf %get3A_516, %div3A_518 : vector<16xf32>
      %min3A_520 = arith.constant 4.13516665 : f32
      %min3A_521 = vector.broadcast %min3A_520 : f32 to vector<16xf32>
      %min3A_522 = arith.minimumf %div3A_519, %min3A_521 : vector<16xf32>
      %mul3A_523 = arith.mulf %div3A_495, %sub3A : vector<16xf32>
      %add3A_524 = arith.addf %mul3A_523, %add3A_300 : vector<16xf32>
      %mul3A_525 = arith.mulf %div3A_502, %sub3A_296 : vector<16xf32>
      %add3A_526 = arith.addf %mul3A_525, %add3A_304 : vector<16xf32>
      %exp3A_527 = math.exp %min3A_512 : vector<16xf32>
      %mul3A_528 = arith.mulf %exp3A_527, %sub3A : vector<16xf32>
      %exp3A_529 = math.exp %min3A_522 : vector<16xf32>
      %mul3A_530 = arith.mulf %exp3A_529, %sub3A_296 : vector<16xf32>
      %mul3A_531 = arith.constant 5.000000e-01 : f32
      %mul3A_532 = vector.broadcast %mul3A_531 : f32 to vector<16xf32>
      %mul3A_533 = arith.mulf %mul3A_532, %mul3A_528 : vector<16xf32>
      %sub3A_534 = arith.subf %add3A_524, %mul3A_533 : vector<16xf32>
      %jit3A_535 = arith.constant 0.000000e+00 : f32
      %jit3A_536 = arith.constant 5.120000e+02 : f32
      %max3A_537 = vector.broadcast %jit3A_535 : f32 to vector<16xf32>
      %max3A_538 = arith.maximumf %max3A_537, %sub3A_534 : vector<16xf32>
      %min3A_539 = vector.broadcast %jit3A_536 : f32 to vector<16xf32>
      %min3A_540 = arith.minimumf %min3A_539, %max3A_538 : vector<16xf32>
      %mul3A_541 = arith.constant 5.000000e-01 : f32
      %mul3A_542 = vector.broadcast %mul3A_541 : f32 to vector<16xf32>
      %mul3A_543 = arith.mulf %mul3A_542, %mul3A_528 : vector<16xf32>
      %add3A_544 = arith.addf %add3A_524, %mul3A_543 : vector<16xf32>
      %jit3A_545 = arith.constant 0.000000e+00 : f32
      %jit3A_546 = arith.constant 5.120000e+02 : f32
      %max3A_547 = vector.broadcast %jit3A_545 : f32 to vector<16xf32>
      %max3A_548 = arith.maximumf %max3A_547, %add3A_544 : vector<16xf32>
      %min3A_549 = vector.broadcast %jit3A_546 : f32 to vector<16xf32>
      %min3A_550 = arith.minimumf %min3A_549, %max3A_548 : vector<16xf32>
      %mul3A_551 = arith.constant 5.000000e-01 : f32
      %mul3A_552 = vector.broadcast %mul3A_551 : f32 to vector<16xf32>
      %mul3A_553 = arith.mulf %mul3A_552, %mul3A_530 : vector<16xf32>
      %sub3A_554 = arith.subf %add3A_526, %mul3A_553 : vector<16xf32>
      %jit3A_555 = arith.constant 0.000000e+00 : f32
      %jit3A_556 = arith.constant 5.120000e+02 : f32
      %max3A_557 = vector.broadcast %jit3A_555 : f32 to vector<16xf32>
      %max3A_558 = arith.maximumf %max3A_557, %sub3A_554 : vector<16xf32>
      %min3A_559 = vector.broadcast %jit3A_556 : f32 to vector<16xf32>
      %min3A_560 = arith.minimumf %min3A_559, %max3A_558 : vector<16xf32>
      %mul3A_561 = arith.constant 5.000000e-01 : f32
      %mul3A_562 = vector.broadcast %mul3A_561 : f32 to vector<16xf32>
      %mul3A_563 = arith.mulf %mul3A_562, %mul3A_530 : vector<16xf32>
      %add3A_564 = arith.addf %add3A_526, %mul3A_563 : vector<16xf32>
      %jit3A_565 = arith.constant 0.000000e+00 : f32
      %jit3A_566 = arith.constant 5.120000e+02 : f32
      %max3A_567 = vector.broadcast %jit3A_565 : f32 to vector<16xf32>
      %max3A_568 = arith.maximumf %max3A_567, %add3A_564 : vector<16xf32>
      %min3A_569 = vector.broadcast %jit3A_566 : f32 to vector<16xf32>
      %min3A_570 = arith.minimumf %min3A_569, %max3A_568 : vector<16xf32>
      %div3A_571 = arith.divf %exp3A_332, %add3A_340 : vector<16xf32>
      %gt3A_572 = arith.constant 5.000000e-02 : f32
      %gt3A_573 = vector.broadcast %gt3A_572 : f32 to vector<16xf32>
      %gt3A_574 = arith.cmpf ogt, %div3A_571, %gt3A_573 : vector<16xf32>
      %sub3A_575 = arith.subf %min3A_550, %min3A_540 : vector<16xf32>
      %ge3A_576 = arith.constant 0.00999999977 : f32
      %ge3A_577 = vector.broadcast %ge3A_576 : f32 to vector<16xf32>
      %ge3A_578 = arith.cmpf oge, %sub3A_575, %ge3A_577 : vector<16xf32>
      %and3A_579 = arith.andi %gt3A_574, %ge3A_578 : vector<16xi1>
      %sub3A_580 = arith.subf %min3A_570, %min3A_560 : vector<16xf32>
      %ge3A_581 = arith.constant 0.00999999977 : f32
      %ge3A_582 = vector.broadcast %ge3A_581 : f32 to vector<16xf32>
      %ge3A_583 = arith.cmpf oge, %sub3A_580, %ge3A_582 : vector<16xf32>
      %and3A_584 = arith.andi %and3A_579, %ge3A_583 : vector<16xi1>
      %and3A_585 = arith.andi %and3A_584, %lt3A_347 : vector<16xi1>
      %jit3A_586 = arith.constant -1.000000e+00 : f32
      %broadcast_in_dim3A_587 = vector.broadcast %jit3A_586 : f32 to vector<16xf32>
      %select_n3A_588 = arith.select %and3A_585, %div3A_571, %broadcast_in_dim3A_587 : vector<16xi1>, vector<16xf32>
      %add3A_589 = arith.constant 40 : i32
      %add3A_590 = arith.addi %add3A_589, %scan3A_277 : i32
      %reduce_max3A_591 = arith.constant true
      %reduce_max3A_592 = vector.broadcast %reduce_max3A_591 : i1 to vector<16xi1>
      %reduce_max3A_593 = tpu.scan <max>, %select_n3A_588 masked %reduce_max3A_592 : vector<16xf32>, vector<16xi1> -> vector<16xf32>
      %reduce_max3A_594 = vector.extract %reduce_max3A_593[15] : f32 from vector<16xf32>
      %broadcast_in_dim3A_595 = vector.broadcast %add3A_590 : i32 to vector<16xi32>
      %broadcast_in_dim3A_596 = vector.broadcast %reduce_max3A_594 : f32 to vector<16xf32>
      %eq3A_597 = arith.constant 0 : i32
      %eq3A_598 = vector.broadcast %eq3A_597 : i32 to vector<16xi32>
      %eq3A_599 = arith.cmpi eq, %iota3A, %eq3A_598 : vector<16xi32>
      tpu.vector_store_idx %arg17[%broadcast_in_dim3A_595], %broadcast_in_dim3A_596 masked %eq3A_599 : memref<160xf32, #tpu.memory_space<vmem>>[vector<16xi32>], vector<16xf32>, vector<16xi1>
      %swap3A_600 = arith.constant 1 : i32
      %swap3A_601 = arith.index_cast %swap3A_600 : i32 to index
      %swap3A_602 = arith.index_cast %mul3A_280 : i32 to index
      %swap3A_603 = tpu.vector_load %arg14[%swap3A_601, %swap3A_602] {strides = array<i32>} : memref<4x640xf32, #tpu.memory_space<vmem>>, vector<16xf32>,
      tpu.vector_store %arg14[%swap3A_601, %swap3A_602], %select_n3A_588 {strides = array<i32>} : memref<4x640xf32, #tpu.memory_space<vmem>>, vector<16xf32>,
      %mul3A_604 = arith.constant 64 : i32
      %mul3A_605 = arith.muli %scan3A_277, %mul3A_604 : i32
      %swap3A_606 = arith.constant 1 : i32
      %swap3A_607 = arith.index_cast %swap3A_606 : i32 to index
      %swap3A_608 = arith.index_cast %mul3A_605 : i32 to index
      %swap3A_609 = tpu.vector_load %arg15[%swap3A_607, %swap3A_608] {strides = array<i32>} : memref<4x2560xf32, #tpu.memory_space<vmem>>, vector<16xf32>,
      tpu.vector_store %arg15[%swap3A_607, %swap3A_608], %min3A_540 {strides = array<i32>} : memref<4x2560xf32, #tpu.memory_space<vmem>>, vector<16xf32>,
      %mul3A_610 = arith.constant 64 : i32
      %mul3A_611 = arith.muli %scan3A_277, %mul3A_610 : i32
      %add3A_612 = arith.constant 16 : i32
      %add3A_613 = arith.addi %mul3A_611, %add3A_612 : i32
      %swap3A_614 = arith.constant 1 : i32
      %swap3A_615 = arith.index_cast %swap3A_614 : i32 to index
      %swap3A_616 = arith.index_cast %add3A_613 : i32 to index
      %swap3A_617 = tpu.vector_load %arg15[%swap3A_615, %swap3A_616] {strides = array<i32>} : memref<4x2560xf32, #tpu.memory_space<vmem>>, vector<16xf32>,
      tpu.vector_store %arg15[%swap3A_615, %swap3A_616], %min3A_560 {strides = array<i32>} : memref<4x2560xf32, #tpu.memory_space<vmem>>, vector<16xf32>,
      %mul3A_618 = arith.constant 64 : i32
      %mul3A_619 = arith.muli %scan3A_277, %mul3A_618 : i32
      %add3A_620 = arith.constant 32 : i32
      %add3A_621 = arith.addi %mul3A_619, %add3A_620 : i32
      %swap3A_622 = arith.constant 1 : i32
      %swap3A_623 = arith.index_cast %swap3A_622 : i32 to index
      %swap3A_624 = arith.index_cast %add3A_621 : i32 to index
      %swap3A_625 = tpu.vector_load %arg15[%swap3A_623, %swap3A_624] {strides = array<i32>} : memref<4x2560xf32, #tpu.memory_space<vmem>>, vector<16xf32>,
      tpu.vector_store %arg15[%swap3A_623, %swap3A_624], %min3A_550 {strides = array<i32>} : memref<4x2560xf32, #tpu.memory_space<vmem>>, vector<16xf32>,
      %mul3A_626 = arith.constant 64 : i32
      %mul3A_627 = arith.muli %scan3A_277, %mul3A_626 : i32
      %add3A_628 = arith.constant 48 : i32
      %add3A_629 = arith.addi %mul3A_627, %add3A_628 : i32
      %swap3A_630 = arith.constant 1 : i32
      %swap3A_631 = arith.index_cast %swap3A_630 : i32 to index
      %swap3A_632 = arith.index_cast %add3A_629 : i32 to index
      %swap3A_633 = tpu.vector_load %arg15[%swap3A_631, %swap3A_632] {strides = array<i32>} : memref<4x2560xf32, #tpu.memory_space<vmem>>, vector<16xf32>,
      tpu.vector_store %arg15[%swap3A_631, %swap3A_632], %min3A_570 {strides = array<i32>} : memref<4x2560xf32, #tpu.memory_space<vmem>>, vector<16xf32>,
      %max3A_634 = arith.maximumf %min3A_540, %min3A_550 : vector<16xf32>
      %max3A_635 = arith.maximumf %min3A_560, %min3A_570 : vector<16xf32>
      %max3A_636 = arith.maximumf %max3A_634, %max3A_635 : vector<16xf32>
      %max3A_637 = arith.maximumf %max3A_488, %max3A_636 : vector<16xf32>
      %get3A_638 = arith.constant 12 : i32
      %get3A_639 = arith.index_cast %get3A_638 : i32 to index
      %get3A_640 = arith.index_cast %mul3A_280 : i32 to index
      %get3A_641 = tpu.vector_load %arg12[%get3A_639, %get3A_640] {strides = array<i32>} : memref<20x640xf32, #tpu.memory_space<vmem>>, vector<16xf32>,
      %div3A_642 = arith.constant 1.000000e+01 : f32
      %div3A_643 = vector.broadcast %div3A_642 : f32 to vector<16xf32>
      %div3A_644 = arith.divf %get3A_641, %div3A_643 : vector<16xf32>
      %get3A_645 = arith.constant 13 : i32
      %get3A_646 = arith.index_cast %get3A_645 : i32 to index
      %get3A_647 = arith.index_cast %mul3A_280 : i32 to index
      %get3A_648 = tpu.vector_load %arg12[%get3A_646, %get3A_647] {strides = array<i32>} : memref<20x640xf32, #tpu.memory_space<vmem>>, vector<16xf32>,
      %div3A_649 = arith.constant 1.000000e+01 : f32
      %div3A_650 = vector.broadcast %div3A_649 : f32 to vector<16xf32>
      %div3A_651 = arith.divf %get3A_648, %div3A_650 : vector<16xf32>
      %get3A_652 = arith.constant 14 : i32
      %get3A_653 = arith.index_cast %get3A_652 : i32 to index
      %get3A_654 = arith.index_cast %mul3A_280 : i32 to index
      %get3A_655 = tpu.vector_load %arg12[%get3A_653, %get3A_654] {strides = array<i32>} : memref<20x640xf32, #tpu.memory_space<vmem>>, vector<16xf32>,
      %div3A_656 = arith.constant 5.000000e+00 : f32
      %div3A_657 = vector.broadcast %div3A_656 : f32 to vector<16xf32>
      %div3A_658 = arith.divf %get3A_655, %div3A_657 : vector<16xf32>
      %min3A_659 = arith.constant 4.13516665 : f32
      %min3A_660 = vector.broadcast %min3A_659 : f32 to vector<16xf32>
      %min3A_661 = arith.minimumf %div3A_658, %min3A_660 : vector<16xf32>
      %get3A_662 = arith.constant 15 : i32
      %get3A_663 = arith.index_cast %get3A_662 : i32 to index
      %get3A_664 = arith.index_cast %mul3A_280 : i32 to index
      %get3A_665 = tpu.vector_load %arg12[%get3A_663, %get3A_664] {strides = array<i32>} : memref<20x640xf32, #tpu.memory_space<vmem>>, vector<16xf32>,
      %div3A_666 = arith.constant 5.000000e+00 : f32
      %div3A_667 = vector.broadcast %div3A_666 : f32 to vector<16xf32>
      %div3A_668 = arith.divf %get3A_665, %div3A_667 : vector<16xf32>
      %min3A_669 = arith.constant 4.13516665 : f32
      %min3A_670 = vector.broadcast %min3A_669 : f32 to vector<16xf32>
      %min3A_671 = arith.minimumf %div3A_668, %min3A_670 : vector<16xf32>
      %mul3A_672 = arith.mulf %div3A_644, %sub3A : vector<16xf32>
      %add3A_673 = arith.addf %mul3A_672, %add3A_300 : vector<16xf32>
      %mul3A_674 = arith.mulf %div3A_651, %sub3A_296 : vector<16xf32>
      %add3A_675 = arith.addf %mul3A_674, %add3A_304 : vector<16xf32>
      %exp3A_676 = math.exp %min3A_661 : vector<16xf32>
      %mul3A_677 = arith.mulf %exp3A_676, %sub3A : vector<16xf32>
      %exp3A_678 = math.exp %min3A_671 : vector<16xf32>
      %mul3A_679 = arith.mulf %exp3A_678, %sub3A_296 : vector<16xf32>
      %mul3A_680 = arith.constant 5.000000e-01 : f32
      %mul3A_681 = vector.broadcast %mul3A_680 : f32 to vector<16xf32>
      %mul3A_682 = arith.mulf %mul3A_681, %mul3A_677 : vector<16xf32>
      %sub3A_683 = arith.subf %add3A_673, %mul3A_682 : vector<16xf32>
      %jit3A_684 = arith.constant 0.000000e+00 : f32
      %jit3A_685 = arith.constant 5.120000e+02 : f32
      %max3A_686 = vector.broadcast %jit3A_684 : f32 to vector<16xf32>
      %max3A_687 = arith.maximumf %max3A_686, %sub3A_683 : vector<16xf32>
      %min3A_688 = vector.broadcast %jit3A_685 : f32 to vector<16xf32>
      %min3A_689 = arith.minimumf %min3A_688, %max3A_687 : vector<16xf32>
      %mul3A_690 = arith.constant 5.000000e-01 : f32
      %mul3A_691 = vector.broadcast %mul3A_690 : f32 to vector<16xf32>
      %mul3A_692 = arith.mulf %mul3A_691, %mul3A_677 : vector<16xf32>
      %add3A_693 = arith.addf %add3A_673, %mul3A_692 : vector<16xf32>
      %jit3A_694 = arith.constant 0.000000e+00 : f32
      %jit3A_695 = arith.constant 5.120000e+02 : f32
      %max3A_696 = vector.broadcast %jit3A_694 : f32 to vector<16xf32>
      %max3A_697 = arith.maximumf %max3A_696, %add3A_693 : vector<16xf32>
      %min3A_698 = vector.broadcast %jit3A_695 : f32 to vector<16xf32>
      %min3A_699 = arith.minimumf %min3A_698, %max3A_697 : vector<16xf32>
      %mul3A_700 = arith.constant 5.000000e-01 : f32
      %mul3A_701 = vector.broadcast %mul3A_700 : f32 to vector<16xf32>
      %mul3A_702 = arith.mulf %mul3A_701, %mul3A_679 : vector<16xf32>
      %sub3A_703 = arith.subf %add3A_675, %mul3A_702 : vector<16xf32>
      %jit3A_704 = arith.constant 0.000000e+00 : f32
      %jit3A_705 = arith.constant 5.120000e+02 : f32
      %max3A_706 = vector.broadcast %jit3A_704 : f32 to vector<16xf32>
      %max3A_707 = arith.maximumf %max3A_706, %sub3A_703 : vector<16xf32>
      %min3A_708 = vector.broadcast %jit3A_705 : f32 to vector<16xf32>
      %min3A_709 = arith.minimumf %min3A_708, %max3A_707 : vector<16xf32>
      %mul3A_710 = arith.constant 5.000000e-01 : f32
      %mul3A_711 = vector.broadcast %mul3A_710 : f32 to vector<16xf32>
      %mul3A_712 = arith.mulf %mul3A_711, %mul3A_679 : vector<16xf32>
      %add3A_713 = arith.addf %add3A_675, %mul3A_712 : vector<16xf32>
      %jit3A_714 = arith.constant 0.000000e+00 : f32
      %jit3A_715 = arith.constant 5.120000e+02 : f32
      %max3A_716 = vector.broadcast %jit3A_714 : f32 to vector<16xf32>
      %max3A_717 = arith.maximumf %max3A_716, %add3A_713 : vector<16xf32>
      %min3A_718 = vector.broadcast %jit3A_715 : f32 to vector<16xf32>
      %min3A_719 = arith.minimumf %min3A_718, %max3A_717 : vector<16xf32>
      %div3A_720 = arith.divf %exp3A_334, %add3A_340 : vector<16xf32>
      %gt3A_721 = arith.constant 5.000000e-02 : f32
      %gt3A_722 = vector.broadcast %gt3A_721 : f32 to vector<16xf32>
      %gt3A_723 = arith.cmpf ogt, %div3A_720, %gt3A_722 : vector<16xf32>
      %sub3A_724 = arith.subf %min3A_699, %min3A_689 : vector<16xf32>
      %ge3A_725 = arith.constant 0.00999999977 : f32
      %ge3A_726 = vector.broadcast %ge3A_725 : f32 to vector<16xf32>
      %ge3A_727 = arith.cmpf oge, %sub3A_724, %ge3A_726 : vector<16xf32>
      %and3A_728 = arith.andi %gt3A_723, %ge3A_727 : vector<16xi1>
      %sub3A_729 = arith.subf %min3A_719, %min3A_709 : vector<16xf32>
      %ge3A_730 = arith.constant 0.00999999977 : f32
      %ge3A_731 = vector.broadcast %ge3A_730 : f32 to vector<16xf32>
      %ge3A_732 = arith.cmpf oge, %sub3A_729, %ge3A_731 : vector<16xf32>
      %and3A_733 = arith.andi %and3A_728, %ge3A_732 : vector<16xi1>
      %and3A_734 = arith.andi %and3A_733, %lt3A_347 : vector<16xi1>
      %jit3A_735 = arith.constant -1.000000e+00 : f32
      %broadcast_in_dim3A_736 = vector.broadcast %jit3A_735 : f32 to vector<16xf32>
      %select_n3A_737 = arith.select %and3A_734, %div3A_720, %broadcast_in_dim3A_736 : vector<16xi1>, vector<16xf32>
      %add3A_738 = arith.constant 80 : i32
      %add3A_739 = arith.addi %add3A_738, %scan3A_277 : i32
      %reduce_max3A_740 = arith.constant true
      %reduce_max3A_741 = vector.broadcast %reduce_max3A_740 : i1 to vector<16xi1>
      %reduce_max3A_742 = tpu.scan <max>, %select_n3A_737 masked %reduce_max3A_741 : vector<16xf32>, vector<16xi1> -> vector<16xf32>
      %reduce_max3A_743 = vector.extract %reduce_max3A_742[15] : f32 from vector<16xf32>
      %broadcast_in_dim3A_744 = vector.broadcast %add3A_739 : i32 to vector<16xi32>
      %broadcast_in_dim3A_745 = vector.broadcast %reduce_max3A_743 : f32 to vector<16xf32>
      %eq3A_746 = arith.constant 0 : i32
      %eq3A_747 = vector.broadcast %eq3A_746 : i32 to vector<16xi32>
      %eq3A_748 = arith.cmpi eq, %iota3A, %eq3A_747 : vector<16xi32>
      tpu.vector_store_idx %arg17[%broadcast_in_dim3A_744], %broadcast_in_dim3A_745 masked %eq3A_748 : memref<160xf32, #tpu.memory_space<vmem>>[vector<16xi32>], vector<16xf32>, vector<16xi1>
      %swap3A_749 = arith.constant 2 : i32
      %swap3A_750 = arith.index_cast %swap3A_749 : i32 to index
      %swap3A_751 = arith.index_cast %mul3A_280 : i32 to index
      %swap3A_752 = tpu.vector_load %arg14[%swap3A_750, %swap3A_751] {strides = array<i32>} : memref<4x640xf32, #tpu.memory_space<vmem>>, vector<16xf32>,
      tpu.vector_store %arg14[%swap3A_750, %swap3A_751], %select_n3A_737 {strides = array<i32>} : memref<4x640xf32, #tpu.memory_space<vmem>>, vector<16xf32>,
      %mul3A_753 = arith.constant 64 : i32
      %mul3A_754 = arith.muli %scan3A_277, %mul3A_753 : i32
      %swap3A_755 = arith.constant 2 : i32
      %swap3A_756 = arith.index_cast %swap3A_755 : i32 to index
      %swap3A_757 = arith.index_cast %mul3A_754 : i32 to index
      %swap3A_758 = tpu.vector_load %arg15[%swap3A_756, %swap3A_757] {strides = array<i32>} : memref<4x2560xf32, #tpu.memory_space<vmem>>, vector<16xf32>,
      tpu.vector_store %arg15[%swap3A_756, %swap3A_757], %min3A_689 {strides = array<i32>} : memref<4x2560xf32, #tpu.memory_space<vmem>>, vector<16xf32>,
      %mul3A_759 = arith.constant 64 : i32
      %mul3A_760 = arith.muli %scan3A_277, %mul3A_759 : i32
      %add3A_761 = arith.constant 16 : i32
      %add3A_762 = arith.addi %mul3A_760, %add3A_761 : i32
      %swap3A_763 = arith.constant 2 : i32
      %swap3A_764 = arith.index_cast %swap3A_763 : i32 to index
      %swap3A_765 = arith.index_cast %add3A_762 : i32 to index
      %swap3A_766 = tpu.vector_load %arg15[%swap3A_764, %swap3A_765] {strides = array<i32>} : memref<4x2560xf32, #tpu.memory_space<vmem>>, vector<16xf32>,
      tpu.vector_store %arg15[%swap3A_764, %swap3A_765], %min3A_709 {strides = array<i32>} : memref<4x2560xf32, #tpu.memory_space<vmem>>, vector<16xf32>,
      %mul3A_767 = arith.constant 64 : i32
      %mul3A_768 = arith.muli %scan3A_277, %mul3A_767 : i32
      %add3A_769 = arith.constant 32 : i32
      %add3A_770 = arith.addi %mul3A_768, %add3A_769 : i32
      %swap3A_771 = arith.constant 2 : i32
      %swap3A_772 = arith.index_cast %swap3A_771 : i32 to index
      %swap3A_773 = arith.index_cast %add3A_770 : i32 to index
      %swap3A_774 = tpu.vector_load %arg15[%swap3A_772, %swap3A_773] {strides = array<i32>} : memref<4x2560xf32, #tpu.memory_space<vmem>>, vector<16xf32>,
      tpu.vector_store %arg15[%swap3A_772, %swap3A_773], %min3A_699 {strides = array<i32>} : memref<4x2560xf32, #tpu.memory_space<vmem>>, vector<16xf32>,
      %mul3A_775 = arith.constant 64 : i32
      %mul3A_776 = arith.muli %scan3A_277, %mul3A_775 : i32
      %add3A_777 = arith.constant 48 : i32
      %add3A_778 = arith.addi %mul3A_776, %add3A_777 : i32
      %swap3A_779 = arith.constant 2 : i32
      %swap3A_780 = arith.index_cast %swap3A_779 : i32 to index
      %swap3A_781 = arith.index_cast %add3A_778 : i32 to index
      %swap3A_782 = tpu.vector_load %arg15[%swap3A_780, %swap3A_781] {strides = array<i32>} : memref<4x2560xf32, #tpu.memory_space<vmem>>, vector<16xf32>,
      tpu.vector_store %arg15[%swap3A_780, %swap3A_781], %min3A_719 {strides = array<i32>} : memref<4x2560xf32, #tpu.memory_space<vmem>>, vector<16xf32>,
      %max3A_783 = arith.maximumf %min3A_689, %min3A_699 : vector<16xf32>
      %max3A_784 = arith.maximumf %min3A_709, %min3A_719 : vector<16xf32>
      %max3A_785 = arith.maximumf %max3A_783, %max3A_784 : vector<16xf32>
      %max3A_786 = arith.maximumf %max3A_637, %max3A_785 : vector<16xf32>
      %get3A_787 = arith.constant 16 : i32
      %get3A_788 = arith.index_cast %get3A_787 : i32 to index
      %get3A_789 = arith.index_cast %mul3A_280 : i32 to index
      %get3A_790 = tpu.vector_load %arg12[%get3A_788, %get3A_789] {strides = array<i32>} : memref<20x640xf32, #tpu.memory_space<vmem>>, vector<16xf32>,
      %div3A_791 = arith.constant 1.000000e+01 : f32
      %div3A_792 = vector.broadcast %div3A_791 : f32 to vector<16xf32>
      %div3A_793 = arith.divf %get3A_790, %div3A_792 : vector<16xf32>
      %get3A_794 = arith.constant 17 : i32
      %get3A_795 = arith.index_cast %get3A_794 : i32 to index
      %get3A_796 = arith.index_cast %mul3A_280 : i32 to index
      %get3A_797 = tpu.vector_load %arg12[%get3A_795, %get3A_796] {strides = array<i32>} : memref<20x640xf32, #tpu.memory_space<vmem>>, vector<16xf32>,
      %div3A_798 = arith.constant 1.000000e+01 : f32
      %div3A_799 = vector.broadcast %div3A_798 : f32 to vector<16xf32>
      %div3A_800 = arith.divf %get3A_797, %div3A_799 : vector<16xf32>
      %get3A_801 = arith.constant 18 : i32
      %get3A_802 = arith.index_cast %get3A_801 : i32 to index
      %get3A_803 = arith.index_cast %mul3A_280 : i32 to index
      %get3A_804 = tpu.vector_load %arg12[%get3A_802, %get3A_803] {strides = array<i32>} : memref<20x640xf32, #tpu.memory_space<vmem>>, vector<16xf32>,
      %div3A_805 = arith.constant 5.000000e+00 : f32
      %div3A_806 = vector.broadcast %div3A_805 : f32 to vector<16xf32>
      %div3A_807 = arith.divf %get3A_804, %div3A_806 : vector<16xf32>
      %min3A_808 = arith.constant 4.13516665 : f32
      %min3A_809 = vector.broadcast %min3A_808 : f32 to vector<16xf32>
      %min3A_810 = arith.minimumf %div3A_807, %min3A_809 : vector<16xf32>
      %get3A_811 = arith.constant 19 : i32
      %get3A_812 = arith.index_cast %get3A_811 : i32 to index
      %get3A_813 = arith.index_cast %mul3A_280 : i32 to index
      %get3A_814 = tpu.vector_load %arg12[%get3A_812, %get3A_813] {strides = array<i32>} : memref<20x640xf32, #tpu.memory_space<vmem>>, vector<16xf32>,
      %div3A_815 = arith.constant 5.000000e+00 : f32
      %div3A_816 = vector.broadcast %div3A_815 : f32 to vector<16xf32>
      %div3A_817 = arith.divf %get3A_814, %div3A_816 : vector<16xf32>
      %min3A_818 = arith.constant 4.13516665 : f32
      %min3A_819 = vector.broadcast %min3A_818 : f32 to vector<16xf32>
      %min3A_820 = arith.minimumf %div3A_817, %min3A_819 : vector<16xf32>
      %mul3A_821 = arith.mulf %div3A_793, %sub3A : vector<16xf32>
      %add3A_822 = arith.addf %mul3A_821, %add3A_300 : vector<16xf32>
      %mul3A_823 = arith.mulf %div3A_800, %sub3A_296 : vector<16xf32>
      %add3A_824 = arith.addf %mul3A_823, %add3A_304 : vector<16xf32>
      %exp3A_825 = math.exp %min3A_810 : vector<16xf32>
      %mul3A_826 = arith.mulf %exp3A_825, %sub3A : vector<16xf32>
      %exp3A_827 = math.exp %min3A_820 : vector<16xf32>
      %mul3A_828 = arith.mulf %exp3A_827, %sub3A_296 : vector<16xf32>
      %mul3A_829 = arith.constant 5.000000e-01 : f32
      %mul3A_830 = vector.broadcast %mul3A_829 : f32 to vector<16xf32>
      %mul3A_831 = arith.mulf %mul3A_830, %mul3A_826 : vector<16xf32>
      %sub3A_832 = arith.subf %add3A_822, %mul3A_831 : vector<16xf32>
      %jit3A_833 = arith.constant 0.000000e+00 : f32
      %jit3A_834 = arith.constant 5.120000e+02 : f32
      %max3A_835 = vector.broadcast %jit3A_833 : f32 to vector<16xf32>
      %max3A_836 = arith.maximumf %max3A_835, %sub3A_832 : vector<16xf32>
      %min3A_837 = vector.broadcast %jit3A_834 : f32 to vector<16xf32>
      %min3A_838 = arith.minimumf %min3A_837, %max3A_836 : vector<16xf32>
      %mul3A_839 = arith.constant 5.000000e-01 : f32
      %mul3A_840 = vector.broadcast %mul3A_839 : f32 to vector<16xf32>
      %mul3A_841 = arith.mulf %mul3A_840, %mul3A_826 : vector<16xf32>
      %add3A_842 = arith.addf %add3A_822, %mul3A_841 : vector<16xf32>
      %jit3A_843 = arith.constant 0.000000e+00 : f32
      %jit3A_844 = arith.constant 5.120000e+02 : f32
      %max3A_845 = vector.broadcast %jit3A_843 : f32 to vector<16xf32>
      %max3A_846 = arith.maximumf %max3A_845, %add3A_842 : vector<16xf32>
      %min3A_847 = vector.broadcast %jit3A_844 : f32 to vector<16xf32>
      %min3A_848 = arith.minimumf %min3A_847, %max3A_846 : vector<16xf32>
      %mul3A_849 = arith.constant 5.000000e-01 : f32
      %mul3A_850 = vector.broadcast %mul3A_849 : f32 to vector<16xf32>
      %mul3A_851 = arith.mulf %mul3A_850, %mul3A_828 : vector<16xf32>
      %sub3A_852 = arith.subf %add3A_824, %mul3A_851 : vector<16xf32>
      %jit3A_853 = arith.constant 0.000000e+00 : f32
      %jit3A_854 = arith.constant 5.120000e+02 : f32
      %max3A_855 = vector.broadcast %jit3A_853 : f32 to vector<16xf32>
      %max3A_856 = arith.maximumf %max3A_855, %sub3A_852 : vector<16xf32>
      %min3A_857 = vector.broadcast %jit3A_854 : f32 to vector<16xf32>
      %min3A_858 = arith.minimumf %min3A_857, %max3A_856 : vector<16xf32>
      %mul3A_859 = arith.constant 5.000000e-01 : f32
      %mul3A_860 = vector.broadcast %mul3A_859 : f32 to vector<16xf32>
      %mul3A_861 = arith.mulf %mul3A_860, %mul3A_828 : vector<16xf32>
      %add3A_862 = arith.addf %add3A_824, %mul3A_861 : vector<16xf32>
      %jit3A_863 = arith.constant 0.000000e+00 : f32
      %jit3A_864 = arith.constant 5.120000e+02 : f32
      %max3A_865 = vector.broadcast %jit3A_863 : f32 to vector<16xf32>
      %max3A_866 = arith.maximumf %max3A_865, %add3A_862 : vector<16xf32>
      %min3A_867 = vector.broadcast %jit3A_864 : f32 to vector<16xf32>
      %min3A_868 = arith.minimumf %min3A_867, %max3A_866 : vector<16xf32>
      %div3A_869 = arith.divf %exp3A_336, %add3A_340 : vector<16xf32>
      %gt3A_870 = arith.constant 5.000000e-02 : f32
      %gt3A_871 = vector.broadcast %gt3A_870 : f32 to vector<16xf32>
      %gt3A_872 = arith.cmpf ogt, %div3A_869, %gt3A_871 : vector<16xf32>
      %sub3A_873 = arith.subf %min3A_848, %min3A_838 : vector<16xf32>
      %ge3A_874 = arith.constant 0.00999999977 : f32
      %ge3A_875 = vector.broadcast %ge3A_874 : f32 to vector<16xf32>
      %ge3A_876 = arith.cmpf oge, %sub3A_873, %ge3A_875 : vector<16xf32>
      %and3A_877 = arith.andi %gt3A_872, %ge3A_876 : vector<16xi1>
      %sub3A_878 = arith.subf %min3A_868, %min3A_858 : vector<16xf32>
      %ge3A_879 = arith.constant 0.00999999977 : f32
      %ge3A_880 = vector.broadcast %ge3A_879 : f32 to vector<16xf32>
      %ge3A_881 = arith.cmpf oge, %sub3A_878, %ge3A_880 : vector<16xf32>
      %and3A_882 = arith.andi %and3A_877, %ge3A_881 : vector<16xi1>
      %and3A_883 = arith.andi %and3A_882, %lt3A_347 : vector<16xi1>
      %jit3A_884 = arith.constant -1.000000e+00 : f32
      %broadcast_in_dim3A_885 = vector.broadcast %jit3A_884 : f32 to vector<16xf32>
      %select_n3A_886 = arith.select %and3A_883, %div3A_869, %broadcast_in_dim3A_885 : vector<16xi1>, vector<16xf32>
      %add3A_887 = arith.constant 120 : i32
      %add3A_888 = arith.addi %add3A_887, %scan3A_277 : i32
      %reduce_max3A_889 = arith.constant true
      %reduce_max3A_890 = vector.broadcast %reduce_max3A_889 : i1 to vector<16xi1>
      %reduce_max3A_891 = tpu.scan <max>, %select_n3A_886 masked %reduce_max3A_890 : vector<16xf32>, vector<16xi1> -> vector<16xf32>
      %reduce_max3A_892 = vector.extract %reduce_max3A_891[15] : f32 from vector<16xf32>
      %broadcast_in_dim3A_893 = vector.broadcast %add3A_888 : i32 to vector<16xi32>
      %broadcast_in_dim3A_894 = vector.broadcast %reduce_max3A_892 : f32 to vector<16xf32>
      %eq3A_895 = arith.constant 0 : i32
      %eq3A_896 = vector.broadcast %eq3A_895 : i32 to vector<16xi32>
      %eq3A_897 = arith.cmpi eq, %iota3A, %eq3A_896 : vector<16xi32>
      tpu.vector_store_idx %arg17[%broadcast_in_dim3A_893], %broadcast_in_dim3A_894 masked %eq3A_897 : memref<160xf32, #tpu.memory_space<vmem>>[vector<16xi32>], vector<16xf32>, vector<16xi1>
      %swap3A_898 = arith.constant 3 : i32
      %swap3A_899 = arith.index_cast %swap3A_898 : i32 to index
      %swap3A_900 = arith.index_cast %mul3A_280 : i32 to index
      %swap3A_901 = tpu.vector_load %arg14[%swap3A_899, %swap3A_900] {strides = array<i32>} : memref<4x640xf32, #tpu.memory_space<vmem>>, vector<16xf32>,
      tpu.vector_store %arg14[%swap3A_899, %swap3A_900], %select_n3A_886 {strides = array<i32>} : memref<4x640xf32, #tpu.memory_space<vmem>>, vector<16xf32>,
      %mul3A_902 = arith.constant 64 : i32
      %mul3A_903 = arith.muli %scan3A_277, %mul3A_902 : i32
      %swap3A_904 = arith.constant 3 : i32
      %swap3A_905 = arith.index_cast %swap3A_904 : i32 to index
      %swap3A_906 = arith.index_cast %mul3A_903 : i32 to index
      %swap3A_907 = tpu.vector_load %arg15[%swap3A_905, %swap3A_906] {strides = array<i32>} : memref<4x2560xf32, #tpu.memory_space<vmem>>, vector<16xf32>,
      tpu.vector_store %arg15[%swap3A_905, %swap3A_906], %min3A_838 {strides = array<i32>} : memref<4x2560xf32, #tpu.memory_space<vmem>>, vector<16xf32>,
      %mul3A_908 = arith.constant 64 : i32
      %mul3A_909 = arith.muli %scan3A_277, %mul3A_908 : i32
      %add3A_910 = arith.constant 16 : i32
      %add3A_911 = arith.addi %mul3A_909, %add3A_910 : i32
      %swap3A_912 = arith.constant 3 : i32
      %swap3A_913 = arith.index_cast %swap3A_912 : i32 to index
      %swap3A_914 = arith.index_cast %add3A_911 : i32 to index
      %swap3A_915 = tpu.vector_load %arg15[%swap3A_913, %swap3A_914] {strides = array<i32>} : memref<4x2560xf32, #tpu.memory_space<vmem>>, vector<16xf32>,
      tpu.vector_store %arg15[%swap3A_913, %swap3A_914], %min3A_858 {strides = array<i32>} : memref<4x2560xf32, #tpu.memory_space<vmem>>, vector<16xf32>,
      %mul3A_916 = arith.constant 64 : i32
      %mul3A_917 = arith.muli %scan3A_277, %mul3A_916 : i32
      %add3A_918 = arith.constant 32 : i32
      %add3A_919 = arith.addi %mul3A_917, %add3A_918 : i32
      %swap3A_920 = arith.constant 3 : i32
      %swap3A_921 = arith.index_cast %swap3A_920 : i32 to index
      %swap3A_922 = arith.index_cast %add3A_919 : i32 to index
      %swap3A_923 = tpu.vector_load %arg15[%swap3A_921, %swap3A_922] {strides = array<i32>} : memref<4x2560xf32, #tpu.memory_space<vmem>>, vector<16xf32>,
      tpu.vector_store %arg15[%swap3A_921, %swap3A_922], %min3A_848 {strides = array<i32>} : memref<4x2560xf32, #tpu.memory_space<vmem>>, vector<16xf32>,
      %mul3A_924 = arith.constant 64 : i32
      %mul3A_925 = arith.muli %scan3A_277, %mul3A_924 : i32
      %add3A_926 = arith.constant 48 : i32
      %add3A_927 = arith.addi %mul3A_925, %add3A_926 : i32
      %swap3A_928 = arith.constant 3 : i32
      %swap3A_929 = arith.index_cast %swap3A_928 : i32 to index
      %swap3A_930 = arith.index_cast %add3A_927 : i32 to index
      %swap3A_931 = tpu.vector_load %arg15[%swap3A_929, %swap3A_930] {strides = array<i32>} : memref<4x2560xf32, #tpu.memory_space<vmem>>, vector<16xf32>,
      tpu.vector_store %arg15[%swap3A_929, %swap3A_930], %min3A_868 {strides = array<i32>} : memref<4x2560xf32, #tpu.memory_space<vmem>>, vector<16xf32>,
      %max3A_932 = arith.maximumf %min3A_838, %min3A_848 : vector<16xf32>
      %max3A_933 = arith.maximumf %min3A_858, %min3A_868 : vector<16xf32>
      %max3A_934 = arith.maximumf %max3A_932, %max3A_933 : vector<16xf32>
      %max3A_935 = arith.maximumf %max3A_786, %max3A_934 : vector<16xf32>
      scf.yield %max3A_935 : vector<16xf32>
    }
    %scan3A_28 = arith.constant 40 : i32
    %swap3A = arith.constant 0 : index
    %swap3A_29 = tpu.vector_load %arg16[%swap3A] {strides = array<i32>} : memref<16xf32, #tpu.memory_space<vmem>>, vector<16xf32>,
    tpu.vector_store %arg16[%swap3A], %scan3A_27 {strides = array<i32>} : memref<16xf32, #tpu.memory_space<vmem>>, vector<16xf32>,
    %add3A = arith.constant 0 : i32
    %add3A_30 = arith.addi %add3A, %mul3A_0 : i32
    %dma_start3A_31 = arith.constant 0 : i32
    %dma_start3A_32 = arith.constant 0 : i32
    %dma_start3A_33 = tpu.memref_slice %arg14[%dma_start3A_31, %dma_start3A_32] : memref<4x640xf32, #tpu.memory_space<vmem>> -> memref<1x640xf32, #tpu.memory_space<vmem>>
    %dma_start3A_34 = tpu.memref_squeeze %dma_start3A_33 : memref<1x640xf32, #tpu.memory_space<vmem>> -> memref<640xf32, #tpu.memory_space<vmem>>
    %dma_start3A_35 = tpu.memref_slice %arg18[%add3A_30] : memref<40960xf32, #tpu.memory_space<vmem_shared>> -> memref<640xf32, #tpu.memory_space<vmem_shared>>
    %dma_start3A_36 = tpu.memref_slice %arg18[%add3A_30] : memref<40960xf32, #tpu.memory_space<vmem_shared>> -> memref<640xf32, #tpu.memory_space<vmem_shared>>
    %dma_start3A_37 = arith.constant 0 : i32
    %dma_start3A_38 = tpu.memref_slice %arg14[%dma_start3A_31, %dma_start3A_37] : memref<4x640xf32, #tpu.memory_space<vmem>> -> memref<1x640xf32, #tpu.memory_space<vmem>>
    %dma_start3A_39 = tpu.memref_squeeze %dma_start3A_38 : memref<1x640xf32, #tpu.memory_space<vmem>> -> memref<640xf32, #tpu.memory_space<vmem>>
    tpu.enqueue_dma source(%dma_start3A_39 : memref<640xf32, #tpu.memory_space<vmem>>) target(%dma_start3A_36 : memref<640xf32, #tpu.memory_space<vmem_shared>>) target_semaphore(%arg28 : memref<!tpu.dma_semaphore, #tpu.memory_space<semaphore_mem>>)
    %mul3A_40 = arith.constant 40 : i32
    %mul3A_41 = arith.muli %arg1, %mul3A_40 : i32
    %add3A_42 = arith.constant 0 : i32
    %add3A_43 = arith.addi %add3A_42, %mul3A_41 : i32
    %mul3A_44 = arith.constant 64 : i32
    %mul3A_45 = arith.muli %add3A_43, %mul3A_44 : i32
    %dma_start3A_46 = arith.constant 0 : i32
    %dma_start3A_47 = arith.constant 0 : i32
    %dma_start3A_48 = tpu.memref_slice %arg15[%dma_start3A_46, %dma_start3A_47] : memref<4x2560xf32, #tpu.memory_space<vmem>> -> memref<1x2560xf32, #tpu.memory_space<vmem>>
    %dma_start3A_49 = tpu.memref_squeeze %dma_start3A_48 : memref<1x2560xf32, #tpu.memory_space<vmem>> -> memref<2560xf32, #tpu.memory_space<vmem>>
    %dma_start3A_50 = tpu.memref_slice %arg20[%mul3A_45] : memref<163840xf32, #tpu.memory_space<vmem_shared>> -> memref<2560xf32, #tpu.memory_space<vmem_shared>>
    %dma_start3A_51 = tpu.memref_slice %arg20[%mul3A_45] : memref<163840xf32, #tpu.memory_space<vmem_shared>> -> memref<2560xf32, #tpu.memory_space<vmem_shared>>
    %dma_start3A_52 = arith.constant 0 : i32
    %dma_start3A_53 = tpu.memref_slice %arg15[%dma_start3A_46, %dma_start3A_52] : memref<4x2560xf32, #tpu.memory_space<vmem>> -> memref<1x2560xf32, #tpu.memory_space<vmem>>
    %dma_start3A_54 = tpu.memref_squeeze %dma_start3A_53 : memref<1x2560xf32, #tpu.memory_space<vmem>> -> memref<2560xf32, #tpu.memory_space<vmem>>
    tpu.enqueue_dma source(%dma_start3A_54 : memref<2560xf32, #tpu.memory_space<vmem>>) target(%dma_start3A_51 : memref<2560xf32, #tpu.memory_space<vmem_shared>>) target_semaphore(%arg28 : memref<!tpu.dma_semaphore, #tpu.memory_space<semaphore_mem>>)
    %mul3A_55 = arith.constant 40 : i32
    %mul3A_56 = arith.muli %arg1, %mul3A_55 : i32
    %add3A_57 = arith.constant 0 : i32
    %add3A_58 = arith.addi %add3A_57, %mul3A_56 : i32
    %dma_start3A_59 = arith.constant 0 : i32
    %dma_start3A_60 = tpu.memref_slice %arg17[%dma_start3A_59] : memref<160xf32, #tpu.memory_space<vmem>> -> memref<40xf32, #tpu.memory_space<vmem>>
    %dma_start3A_61 = tpu.memref_slice %arg19[%add3A_58] : memref<2560xf32, #tpu.memory_space<vmem_shared>> -> memref<40xf32, #tpu.memory_space<vmem_shared>>
    %dma_start3A_62 = tpu.memref_slice %arg19[%add3A_58] : memref<2560xf32, #tpu.memory_space<vmem_shared>> -> memref<40xf32, #tpu.memory_space<vmem_shared>>
    %dma_start3A_63 = arith.constant 0 : i32
    %dma_start3A_64 = tpu.memref_slice %arg17[%dma_start3A_63] : memref<160xf32, #tpu.memory_space<vmem>> -> memref<40xf32, #tpu.memory_space<vmem>>
    tpu.enqueue_dma source(%dma_start3A_64 : memref<40xf32, #tpu.memory_space<vmem>>) target(%dma_start3A_62 : memref<40xf32, #tpu.memory_space<vmem_shared>>) target_semaphore(%arg28 : memref<!tpu.dma_semaphore, #tpu.memory_space<semaphore_mem>>)
    %add3A_65 = arith.constant 10240 : i32
    %add3A_66 = arith.addi %add3A_65, %mul3A_0 : i32
    %dma_start3A_67 = arith.constant 1 : i32
    %dma_start3A_68 = arith.constant 0 : i32
    %dma_start3A_69 = tpu.memref_slice %arg14[%dma_start3A_67, %dma_start3A_68] : memref<4x640xf32, #tpu.memory_space<vmem>> -> memref<1x640xf32, #tpu.memory_space<vmem>>
    %dma_start3A_70 = tpu.memref_squeeze %dma_start3A_69 : memref<1x640xf32, #tpu.memory_space<vmem>> -> memref<640xf32, #tpu.memory_space<vmem>>
    %dma_start3A_71 = tpu.memref_slice %arg18[%add3A_66] : memref<40960xf32, #tpu.memory_space<vmem_shared>> -> memref<640xf32, #tpu.memory_space<vmem_shared>>
    %dma_start3A_72 = tpu.memref_slice %arg18[%add3A_66] : memref<40960xf32, #tpu.memory_space<vmem_shared>> -> memref<640xf32, #tpu.memory_space<vmem_shared>>
    %dma_start3A_73 = arith.constant 0 : i32
    %dma_start3A_74 = tpu.memref_slice %arg14[%dma_start3A_67, %dma_start3A_73] : memref<4x640xf32, #tpu.memory_space<vmem>> -> memref<1x640xf32, #tpu.memory_space<vmem>>
    %dma_start3A_75 = tpu.memref_squeeze %dma_start3A_74 : memref<1x640xf32, #tpu.memory_space<vmem>> -> memref<640xf32, #tpu.memory_space<vmem>>
    tpu.enqueue_dma source(%dma_start3A_75 : memref<640xf32, #tpu.memory_space<vmem>>) target(%dma_start3A_72 : memref<640xf32, #tpu.memory_space<vmem_shared>>) target_semaphore(%arg28 : memref<!tpu.dma_semaphore, #tpu.memory_space<semaphore_mem>>)
    %mul3A_76 = arith.constant 40 : i32
    %mul3A_77 = arith.muli %arg1, %mul3A_76 : i32
    %add3A_78 = arith.constant 640 : i32
    %add3A_79 = arith.addi %add3A_78, %mul3A_77 : i32
    %mul3A_80 = arith.constant 64 : i32
    %mul3A_81 = arith.muli %add3A_79, %mul3A_80 : i32
    %dma_start3A_82 = arith.constant 1 : i32
    %dma_start3A_83 = arith.constant 0 : i32
    %dma_start3A_84 = tpu.memref_slice %arg15[%dma_start3A_82, %dma_start3A_83] : memref<4x2560xf32, #tpu.memory_space<vmem>> -> memref<1x2560xf32, #tpu.memory_space<vmem>>
    %dma_start3A_85 = tpu.memref_squeeze %dma_start3A_84 : memref<1x2560xf32, #tpu.memory_space<vmem>> -> memref<2560xf32, #tpu.memory_space<vmem>>
    %dma_start3A_86 = tpu.memref_slice %arg20[%mul3A_81] : memref<163840xf32, #tpu.memory_space<vmem_shared>> -> memref<2560xf32, #tpu.memory_space<vmem_shared>>
    %dma_start3A_87 = tpu.memref_slice %arg20[%mul3A_81] : memref<163840xf32, #tpu.memory_space<vmem_shared>> -> memref<2560xf32, #tpu.memory_space<vmem_shared>>
    %dma_start3A_88 = arith.constant 0 : i32
    %dma_start3A_89 = tpu.memref_slice %arg15[%dma_start3A_82, %dma_start3A_88] : memref<4x2560xf32, #tpu.memory_space<vmem>> -> memref<1x2560xf32, #tpu.memory_space<vmem>>
    %dma_start3A_90 = tpu.memref_squeeze %dma_start3A_89 : memref<1x2560xf32, #tpu.memory_space<vmem>> -> memref<2560xf32, #tpu.memory_space<vmem>>
    tpu.enqueue_dma source(%dma_start3A_90 : memref<2560xf32, #tpu.memory_space<vmem>>) target(%dma_start3A_87 : memref<2560xf32, #tpu.memory_space<vmem_shared>>) target_semaphore(%arg28 : memref<!tpu.dma_semaphore, #tpu.memory_space<semaphore_mem>>)
    %mul3A_91 = arith.constant 40 : i32
    %mul3A_92 = arith.muli %arg1, %mul3A_91 : i32
    %add3A_93 = arith.constant 640 : i32
    %add3A_94 = arith.addi %add3A_93, %mul3A_92 : i32
    %dma_start3A_95 = arith.constant 40 : i32
    %dma_start3A_96 = tpu.memref_slice %arg17[%dma_start3A_95] : memref<160xf32, #tpu.memory_space<vmem>> -> memref<40xf32, #tpu.memory_space<vmem>>
    %dma_start3A_97 = tpu.memref_slice %arg19[%add3A_94] : memref<2560xf32, #tpu.memory_space<vmem_shared>> -> memref<40xf32, #tpu.memory_space<vmem_shared>>
    %dma_start3A_98 = tpu.memref_slice %arg19[%add3A_94] : memref<2560xf32, #tpu.memory_space<vmem_shared>> -> memref<40xf32, #tpu.memory_space<vmem_shared>>
    %dma_start3A_99 = arith.constant 40 : i32
    %dma_start3A_100 = tpu.memref_slice %arg17[%dma_start3A_99] : memref<160xf32, #tpu.memory_space<vmem>> -> memref<40xf32, #tpu.memory_space<vmem>>
    tpu.enqueue_dma source(%dma_start3A_100 : memref<40xf32, #tpu.memory_space<vmem>>) target(%dma_start3A_98 : memref<40xf32, #tpu.memory_space<vmem_shared>>) target_semaphore(%arg28 : memref<!tpu.dma_semaphore, #tpu.memory_space<semaphore_mem>>)
    %add3A_101 = arith.constant 20480 : i32
    %add3A_102 = arith.addi %add3A_101, %mul3A_0 : i32
    %dma_start3A_103 = arith.constant 2 : i32
    %dma_start3A_104 = arith.constant 0 : i32
    %dma_start3A_105 = tpu.memref_slice %arg14[%dma_start3A_103, %dma_start3A_104] : memref<4x640xf32, #tpu.memory_space<vmem>> -> memref<1x640xf32, #tpu.memory_space<vmem>>
    %dma_start3A_106 = tpu.memref_squeeze %dma_start3A_105 : memref<1x640xf32, #tpu.memory_space<vmem>> -> memref<640xf32, #tpu.memory_space<vmem>>
    %dma_start3A_107 = tpu.memref_slice %arg18[%add3A_102] : memref<40960xf32, #tpu.memory_space<vmem_shared>> -> memref<640xf32, #tpu.memory_space<vmem_shared>>
    %dma_start3A_108 = tpu.memref_slice %arg18[%add3A_102] : memref<40960xf32, #tpu.memory_space<vmem_shared>> -> memref<640xf32, #tpu.memory_space<vmem_shared>>
    %dma_start3A_109 = arith.constant 0 : i32
    %dma_start3A_110 = tpu.memref_slice %arg14[%dma_start3A_103, %dma_start3A_109] : memref<4x640xf32, #tpu.memory_space<vmem>> -> memref<1x640xf32, #tpu.memory_space<vmem>>
    %dma_start3A_111 = tpu.memref_squeeze %dma_start3A_110 : memref<1x640xf32, #tpu.memory_space<vmem>> -> memref<640xf32, #tpu.memory_space<vmem>>
    tpu.enqueue_dma source(%dma_start3A_111 : memref<640xf32, #tpu.memory_space<vmem>>) target(%dma_start3A_108 : memref<640xf32, #tpu.memory_space<vmem_shared>>) target_semaphore(%arg28 : memref<!tpu.dma_semaphore, #tpu.memory_space<semaphore_mem>>)
    %mul3A_112 = arith.constant 40 : i32
    %mul3A_113 = arith.muli %arg1, %mul3A_112 : i32
    %add3A_114 = arith.constant 1280 : i32
    %add3A_115 = arith.addi %add3A_114, %mul3A_113 : i32
    %mul3A_116 = arith.constant 64 : i32
    %mul3A_117 = arith.muli %add3A_115, %mul3A_116 : i32
    %dma_start3A_118 = arith.constant 2 : i32
    %dma_start3A_119 = arith.constant 0 : i32
    %dma_start3A_120 = tpu.memref_slice %arg15[%dma_start3A_118, %dma_start3A_119] : memref<4x2560xf32, #tpu.memory_space<vmem>> -> memref<1x2560xf32, #tpu.memory_space<vmem>>
    %dma_start3A_121 = tpu.memref_squeeze %dma_start3A_120 : memref<1x2560xf32, #tpu.memory_space<vmem>> -> memref<2560xf32, #tpu.memory_space<vmem>>
    %dma_start3A_122 = tpu.memref_slice %arg20[%mul3A_117] : memref<163840xf32, #tpu.memory_space<vmem_shared>> -> memref<2560xf32, #tpu.memory_space<vmem_shared>>
    %dma_start3A_123 = tpu.memref_slice %arg20[%mul3A_117] : memref<163840xf32, #tpu.memory_space<vmem_shared>> -> memref<2560xf32, #tpu.memory_space<vmem_shared>>
    %dma_start3A_124 = arith.constant 0 : i32
    %dma_start3A_125 = tpu.memref_slice %arg15[%dma_start3A_118, %dma_start3A_124] : memref<4x2560xf32, #tpu.memory_space<vmem>> -> memref<1x2560xf32, #tpu.memory_space<vmem>>
    %dma_start3A_126 = tpu.memref_squeeze %dma_start3A_125 : memref<1x2560xf32, #tpu.memory_space<vmem>> -> memref<2560xf32, #tpu.memory_space<vmem>>
    tpu.enqueue_dma source(%dma_start3A_126 : memref<2560xf32, #tpu.memory_space<vmem>>) target(%dma_start3A_123 : memref<2560xf32, #tpu.memory_space<vmem_shared>>) target_semaphore(%arg28 : memref<!tpu.dma_semaphore, #tpu.memory_space<semaphore_mem>>)
    %mul3A_127 = arith.constant 40 : i32
    %mul3A_128 = arith.muli %arg1, %mul3A_127 : i32
    %add3A_129 = arith.constant 1280 : i32
    %add3A_130 = arith.addi %add3A_129, %mul3A_128 : i32
    %dma_start3A_131 = arith.constant 80 : i32
    %dma_start3A_132 = tpu.memref_slice %arg17[%dma_start3A_131] : memref<160xf32, #tpu.memory_space<vmem>> -> memref<40xf32, #tpu.memory_space<vmem>>
    %dma_start3A_133 = tpu.memref_slice %arg19[%add3A_130] : memref<2560xf32, #tpu.memory_space<vmem_shared>> -> memref<40xf32, #tpu.memory_space<vmem_shared>>
    %dma_start3A_134 = tpu.memref_slice %arg19[%add3A_130] : memref<2560xf32, #tpu.memory_space<vmem_shared>> -> memref<40xf32, #tpu.memory_space<vmem_shared>>
    %dma_start3A_135 = arith.constant 80 : i32
    %dma_start3A_136 = tpu.memref_slice %arg17[%dma_start3A_135] : memref<160xf32, #tpu.memory_space<vmem>> -> memref<40xf32, #tpu.memory_space<vmem>>
    tpu.enqueue_dma source(%dma_start3A_136 : memref<40xf32, #tpu.memory_space<vmem>>) target(%dma_start3A_134 : memref<40xf32, #tpu.memory_space<vmem_shared>>) target_semaphore(%arg28 : memref<!tpu.dma_semaphore, #tpu.memory_space<semaphore_mem>>)
    %add3A_137 = arith.constant 30720 : i32
    %add3A_138 = arith.addi %add3A_137, %mul3A_0 : i32
    %dma_start3A_139 = arith.constant 3 : i32
    %dma_start3A_140 = arith.constant 0 : i32
    %dma_start3A_141 = tpu.memref_slice %arg14[%dma_start3A_139, %dma_start3A_140] : memref<4x640xf32, #tpu.memory_space<vmem>> -> memref<1x640xf32, #tpu.memory_space<vmem>>
    %dma_start3A_142 = tpu.memref_squeeze %dma_start3A_141 : memref<1x640xf32, #tpu.memory_space<vmem>> -> memref<640xf32, #tpu.memory_space<vmem>>
    %dma_start3A_143 = tpu.memref_slice %arg18[%add3A_138] : memref<40960xf32, #tpu.memory_space<vmem_shared>> -> memref<640xf32, #tpu.memory_space<vmem_shared>>
    %dma_start3A_144 = tpu.memref_slice %arg18[%add3A_138] : memref<40960xf32, #tpu.memory_space<vmem_shared>> -> memref<640xf32, #tpu.memory_space<vmem_shared>>
    %dma_start3A_145 = arith.constant 0 : i32
    %dma_start3A_146 = tpu.memref_slice %arg14[%dma_start3A_139, %dma_start3A_145] : memref<4x640xf32, #tpu.memory_space<vmem>> -> memref<1x640xf32, #tpu.memory_space<vmem>>
    %dma_start3A_147 = tpu.memref_squeeze %dma_start3A_146 : memref<1x640xf32, #tpu.memory_space<vmem>> -> memref<640xf32, #tpu.memory_space<vmem>>
    tpu.enqueue_dma source(%dma_start3A_147 : memref<640xf32, #tpu.memory_space<vmem>>) target(%dma_start3A_144 : memref<640xf32, #tpu.memory_space<vmem_shared>>) target_semaphore(%arg28 : memref<!tpu.dma_semaphore, #tpu.memory_space<semaphore_mem>>)
    %mul3A_148 = arith.constant 40 : i32
    %mul3A_149 = arith.muli %arg1, %mul3A_148 : i32
    %add3A_150 = arith.constant 1920 : i32
    %add3A_151 = arith.addi %add3A_150, %mul3A_149 : i32
    %mul3A_152 = arith.constant 64 : i32
    %mul3A_153 = arith.muli %add3A_151, %mul3A_152 : i32
    %dma_start3A_154 = arith.constant 3 : i32
    %dma_start3A_155 = arith.constant 0 : i32
    %dma_start3A_156 = tpu.memref_slice %arg15[%dma_start3A_154, %dma_start3A_155] : memref<4x2560xf32, #tpu.memory_space<vmem>> -> memref<1x2560xf32, #tpu.memory_space<vmem>>
    %dma_start3A_157 = tpu.memref_squeeze %dma_start3A_156 : memref<1x2560xf32, #tpu.memory_space<vmem>> -> memref<2560xf32, #tpu.memory_space<vmem>>
    %dma_start3A_158 = tpu.memref_slice %arg20[%mul3A_153] : memref<163840xf32, #tpu.memory_space<vmem_shared>> -> memref<2560xf32, #tpu.memory_space<vmem_shared>>
    %dma_start3A_159 = tpu.memref_slice %arg20[%mul3A_153] : memref<163840xf32, #tpu.memory_space<vmem_shared>> -> memref<2560xf32, #tpu.memory_space<vmem_shared>>
    %dma_start3A_160 = arith.constant 0 : i32
    %dma_start3A_161 = tpu.memref_slice %arg15[%dma_start3A_154, %dma_start3A_160] : memref<4x2560xf32, #tpu.memory_space<vmem>> -> memref<1x2560xf32, #tpu.memory_space<vmem>>
    %dma_start3A_162 = tpu.memref_squeeze %dma_start3A_161 : memref<1x2560xf32, #tpu.memory_space<vmem>> -> memref<2560xf32, #tpu.memory_space<vmem>>
    tpu.enqueue_dma source(%dma_start3A_162 : memref<2560xf32, #tpu.memory_space<vmem>>) target(%dma_start3A_159 : memref<2560xf32, #tpu.memory_space<vmem_shared>>) target_semaphore(%arg28 : memref<!tpu.dma_semaphore, #tpu.memory_space<semaphore_mem>>)
    %mul3A_163 = arith.constant 40 : i32
    %mul3A_164 = arith.muli %arg1, %mul3A_163 : i32
    %add3A_165 = arith.constant 1920 : i32
    %add3A_166 = arith.addi %add3A_165, %mul3A_164 : i32
    %dma_start3A_167 = arith.constant 120 : i32
    %dma_start3A_168 = tpu.memref_slice %arg17[%dma_start3A_167] : memref<160xf32, #tpu.memory_space<vmem>> -> memref<40xf32, #tpu.memory_space<vmem>>
    %dma_start3A_169 = tpu.memref_slice %arg19[%add3A_166] : memref<2560xf32, #tpu.memory_space<vmem_shared>> -> memref<40xf32, #tpu.memory_space<vmem_shared>>
    %dma_start3A_170 = tpu.memref_slice %arg19[%add3A_166] : memref<2560xf32, #tpu.memory_space<vmem_shared>> -> memref<40xf32, #tpu.memory_space<vmem_shared>>
    %dma_start3A_171 = arith.constant 120 : i32
    %dma_start3A_172 = tpu.memref_slice %arg17[%dma_start3A_171] : memref<160xf32, #tpu.memory_space<vmem>> -> memref<40xf32, #tpu.memory_space<vmem>>
    tpu.enqueue_dma source(%dma_start3A_172 : memref<40xf32, #tpu.memory_space<vmem>>) target(%dma_start3A_170 : memref<40xf32, #tpu.memory_space<vmem_shared>>) target_semaphore(%arg28 : memref<!tpu.dma_semaphore, #tpu.memory_space<semaphore_mem>>)
    %mul3A_173 = arith.constant 16 : i32
    %mul3A_174 = arith.muli %arg1, %mul3A_173 : i32
    %dma_start3A_175 = tpu.memref_slice %arg21[%mul3A_174] : memref<256xf32, #tpu.memory_space<vmem_shared>> -> memref<16xf32, #tpu.memory_space<vmem_shared>>
    %dma_start3A_176 = tpu.memref_slice %arg21[%mul3A_174] : memref<256xf32, #tpu.memory_space<vmem_shared>> -> memref<16xf32, #tpu.memory_space<vmem_shared>>
    tpu.enqueue_dma source(%arg16 : memref<16xf32, #tpu.memory_space<vmem>>) target(%dma_start3A_176 : memref<16xf32, #tpu.memory_space<vmem_shared>>) target_semaphore(%arg28 : memref<!tpu.dma_semaphore, #tpu.memory_space<semaphore_mem>>)
    %dma_wait3A_177 = arith.constant 0 : i32
    %dma_wait3A_178 = arith.constant 0 : i32
    %dma_wait3A_179 = tpu.memref_slice %arg14[%dma_wait3A_177, %dma_wait3A_178] : memref<4x640xf32, #tpu.memory_space<vmem>> -> memref<1x640xf32, #tpu.memory_space<vmem>>
    %dma_wait3A_180 = tpu.memref_squeeze %dma_wait3A_179 : memref<1x640xf32, #tpu.memory_space<vmem>> -> memref<640xf32, #tpu.memory_space<vmem>>
    %dma_wait3A_181 = tpu.memref_slice %arg18[%add3A_30] : memref<40960xf32, #tpu.memory_space<vmem_shared>> -> memref<640xf32, #tpu.memory_space<vmem_shared>>
    %dma_wait3A_182 = tpu.memref_slice %arg18[%add3A_30] : memref<40960xf32, #tpu.memory_space<vmem_shared>> -> memref<640xf32, #tpu.memory_space<vmem_shared>>
    %dma_wait3A_183 = arith.constant 0 : i32
    %dma_wait3A_184 = tpu.memref_slice %arg14[%dma_wait3A_177, %dma_wait3A_183] : memref<4x640xf32, #tpu.memory_space<vmem>> -> memref<1x640xf32, #tpu.memory_space<vmem>>
    %dma_wait3A_185 = tpu.memref_squeeze %dma_wait3A_184 : memref<1x640xf32, #tpu.memory_space<vmem>> -> memref<640xf32, #tpu.memory_space<vmem>>
    tpu.wait_dma2 semaphore(%arg28 : memref<!tpu.dma_semaphore, #tpu.memory_space<semaphore_mem>>) src(%dma_wait3A_185 : memref<640xf32, #tpu.memory_space<vmem>>) dst(%dma_wait3A_182 : memref<640xf32, #tpu.memory_space<vmem_shared>>)
    %dma_wait3A_186 = arith.constant 0 : i32
    %dma_wait3A_187 = arith.constant 0 : i32
    %dma_wait3A_188 = tpu.memref_slice %arg15[%dma_wait3A_186, %dma_wait3A_187] : memref<4x2560xf32, #tpu.memory_space<vmem>> -> memref<1x2560xf32, #tpu.memory_space<vmem>>
    %dma_wait3A_189 = tpu.memref_squeeze %dma_wait3A_188 : memref<1x2560xf32, #tpu.memory_space<vmem>> -> memref<2560xf32, #tpu.memory_space<vmem>>
    %dma_wait3A_190 = tpu.memref_slice %arg20[%mul3A_45] : memref<163840xf32, #tpu.memory_space<vmem_shared>> -> memref<2560xf32, #tpu.memory_space<vmem_shared>>
    %dma_wait3A_191 = tpu.memref_slice %arg20[%mul3A_45] : memref<163840xf32, #tpu.memory_space<vmem_shared>> -> memref<2560xf32, #tpu.memory_space<vmem_shared>>
    %dma_wait3A_192 = arith.constant 0 : i32
    %dma_wait3A_193 = tpu.memref_slice %arg15[%dma_wait3A_186, %dma_wait3A_192] : memref<4x2560xf32, #tpu.memory_space<vmem>> -> memref<1x2560xf32, #tpu.memory_space<vmem>>
    %dma_wait3A_194 = tpu.memref_squeeze %dma_wait3A_193 : memref<1x2560xf32, #tpu.memory_space<vmem>> -> memref<2560xf32, #tpu.memory_space<vmem>>
    tpu.wait_dma2 semaphore(%arg28 : memref<!tpu.dma_semaphore, #tpu.memory_space<semaphore_mem>>) src(%dma_wait3A_194 : memref<2560xf32, #tpu.memory_space<vmem>>) dst(%dma_wait3A_191 : memref<2560xf32, #tpu.memory_space<vmem_shared>>)
    %dma_wait3A_195 = arith.constant 0 : i32
    %dma_wait3A_196 = tpu.memref_slice %arg17[%dma_wait3A_195] : memref<160xf32, #tpu.memory_space<vmem>> -> memref<40xf32, #tpu.memory_space<vmem>>
    %dma_wait3A_197 = tpu.memref_slice %arg19[%add3A_58] : memref<2560xf32, #tpu.memory_space<vmem_shared>> -> memref<40xf32, #tpu.memory_space<vmem_shared>>
    %dma_wait3A_198 = tpu.memref_slice %arg19[%add3A_58] : memref<2560xf32, #tpu.memory_space<vmem_shared>> -> memref<40xf32, #tpu.memory_space<vmem_shared>>
    %dma_wait3A_199 = arith.constant 0 : i32
    %dma_wait3A_200 = tpu.memref_slice %arg17[%dma_wait3A_199] : memref<160xf32, #tpu.memory_space<vmem>> -> memref<40xf32, #tpu.memory_space<vmem>>
    tpu.wait_dma2 semaphore(%arg28 : memref<!tpu.dma_semaphore, #tpu.memory_space<semaphore_mem>>) src(%dma_wait3A_200 : memref<40xf32, #tpu.memory_space<vmem>>) dst(%dma_wait3A_198 : memref<40xf32, #tpu.memory_space<vmem_shared>>)
    %dma_wait3A_201 = arith.constant 1 : i32
    %dma_wait3A_202 = arith.constant 0 : i32
    %dma_wait3A_203 = tpu.memref_slice %arg14[%dma_wait3A_201, %dma_wait3A_202] : memref<4x640xf32, #tpu.memory_space<vmem>> -> memref<1x640xf32, #tpu.memory_space<vmem>>
    %dma_wait3A_204 = tpu.memref_squeeze %dma_wait3A_203 : memref<1x640xf32, #tpu.memory_space<vmem>> -> memref<640xf32, #tpu.memory_space<vmem>>
    %dma_wait3A_205 = tpu.memref_slice %arg18[%add3A_66] : memref<40960xf32, #tpu.memory_space<vmem_shared>> -> memref<640xf32, #tpu.memory_space<vmem_shared>>
    %dma_wait3A_206 = tpu.memref_slice %arg18[%add3A_66] : memref<40960xf32, #tpu.memory_space<vmem_shared>> -> memref<640xf32, #tpu.memory_space<vmem_shared>>
    %dma_wait3A_207 = arith.constant 0 : i32
    %dma_wait3A_208 = tpu.memref_slice %arg14[%dma_wait3A_201, %dma_wait3A_207] : memref<4x640xf32, #tpu.memory_space<vmem>> -> memref<1x640xf32, #tpu.memory_space<vmem>>
    %dma_wait3A_209 = tpu.memref_squeeze %dma_wait3A_208 : memref<1x640xf32, #tpu.memory_space<vmem>> -> memref<640xf32, #tpu.memory_space<vmem>>
    tpu.wait_dma2 semaphore(%arg28 : memref<!tpu.dma_semaphore, #tpu.memory_space<semaphore_mem>>) src(%dma_wait3A_209 : memref<640xf32, #tpu.memory_space<vmem>>) dst(%dma_wait3A_206 : memref<640xf32, #tpu.memory_space<vmem_shared>>)
    %dma_wait3A_210 = arith.constant 1 : i32
    %dma_wait3A_211 = arith.constant 0 : i32
    %dma_wait3A_212 = tpu.memref_slice %arg15[%dma_wait3A_210, %dma_wait3A_211] : memref<4x2560xf32, #tpu.memory_space<vmem>> -> memref<1x2560xf32, #tpu.memory_space<vmem>>
    %dma_wait3A_213 = tpu.memref_squeeze %dma_wait3A_212 : memref<1x2560xf32, #tpu.memory_space<vmem>> -> memref<2560xf32, #tpu.memory_space<vmem>>
    %dma_wait3A_214 = tpu.memref_slice %arg20[%mul3A_81] : memref<163840xf32, #tpu.memory_space<vmem_shared>> -> memref<2560xf32, #tpu.memory_space<vmem_shared>>
    %dma_wait3A_215 = tpu.memref_slice %arg20[%mul3A_81] : memref<163840xf32, #tpu.memory_space<vmem_shared>> -> memref<2560xf32, #tpu.memory_space<vmem_shared>>
    %dma_wait3A_216 = arith.constant 0 : i32
    %dma_wait3A_217 = tpu.memref_slice %arg15[%dma_wait3A_210, %dma_wait3A_216] : memref<4x2560xf32, #tpu.memory_space<vmem>> -> memref<1x2560xf32, #tpu.memory_space<vmem>>
    %dma_wait3A_218 = tpu.memref_squeeze %dma_wait3A_217 : memref<1x2560xf32, #tpu.memory_space<vmem>> -> memref<2560xf32, #tpu.memory_space<vmem>>
    tpu.wait_dma2 semaphore(%arg28 : memref<!tpu.dma_semaphore, #tpu.memory_space<semaphore_mem>>) src(%dma_wait3A_218 : memref<2560xf32, #tpu.memory_space<vmem>>) dst(%dma_wait3A_215 : memref<2560xf32, #tpu.memory_space<vmem_shared>>)
    %dma_wait3A_219 = arith.constant 40 : i32
    %dma_wait3A_220 = tpu.memref_slice %arg17[%dma_wait3A_219] : memref<160xf32, #tpu.memory_space<vmem>> -> memref<40xf32, #tpu.memory_space<vmem>>
    %dma_wait3A_221 = tpu.memref_slice %arg19[%add3A_94] : memref<2560xf32, #tpu.memory_space<vmem_shared>> -> memref<40xf32, #tpu.memory_space<vmem_shared>>
    %dma_wait3A_222 = tpu.memref_slice %arg19[%add3A_94] : memref<2560xf32, #tpu.memory_space<vmem_shared>> -> memref<40xf32, #tpu.memory_space<vmem_shared>>
    %dma_wait3A_223 = arith.constant 40 : i32
    %dma_wait3A_224 = tpu.memref_slice %arg17[%dma_wait3A_223] : memref<160xf32, #tpu.memory_space<vmem>> -> memref<40xf32, #tpu.memory_space<vmem>>
    tpu.wait_dma2 semaphore(%arg28 : memref<!tpu.dma_semaphore, #tpu.memory_space<semaphore_mem>>) src(%dma_wait3A_224 : memref<40xf32, #tpu.memory_space<vmem>>) dst(%dma_wait3A_222 : memref<40xf32, #tpu.memory_space<vmem_shared>>)
    %dma_wait3A_225 = arith.constant 2 : i32
    %dma_wait3A_226 = arith.constant 0 : i32
    %dma_wait3A_227 = tpu.memref_slice %arg14[%dma_wait3A_225, %dma_wait3A_226] : memref<4x640xf32, #tpu.memory_space<vmem>> -> memref<1x640xf32, #tpu.memory_space<vmem>>
    %dma_wait3A_228 = tpu.memref_squeeze %dma_wait3A_227 : memref<1x640xf32, #tpu.memory_space<vmem>> -> memref<640xf32, #tpu.memory_space<vmem>>
    %dma_wait3A_229 = tpu.memref_slice %arg18[%add3A_102] : memref<40960xf32, #tpu.memory_space<vmem_shared>> -> memref<640xf32, #tpu.memory_space<vmem_shared>>
    %dma_wait3A_230 = tpu.memref_slice %arg18[%add3A_102] : memref<40960xf32, #tpu.memory_space<vmem_shared>> -> memref<640xf32, #tpu.memory_space<vmem_shared>>
    %dma_wait3A_231 = arith.constant 0 : i32
    %dma_wait3A_232 = tpu.memref_slice %arg14[%dma_wait3A_225, %dma_wait3A_231] : memref<4x640xf32, #tpu.memory_space<vmem>> -> memref<1x640xf32, #tpu.memory_space<vmem>>
    %dma_wait3A_233 = tpu.memref_squeeze %dma_wait3A_232 : memref<1x640xf32, #tpu.memory_space<vmem>> -> memref<640xf32, #tpu.memory_space<vmem>>
    tpu.wait_dma2 semaphore(%arg28 : memref<!tpu.dma_semaphore, #tpu.memory_space<semaphore_mem>>) src(%dma_wait3A_233 : memref<640xf32, #tpu.memory_space<vmem>>) dst(%dma_wait3A_230 : memref<640xf32, #tpu.memory_space<vmem_shared>>)
    %dma_wait3A_234 = arith.constant 2 : i32
    %dma_wait3A_235 = arith.constant 0 : i32
    %dma_wait3A_236 = tpu.memref_slice %arg15[%dma_wait3A_234, %dma_wait3A_235] : memref<4x2560xf32, #tpu.memory_space<vmem>> -> memref<1x2560xf32, #tpu.memory_space<vmem>>
    %dma_wait3A_237 = tpu.memref_squeeze %dma_wait3A_236 : memref<1x2560xf32, #tpu.memory_space<vmem>> -> memref<2560xf32, #tpu.memory_space<vmem>>
    %dma_wait3A_238 = tpu.memref_slice %arg20[%mul3A_117] : memref<163840xf32, #tpu.memory_space<vmem_shared>> -> memref<2560xf32, #tpu.memory_space<vmem_shared>>
    %dma_wait3A_239 = tpu.memref_slice %arg20[%mul3A_117] : memref<163840xf32, #tpu.memory_space<vmem_shared>> -> memref<2560xf32, #tpu.memory_space<vmem_shared>>
    %dma_wait3A_240 = arith.constant 0 : i32
    %dma_wait3A_241 = tpu.memref_slice %arg15[%dma_wait3A_234, %dma_wait3A_240] : memref<4x2560xf32, #tpu.memory_space<vmem>> -> memref<1x2560xf32, #tpu.memory_space<vmem>>
    %dma_wait3A_242 = tpu.memref_squeeze %dma_wait3A_241 : memref<1x2560xf32, #tpu.memory_space<vmem>> -> memref<2560xf32, #tpu.memory_space<vmem>>
    tpu.wait_dma2 semaphore(%arg28 : memref<!tpu.dma_semaphore, #tpu.memory_space<semaphore_mem>>) src(%dma_wait3A_242 : memref<2560xf32, #tpu.memory_space<vmem>>) dst(%dma_wait3A_239 : memref<2560xf32, #tpu.memory_space<vmem_shared>>)
    %dma_wait3A_243 = arith.constant 80 : i32
    %dma_wait3A_244 = tpu.memref_slice %arg17[%dma_wait3A_243] : memref<160xf32, #tpu.memory_space<vmem>> -> memref<40xf32, #tpu.memory_space<vmem>>
    %dma_wait3A_245 = tpu.memref_slice %arg19[%add3A_130] : memref<2560xf32, #tpu.memory_space<vmem_shared>> -> memref<40xf32, #tpu.memory_space<vmem_shared>>
    %dma_wait3A_246 = tpu.memref_slice %arg19[%add3A_130] : memref<2560xf32, #tpu.memory_space<vmem_shared>> -> memref<40xf32, #tpu.memory_space<vmem_shared>>
    %dma_wait3A_247 = arith.constant 80 : i32
    %dma_wait3A_248 = tpu.memref_slice %arg17[%dma_wait3A_247] : memref<160xf32, #tpu.memory_space<vmem>> -> memref<40xf32, #tpu.memory_space<vmem>>
    tpu.wait_dma2 semaphore(%arg28 : memref<!tpu.dma_semaphore, #tpu.memory_space<semaphore_mem>>) src(%dma_wait3A_248 : memref<40xf32, #tpu.memory_space<vmem>>) dst(%dma_wait3A_246 : memref<40xf32, #tpu.memory_space<vmem_shared>>)
    %dma_wait3A_249 = arith.constant 3 : i32
    %dma_wait3A_250 = arith.constant 0 : i32
    %dma_wait3A_251 = tpu.memref_slice %arg14[%dma_wait3A_249, %dma_wait3A_250] : memref<4x640xf32, #tpu.memory_space<vmem>> -> memref<1x640xf32, #tpu.memory_space<vmem>>
    %dma_wait3A_252 = tpu.memref_squeeze %dma_wait3A_251 : memref<1x640xf32, #tpu.memory_space<vmem>> -> memref<640xf32, #tpu.memory_space<vmem>>
    %dma_wait3A_253 = tpu.memref_slice %arg18[%add3A_138] : memref<40960xf32, #tpu.memory_space<vmem_shared>> -> memref<640xf32, #tpu.memory_space<vmem_shared>>
    %dma_wait3A_254 = tpu.memref_slice %arg18[%add3A_138] : memref<40960xf32, #tpu.memory_space<vmem_shared>> -> memref<640xf32, #tpu.memory_space<vmem_shared>>
    %dma_wait3A_255 = arith.constant 0 : i32
    %dma_wait3A_256 = tpu.memref_slice %arg14[%dma_wait3A_249, %dma_wait3A_255] : memref<4x640xf32, #tpu.memory_space<vmem>> -> memref<1x640xf32, #tpu.memory_space<vmem>>
    %dma_wait3A_257 = tpu.memref_squeeze %dma_wait3A_256 : memref<1x640xf32, #tpu.memory_space<vmem>> -> memref<640xf32, #tpu.memory_space<vmem>>
    tpu.wait_dma2 semaphore(%arg28 : memref<!tpu.dma_semaphore, #tpu.memory_space<semaphore_mem>>) src(%dma_wait3A_257 : memref<640xf32, #tpu.memory_space<vmem>>) dst(%dma_wait3A_254 : memref<640xf32, #tpu.memory_space<vmem_shared>>)
    %dma_wait3A_258 = arith.constant 3 : i32
    %dma_wait3A_259 = arith.constant 0 : i32
    %dma_wait3A_260 = tpu.memref_slice %arg15[%dma_wait3A_258, %dma_wait3A_259] : memref<4x2560xf32, #tpu.memory_space<vmem>> -> memref<1x2560xf32, #tpu.memory_space<vmem>>
    %dma_wait3A_261 = tpu.memref_squeeze %dma_wait3A_260 : memref<1x2560xf32, #tpu.memory_space<vmem>> -> memref<2560xf32, #tpu.memory_space<vmem>>
    %dma_wait3A_262 = tpu.memref_slice %arg20[%mul3A_153] : memref<163840xf32, #tpu.memory_space<vmem_shared>> -> memref<2560xf32, #tpu.memory_space<vmem_shared>>
    %dma_wait3A_263 = tpu.memref_slice %arg20[%mul3A_153] : memref<163840xf32, #tpu.memory_space<vmem_shared>> -> memref<2560xf32, #tpu.memory_space<vmem_shared>>
    %dma_wait3A_264 = arith.constant 0 : i32
    %dma_wait3A_265 = tpu.memref_slice %arg15[%dma_wait3A_258, %dma_wait3A_264] : memref<4x2560xf32, #tpu.memory_space<vmem>> -> memref<1x2560xf32, #tpu.memory_space<vmem>>
    %dma_wait3A_266 = tpu.memref_squeeze %dma_wait3A_265 : memref<1x2560xf32, #tpu.memory_space<vmem>> -> memref<2560xf32, #tpu.memory_space<vmem>>
    tpu.wait_dma2 semaphore(%arg28 : memref<!tpu.dma_semaphore, #tpu.memory_space<semaphore_mem>>) src(%dma_wait3A_266 : memref<2560xf32, #tpu.memory_space<vmem>>) dst(%dma_wait3A_263 : memref<2560xf32, #tpu.memory_space<vmem_shared>>)
    %dma_wait3A_267 = arith.constant 120 : i32
    %dma_wait3A_268 = tpu.memref_slice %arg17[%dma_wait3A_267] : memref<160xf32, #tpu.memory_space<vmem>> -> memref<40xf32, #tpu.memory_space<vmem>>
    %dma_wait3A_269 = tpu.memref_slice %arg19[%add3A_166] : memref<2560xf32, #tpu.memory_space<vmem_shared>> -> memref<40xf32, #tpu.memory_space<vmem_shared>>
    %dma_wait3A_270 = tpu.memref_slice %arg19[%add3A_166] : memref<2560xf32, #tpu.memory_space<vmem_shared>> -> memref<40xf32, #tpu.memory_space<vmem_shared>>
    %dma_wait3A_271 = arith.constant 120 : i32
    %dma_wait3A_272 = tpu.memref_slice %arg17[%dma_wait3A_271] : memref<160xf32, #tpu.memory_space<vmem>> -> memref<40xf32, #tpu.memory_space<vmem>>
    tpu.wait_dma2 semaphore(%arg28 : memref<!tpu.dma_semaphore, #tpu.memory_space<semaphore_mem>>) src(%dma_wait3A_272 : memref<40xf32, #tpu.memory_space<vmem>>) dst(%dma_wait3A_270 : memref<40xf32, #tpu.memory_space<vmem_shared>>)
    %dma_wait3A_273 = tpu.memref_slice %arg21[%mul3A_174] : memref<256xf32, #tpu.memory_space<vmem_shared>> -> memref<16xf32, #tpu.memory_space<vmem_shared>>
    %dma_wait3A_274 = tpu.memref_slice %arg21[%mul3A_174] : memref<256xf32, #tpu.memory_space<vmem_shared>> -> memref<16xf32, #tpu.memory_space<vmem_shared>>
    tpu.wait_dma2 semaphore(%arg28 : memref<!tpu.dma_semaphore, #tpu.memory_space<semaphore_mem>>) src(%arg16 : memref<16xf32, #tpu.memory_space<vmem>>) dst(%dma_wait3A_274 : memref<16xf32, #tpu.memory_space<vmem_shared>>)
    %barrier3A = arith.constant 0 : index
    tpu.barrier barrier_id(%barrier3A)
    %eq3A = arith.constant 0 : i32
    %eq3A_275 = arith.cmpi eq, %arg1, %eq3A : i32
    %convert_element_type3A = arith.extui %eq3A_275 : i1 to i32
    %cond3A = arith.constant 0 : i32
    %cond3A_276 = arith.cmpi ne, %convert_element_type3A, %cond3A : i32
    scf.if %cond3A_276 {
      "tpu.region"() ({
        %run_scoped3A = tpu.sem_alloc : memref<!tpu.dma_semaphore, #tpu.memory_space<semaphore_mem>>
        tpu.enqueue_dma source(%arg18 : memref<40960xf32, #tpu.memory_space<vmem_shared>>) target(%arg22 : memref<40960xf32, #tpu.memory_space<vmem>>) target_semaphore(%run_scoped3A : memref<!tpu.dma_semaphore, #tpu.memory_space<semaphore_mem>>)
        tpu.wait_dma2 semaphore(%run_scoped3A : memref<!tpu.dma_semaphore, #tpu.memory_space<semaphore_mem>>) src(%arg18 : memref<40960xf32, #tpu.memory_space<vmem_shared>>) dst(%arg22 : memref<40960xf32, #tpu.memory_space<vmem>>)
        tpu.yield
      }) : () -> ()
      "tpu.region"() ({
        %run_scoped3A = tpu.sem_alloc : memref<!tpu.dma_semaphore, #tpu.memory_space<semaphore_mem>>
        tpu.enqueue_dma source(%arg19 : memref<2560xf32, #tpu.memory_space<vmem_shared>>) target(%arg23 : memref<2560xf32, #tpu.memory_space<vmem>>) target_semaphore(%run_scoped3A : memref<!tpu.dma_semaphore, #tpu.memory_space<semaphore_mem>>)
        tpu.wait_dma2 semaphore(%run_scoped3A : memref<!tpu.dma_semaphore, #tpu.memory_space<semaphore_mem>>) src(%arg19 : memref<2560xf32, #tpu.memory_space<vmem_shared>>) dst(%arg23 : memref<2560xf32, #tpu.memory_space<vmem>>)
        tpu.yield
      }) : () -> ()
      "tpu.region"() ({
        %run_scoped3A = tpu.sem_alloc : memref<!tpu.dma_semaphore, #tpu.memory_space<semaphore_mem>>
        tpu.enqueue_dma source(%arg21 : memref<256xf32, #tpu.memory_space<vmem_shared>>) target(%arg26 : memref<256xf32, #tpu.memory_space<vmem>>) target_semaphore(%run_scoped3A : memref<!tpu.dma_semaphore, #tpu.memory_space<semaphore_mem>>)
        tpu.wait_dma2 semaphore(%run_scoped3A : memref<!tpu.dma_semaphore, #tpu.memory_space<semaphore_mem>>) src(%arg21 : memref<256xf32, #tpu.memory_space<vmem_shared>>) dst(%arg26 : memref<256xf32, #tpu.memory_space<vmem>>)
        tpu.yield
      }) : () -> ()
      %get3A = arith.constant 0 : index
      %get3A_277 = tpu.vector_load %arg26[%get3A] {strides = array<i32>} : memref<256xf32, #tpu.memory_space<vmem>>, vector<16xf32>,
      %get3A_278 = arith.constant 16 : index
      %get3A_279 = tpu.vector_load %arg26[%get3A_278] {strides = array<i32>} : memref<256xf32, #tpu.memory_space<vmem>>, vector<16xf32>,
      %max3A = arith.maximumf %get3A_277, %get3A_279 : vector<16xf32>
      %get3A_280 = arith.constant 32 : index
      %get3A_281 = tpu.vector_load %arg26[%get3A_280] {strides = array<i32>} : memref<256xf32, #tpu.memory_space<vmem>>, vector<16xf32>,
      %max3A_282 = arith.maximumf %max3A, %get3A_281 : vector<16xf32>
      %get3A_283 = arith.constant 48 : index
      %get3A_284 = tpu.vector_load %arg26[%get3A_283] {strides = array<i32>} : memref<256xf32, #tpu.memory_space<vmem>>, vector<16xf32>,
      %max3A_285 = arith.maximumf %max3A_282, %get3A_284 : vector<16xf32>
      %get3A_286 = arith.constant 64 : index
      %get3A_287 = tpu.vector_load %arg26[%get3A_286] {strides = array<i32>} : memref<256xf32, #tpu.memory_space<vmem>>, vector<16xf32>,
      %max3A_288 = arith.maximumf %max3A_285, %get3A_287 : vector<16xf32>
      %get3A_289 = arith.constant 80 : index
      %get3A_290 = tpu.vector_load %arg26[%get3A_289] {strides = array<i32>} : memref<256xf32, #tpu.memory_space<vmem>>, vector<16xf32>,
      %max3A_291 = arith.maximumf %max3A_288, %get3A_290 : vector<16xf32>
      %get3A_292 = arith.constant 96 : index
      %get3A_293 = tpu.vector_load %arg26[%get3A_292] {strides = array<i32>} : memref<256xf32, #tpu.memory_space<vmem>>, vector<16xf32>,
      %max3A_294 = arith.maximumf %max3A_291, %get3A_293 : vector<16xf32>
      %get3A_295 = arith.constant 112 : index
      %get3A_296 = tpu.vector_load %arg26[%get3A_295] {strides = array<i32>} : memref<256xf32, #tpu.memory_space<vmem>>, vector<16xf32>,
      %max3A_297 = arith.maximumf %max3A_294, %get3A_296 : vector<16xf32>
      %get3A_298 = arith.constant 128 : index
      %get3A_299 = tpu.vector_load %arg26[%get3A_298] {strides = array<i32>} : memref<256xf32, #tpu.memory_space<vmem>>, vector<16xf32>,
      %max3A_300 = arith.maximumf %max3A_297, %get3A_299 : vector<16xf32>
      %get3A_301 = arith.constant 144 : index
      %get3A_302 = tpu.vector_load %arg26[%get3A_301] {strides = array<i32>} : memref<256xf32, #tpu.memory_space<vmem>>, vector<16xf32>,
      %max3A_303 = arith.maximumf %max3A_300, %get3A_302 : vector<16xf32>
      %get3A_304 = arith.constant 160 : index
      %get3A_305 = tpu.vector_load %arg26[%get3A_304] {strides = array<i32>} : memref<256xf32, #tpu.memory_space<vmem>>, vector<16xf32>,
      %max3A_306 = arith.maximumf %max3A_303, %get3A_305 : vector<16xf32>
      %get3A_307 = arith.constant 176 : index
      %get3A_308 = tpu.vector_load %arg26[%get3A_307] {strides = array<i32>} : memref<256xf32, #tpu.memory_space<vmem>>, vector<16xf32>,
      %max3A_309 = arith.maximumf %max3A_306, %get3A_308 : vector<16xf32>
      %get3A_310 = arith.constant 192 : index
      %get3A_311 = tpu.vector_load %arg26[%get3A_310] {strides = array<i32>} : memref<256xf32, #tpu.memory_space<vmem>>, vector<16xf32>,
      %max3A_312 = arith.maximumf %max3A_309, %get3A_311 : vector<16xf32>
      %get3A_313 = arith.constant 208 : index
      %get3A_314 = tpu.vector_load %arg26[%get3A_313] {strides = array<i32>} : memref<256xf32, #tpu.memory_space<vmem>>, vector<16xf32>,
      %max3A_315 = arith.maximumf %max3A_312, %get3A_314 : vector<16xf32>
      %get3A_316 = arith.constant 224 : index
      %get3A_317 = tpu.vector_load %arg26[%get3A_316] {strides = array<i32>} : memref<256xf32, #tpu.memory_space<vmem>>, vector<16xf32>,
      %max3A_318 = arith.maximumf %max3A_315, %get3A_317 : vector<16xf32>
      %get3A_319 = arith.constant 240 : index
      %get3A_320 = tpu.vector_load %arg26[%get3A_319] {strides = array<i32>} : memref<256xf32, #tpu.memory_space<vmem>>, vector<16xf32>,
      %max3A_321 = arith.maximumf %max3A_318, %get3A_320 : vector<16xf32>
      %reduce_max3A = arith.constant true
      %reduce_max3A_322 = vector.broadcast %reduce_max3A : i1 to vector<16xi1>
      %reduce_max3A_323 = tpu.scan <max>, %max3A_321 masked %reduce_max3A_322 : vector<16xf32>, vector<16xi1> -> vector<16xf32>
      %reduce_max3A_324 = vector.extract %reduce_max3A_323[15] : f32 from vector<16xf32>
      %add3A_325 = arith.constant 1.000000e+00 : f32
      %add3A_326 = arith.addf %reduce_max3A_324, %add3A_325 : f32
      %broadcast_in_dim3A_327 = arith.constant 0.000000e+00 : f32
      %broadcast_in_dim3A_328 = vector.broadcast %broadcast_in_dim3A_327 : f32 to vector<16xf32>
      %broadcast_in_dim3A_329 = arith.constant 0 : i32
      %broadcast_in_dim3A_330 = vector.broadcast %broadcast_in_dim3A_329 : i32 to vector<16xi32>
      %swap3A_331 = arith.constant 0 : index
      %swap3A_332 = tpu.vector_load %arg34[%swap3A_331] {strides = array<i32>} : memref<128xf32, #tpu.memory_space<vmem>>, vector<16xf32>,
      tpu.vector_store %arg34[%swap3A_331], %broadcast_in_dim3A_328 {strides = array<i32>} : memref<128xf32, #tpu.memory_space<vmem>>, vector<16xf32>,
      %swap3A_333 = arith.constant 0 : index
      %swap3A_334 = tpu.vector_load %arg35[%swap3A_333] {strides = array<i32>} : memref<128xf32, #tpu.memory_space<vmem>>, vector<16xf32>,
      tpu.vector_store %arg35[%swap3A_333], %broadcast_in_dim3A_328 {strides = array<i32>} : memref<128xf32, #tpu.memory_space<vmem>>, vector<16xf32>,
      %swap3A_335 = arith.constant 0 : index
      %swap3A_336 = tpu.vector_load %arg36[%swap3A_335] {strides = array<i32>} : memref<128xf32, #tpu.memory_space<vmem>>, vector<16xf32>,
      tpu.vector_store %arg36[%swap3A_335], %broadcast_in_dim3A_328 {strides = array<i32>} : memref<128xf32, #tpu.memory_space<vmem>>, vector<16xf32>,
      %swap3A_337 = arith.constant 0 : index
      %swap3A_338 = tpu.vector_load %arg37[%swap3A_337] {strides = array<i32>} : memref<128xf32, #tpu.memory_space<vmem>>, vector<16xf32>,
      tpu.vector_store %arg37[%swap3A_337], %broadcast_in_dim3A_328 {strides = array<i32>} : memref<128xf32, #tpu.memory_space<vmem>>, vector<16xf32>,
      %swap3A_339 = arith.constant 0 : index
      %swap3A_340 = tpu.vector_load %arg38[%swap3A_339] {strides = array<i32>} : memref<128xf32, #tpu.memory_space<vmem>>, vector<16xf32>,
      tpu.vector_store %arg38[%swap3A_339], %broadcast_in_dim3A_328 {strides = array<i32>} : memref<128xf32, #tpu.memory_space<vmem>>, vector<16xf32>,
      %swap3A_341 = arith.constant 0 : index
      %swap3A_342 = tpu.vector_load %arg39[%swap3A_341] {strides = array<i32>} : memref<128xi32, #tpu.memory_space<vmem>>, vector<16xi32>,
      tpu.vector_store %arg39[%swap3A_341], %broadcast_in_dim3A_330 {strides = array<i32>} : memref<128xi32, #tpu.memory_space<vmem>>, vector<16xi32>,
      %swap3A_343 = arith.constant 16 : index
      %swap3A_344 = tpu.vector_load %arg34[%swap3A_343] {strides = array<i32>} : memref<128xf32, #tpu.memory_space<vmem>>, vector<16xf32>,
      tpu.vector_store %arg34[%swap3A_343], %broadcast_in_dim3A_328 {strides = array<i32>} : memref<128xf32, #tpu.memory_space<vmem>>, vector<16xf32>,
      %swap3A_345 = arith.constant 16 : index
      %swap3A_346 = tpu.vector_load %arg35[%swap3A_345] {strides = array<i32>} : memref<128xf32, #tpu.memory_space<vmem>>, vector<16xf32>,
      tpu.vector_store %arg35[%swap3A_345], %broadcast_in_dim3A_328 {strides = array<i32>} : memref<128xf32, #tpu.memory_space<vmem>>, vector<16xf32>,
      %swap3A_347 = arith.constant 16 : index
      %swap3A_348 = tpu.vector_load %arg36[%swap3A_347] {strides = array<i32>} : memref<128xf32, #tpu.memory_space<vmem>>, vector<16xf32>,
      tpu.vector_store %arg36[%swap3A_347], %broadcast_in_dim3A_328 {strides = array<i32>} : memref<128xf32, #tpu.memory_space<vmem>>, vector<16xf32>,
      %swap3A_349 = arith.constant 16 : index
      %swap3A_350 = tpu.vector_load %arg37[%swap3A_349] {strides = array<i32>} : memref<128xf32, #tpu.memory_space<vmem>>, vector<16xf32>,
      tpu.vector_store %arg37[%swap3A_349], %broadcast_in_dim3A_328 {strides = array<i32>} : memref<128xf32, #tpu.memory_space<vmem>>, vector<16xf32>,
      %swap3A_351 = arith.constant 16 : index
      %swap3A_352 = tpu.vector_load %arg38[%swap3A_351] {strides = array<i32>} : memref<128xf32, #tpu.memory_space<vmem>>, vector<16xf32>,
      tpu.vector_store %arg38[%swap3A_351], %broadcast_in_dim3A_328 {strides = array<i32>} : memref<128xf32, #tpu.memory_space<vmem>>, vector<16xf32>,
      %swap3A_353 = arith.constant 16 : index
      %swap3A_354 = tpu.vector_load %arg39[%swap3A_353] {strides = array<i32>} : memref<128xi32, #tpu.memory_space<vmem>>, vector<16xi32>,
      tpu.vector_store %arg39[%swap3A_353], %broadcast_in_dim3A_330 {strides = array<i32>} : memref<128xi32, #tpu.memory_space<vmem>>, vector<16xi32>,
      %swap3A_355 = arith.constant 32 : index
      %swap3A_356 = tpu.vector_load %arg34[%swap3A_355] {strides = array<i32>} : memref<128xf32, #tpu.memory_space<vmem>>, vector<16xf32>,
      tpu.vector_store %arg34[%swap3A_355], %broadcast_in_dim3A_328 {strides = array<i32>} : memref<128xf32, #tpu.memory_space<vmem>>, vector<16xf32>,
      %swap3A_357 = arith.constant 32 : index
      %swap3A_358 = tpu.vector_load %arg35[%swap3A_357] {strides = array<i32>} : memref<128xf32, #tpu.memory_space<vmem>>, vector<16xf32>,
      tpu.vector_store %arg35[%swap3A_357], %broadcast_in_dim3A_328 {strides = array<i32>} : memref<128xf32, #tpu.memory_space<vmem>>, vector<16xf32>,
      %swap3A_359 = arith.constant 32 : index
      %swap3A_360 = tpu.vector_load %arg36[%swap3A_359] {strides = array<i32>} : memref<128xf32, #tpu.memory_space<vmem>>, vector<16xf32>,
      tpu.vector_store %arg36[%swap3A_359], %broadcast_in_dim3A_328 {strides = array<i32>} : memref<128xf32, #tpu.memory_space<vmem>>, vector<16xf32>,
      %swap3A_361 = arith.constant 32 : index
      %swap3A_362 = tpu.vector_load %arg37[%swap3A_361] {strides = array<i32>} : memref<128xf32, #tpu.memory_space<vmem>>, vector<16xf32>,
      tpu.vector_store %arg37[%swap3A_361], %broadcast_in_dim3A_328 {strides = array<i32>} : memref<128xf32, #tpu.memory_space<vmem>>, vector<16xf32>,
      %swap3A_363 = arith.constant 32 : index
      %swap3A_364 = tpu.vector_load %arg38[%swap3A_363] {strides = array<i32>} : memref<128xf32, #tpu.memory_space<vmem>>, vector<16xf32>,
      tpu.vector_store %arg38[%swap3A_363], %broadcast_in_dim3A_328 {strides = array<i32>} : memref<128xf32, #tpu.memory_space<vmem>>, vector<16xf32>,
      %swap3A_365 = arith.constant 32 : index
      %swap3A_366 = tpu.vector_load %arg39[%swap3A_365] {strides = array<i32>} : memref<128xi32, #tpu.memory_space<vmem>>, vector<16xi32>,
      tpu.vector_store %arg39[%swap3A_365], %broadcast_in_dim3A_330 {strides = array<i32>} : memref<128xi32, #tpu.memory_space<vmem>>, vector<16xi32>,
      %swap3A_367 = arith.constant 48 : index
      %swap3A_368 = tpu.vector_load %arg34[%swap3A_367] {strides = array<i32>} : memref<128xf32, #tpu.memory_space<vmem>>, vector<16xf32>,
      tpu.vector_store %arg34[%swap3A_367], %broadcast_in_dim3A_328 {strides = array<i32>} : memref<128xf32, #tpu.memory_space<vmem>>, vector<16xf32>,
      %swap3A_369 = arith.constant 48 : index
      %swap3A_370 = tpu.vector_load %arg35[%swap3A_369] {strides = array<i32>} : memref<128xf32, #tpu.memory_space<vmem>>, vector<16xf32>,
      tpu.vector_store %arg35[%swap3A_369], %broadcast_in_dim3A_328 {strides = array<i32>} : memref<128xf32, #tpu.memory_space<vmem>>, vector<16xf32>,
      %swap3A_371 = arith.constant 48 : index
      %swap3A_372 = tpu.vector_load %arg36[%swap3A_371] {strides = array<i32>} : memref<128xf32, #tpu.memory_space<vmem>>, vector<16xf32>,
      tpu.vector_store %arg36[%swap3A_371], %broadcast_in_dim3A_328 {strides = array<i32>} : memref<128xf32, #tpu.memory_space<vmem>>, vector<16xf32>,
      %swap3A_373 = arith.constant 48 : index
      %swap3A_374 = tpu.vector_load %arg37[%swap3A_373] {strides = array<i32>} : memref<128xf32, #tpu.memory_space<vmem>>, vector<16xf32>,
      tpu.vector_store %arg37[%swap3A_373], %broadcast_in_dim3A_328 {strides = array<i32>} : memref<128xf32, #tpu.memory_space<vmem>>, vector<16xf32>,
      %swap3A_375 = arith.constant 48 : index
      %swap3A_376 = tpu.vector_load %arg38[%swap3A_375] {strides = array<i32>} : memref<128xf32, #tpu.memory_space<vmem>>, vector<16xf32>,
      tpu.vector_store %arg38[%swap3A_375], %broadcast_in_dim3A_328 {strides = array<i32>} : memref<128xf32, #tpu.memory_space<vmem>>, vector<16xf32>,
      %swap3A_377 = arith.constant 48 : index
      %swap3A_378 = tpu.vector_load %arg39[%swap3A_377] {strides = array<i32>} : memref<128xi32, #tpu.memory_space<vmem>>, vector<16xi32>,
      tpu.vector_store %arg39[%swap3A_377], %broadcast_in_dim3A_330 {strides = array<i32>} : memref<128xi32, #tpu.memory_space<vmem>>, vector<16xi32>,
      %swap3A_379 = arith.constant 64 : index
      %swap3A_380 = tpu.vector_load %arg34[%swap3A_379] {strides = array<i32>} : memref<128xf32, #tpu.memory_space<vmem>>, vector<16xf32>,
      tpu.vector_store %arg34[%swap3A_379], %broadcast_in_dim3A_328 {strides = array<i32>} : memref<128xf32, #tpu.memory_space<vmem>>, vector<16xf32>,
      %swap3A_381 = arith.constant 64 : index
      %swap3A_382 = tpu.vector_load %arg35[%swap3A_381] {strides = array<i32>} : memref<128xf32, #tpu.memory_space<vmem>>, vector<16xf32>,
      tpu.vector_store %arg35[%swap3A_381], %broadcast_in_dim3A_328 {strides = array<i32>} : memref<128xf32, #tpu.memory_space<vmem>>, vector<16xf32>,
      %swap3A_383 = arith.constant 64 : index
      %swap3A_384 = tpu.vector_load %arg36[%swap3A_383] {strides = array<i32>} : memref<128xf32, #tpu.memory_space<vmem>>, vector<16xf32>,
      tpu.vector_store %arg36[%swap3A_383], %broadcast_in_dim3A_328 {strides = array<i32>} : memref<128xf32, #tpu.memory_space<vmem>>, vector<16xf32>,
      %swap3A_385 = arith.constant 64 : index
      %swap3A_386 = tpu.vector_load %arg37[%swap3A_385] {strides = array<i32>} : memref<128xf32, #tpu.memory_space<vmem>>, vector<16xf32>,
      tpu.vector_store %arg37[%swap3A_385], %broadcast_in_dim3A_328 {strides = array<i32>} : memref<128xf32, #tpu.memory_space<vmem>>, vector<16xf32>,
      %swap3A_387 = arith.constant 64 : index
      %swap3A_388 = tpu.vector_load %arg38[%swap3A_387] {strides = array<i32>} : memref<128xf32, #tpu.memory_space<vmem>>, vector<16xf32>,
      tpu.vector_store %arg38[%swap3A_387], %broadcast_in_dim3A_328 {strides = array<i32>} : memref<128xf32, #tpu.memory_space<vmem>>, vector<16xf32>,
      %swap3A_389 = arith.constant 64 : index
      %swap3A_390 = tpu.vector_load %arg39[%swap3A_389] {strides = array<i32>} : memref<128xi32, #tpu.memory_space<vmem>>, vector<16xi32>,
      tpu.vector_store %arg39[%swap3A_389], %broadcast_in_dim3A_330 {strides = array<i32>} : memref<128xi32, #tpu.memory_space<vmem>>, vector<16xi32>,
      %swap3A_391 = arith.constant 80 : index
      %swap3A_392 = tpu.vector_load %arg34[%swap3A_391] {strides = array<i32>} : memref<128xf32, #tpu.memory_space<vmem>>, vector<16xf32>,
      tpu.vector_store %arg34[%swap3A_391], %broadcast_in_dim3A_328 {strides = array<i32>} : memref<128xf32, #tpu.memory_space<vmem>>, vector<16xf32>,
      %swap3A_393 = arith.constant 80 : index
      %swap3A_394 = tpu.vector_load %arg35[%swap3A_393] {strides = array<i32>} : memref<128xf32, #tpu.memory_space<vmem>>, vector<16xf32>,
      tpu.vector_store %arg35[%swap3A_393], %broadcast_in_dim3A_328 {strides = array<i32>} : memref<128xf32, #tpu.memory_space<vmem>>, vector<16xf32>,
      %swap3A_395 = arith.constant 80 : index
      %swap3A_396 = tpu.vector_load %arg36[%swap3A_395] {strides = array<i32>} : memref<128xf32, #tpu.memory_space<vmem>>, vector<16xf32>,
      tpu.vector_store %arg36[%swap3A_395], %broadcast_in_dim3A_328 {strides = array<i32>} : memref<128xf32, #tpu.memory_space<vmem>>, vector<16xf32>,
      %swap3A_397 = arith.constant 80 : index
      %swap3A_398 = tpu.vector_load %arg37[%swap3A_397] {strides = array<i32>} : memref<128xf32, #tpu.memory_space<vmem>>, vector<16xf32>,
      tpu.vector_store %arg37[%swap3A_397], %broadcast_in_dim3A_328 {strides = array<i32>} : memref<128xf32, #tpu.memory_space<vmem>>, vector<16xf32>,
      %swap3A_399 = arith.constant 80 : index
      %swap3A_400 = tpu.vector_load %arg38[%swap3A_399] {strides = array<i32>} : memref<128xf32, #tpu.memory_space<vmem>>, vector<16xf32>,
      tpu.vector_store %arg38[%swap3A_399], %broadcast_in_dim3A_328 {strides = array<i32>} : memref<128xf32, #tpu.memory_space<vmem>>, vector<16xf32>,
      %swap3A_401 = arith.constant 80 : index
      %swap3A_402 = tpu.vector_load %arg39[%swap3A_401] {strides = array<i32>} : memref<128xi32, #tpu.memory_space<vmem>>, vector<16xi32>,
      tpu.vector_store %arg39[%swap3A_401], %broadcast_in_dim3A_330 {strides = array<i32>} : memref<128xi32, #tpu.memory_space<vmem>>, vector<16xi32>,
      %swap3A_403 = arith.constant 96 : index
      %swap3A_404 = tpu.vector_load %arg34[%swap3A_403] {strides = array<i32>} : memref<128xf32, #tpu.memory_space<vmem>>, vector<16xf32>,
      tpu.vector_store %arg34[%swap3A_403], %broadcast_in_dim3A_328 {strides = array<i32>} : memref<128xf32, #tpu.memory_space<vmem>>, vector<16xf32>,
      %swap3A_405 = arith.constant 96 : index
      %swap3A_406 = tpu.vector_load %arg35[%swap3A_405] {strides = array<i32>} : memref<128xf32, #tpu.memory_space<vmem>>, vector<16xf32>,
      tpu.vector_store %arg35[%swap3A_405], %broadcast_in_dim3A_328 {strides = array<i32>} : memref<128xf32, #tpu.memory_space<vmem>>, vector<16xf32>,
      %swap3A_407 = arith.constant 96 : index
      %swap3A_408 = tpu.vector_load %arg36[%swap3A_407] {strides = array<i32>} : memref<128xf32, #tpu.memory_space<vmem>>, vector<16xf32>,
      tpu.vector_store %arg36[%swap3A_407], %broadcast_in_dim3A_328 {strides = array<i32>} : memref<128xf32, #tpu.memory_space<vmem>>, vector<16xf32>,
      %swap3A_409 = arith.constant 96 : index
      %swap3A_410 = tpu.vector_load %arg37[%swap3A_409] {strides = array<i32>} : memref<128xf32, #tpu.memory_space<vmem>>, vector<16xf32>,
      tpu.vector_store %arg37[%swap3A_409], %broadcast_in_dim3A_328 {strides = array<i32>} : memref<128xf32, #tpu.memory_space<vmem>>, vector<16xf32>,
      %swap3A_411 = arith.constant 96 : index
      %swap3A_412 = tpu.vector_load %arg38[%swap3A_411] {strides = array<i32>} : memref<128xf32, #tpu.memory_space<vmem>>, vector<16xf32>,
      tpu.vector_store %arg38[%swap3A_411], %broadcast_in_dim3A_328 {strides = array<i32>} : memref<128xf32, #tpu.memory_space<vmem>>, vector<16xf32>,
      %swap3A_413 = arith.constant 96 : index
      %swap3A_414 = tpu.vector_load %arg39[%swap3A_413] {strides = array<i32>} : memref<128xi32, #tpu.memory_space<vmem>>, vector<16xi32>,
      tpu.vector_store %arg39[%swap3A_413], %broadcast_in_dim3A_330 {strides = array<i32>} : memref<128xi32, #tpu.memory_space<vmem>>, vector<16xi32>,
      %swap3A_415 = arith.constant 112 : index
      %swap3A_416 = tpu.vector_load %arg34[%swap3A_415] {strides = array<i32>} : memref<128xf32, #tpu.memory_space<vmem>>, vector<16xf32>,
      tpu.vector_store %arg34[%swap3A_415], %broadcast_in_dim3A_328 {strides = array<i32>} : memref<128xf32, #tpu.memory_space<vmem>>, vector<16xf32>,
      %swap3A_417 = arith.constant 112 : index
      %swap3A_418 = tpu.vector_load %arg35[%swap3A_417] {strides = array<i32>} : memref<128xf32, #tpu.memory_space<vmem>>, vector<16xf32>,
      tpu.vector_store %arg35[%swap3A_417], %broadcast_in_dim3A_328 {strides = array<i32>} : memref<128xf32, #tpu.memory_space<vmem>>, vector<16xf32>,
      %swap3A_419 = arith.constant 112 : index
      %swap3A_420 = tpu.vector_load %arg36[%swap3A_419] {strides = array<i32>} : memref<128xf32, #tpu.memory_space<vmem>>, vector<16xf32>,
      tpu.vector_store %arg36[%swap3A_419], %broadcast_in_dim3A_328 {strides = array<i32>} : memref<128xf32, #tpu.memory_space<vmem>>, vector<16xf32>,
      %swap3A_421 = arith.constant 112 : index
      %swap3A_422 = tpu.vector_load %arg37[%swap3A_421] {strides = array<i32>} : memref<128xf32, #tpu.memory_space<vmem>>, vector<16xf32>,
      tpu.vector_store %arg37[%swap3A_421], %broadcast_in_dim3A_328 {strides = array<i32>} : memref<128xf32, #tpu.memory_space<vmem>>, vector<16xf32>,
      %swap3A_423 = arith.constant 112 : index
      %swap3A_424 = tpu.vector_load %arg38[%swap3A_423] {strides = array<i32>} : memref<128xf32, #tpu.memory_space<vmem>>, vector<16xf32>,
      tpu.vector_store %arg38[%swap3A_423], %broadcast_in_dim3A_328 {strides = array<i32>} : memref<128xf32, #tpu.memory_space<vmem>>, vector<16xf32>,
      %swap3A_425 = arith.constant 112 : index
      %swap3A_426 = tpu.vector_load %arg39[%swap3A_425] {strides = array<i32>} : memref<128xi32, #tpu.memory_space<vmem>>, vector<16xi32>,
      tpu.vector_store %arg39[%swap3A_425], %broadcast_in_dim3A_330 {strides = array<i32>} : memref<128xi32, #tpu.memory_space<vmem>>, vector<16xi32>,
      %scan3A_427 = arith.constant 0 : i32
      %scan3A_428 = arith.constant 0 : i32
      %scan3A_429 = arith.constant 10 : i32
      %scan3A_430 = arith.addi %scan3A_428, %scan3A_429 : i32
      %scan3A_431 = arith.constant 1 : i32
      %scan3A_432 = scf.for %scan3A_540 = %scan3A_428 to %scan3A_430 step %scan3A_431 iter_args(%scan3A_541 = %scan3A_427) -> (i32)  : i32 {
        %mul3A_542 = arith.constant 256 : i32
        %mul3A_543 = arith.muli %scan3A_540, %mul3A_542 : i32
        %mul3A_544 = arith.constant 16 : i32
        %mul3A_545 = vector.broadcast %mul3A_544 : i32 to vector<16xi32>
        %mul3A_546 = arith.muli %iota3A, %mul3A_545 : vector<16xi32>
        %add3A_547 = vector.broadcast %mul3A_543 : i32 to vector<16xi32>
        %add3A_548 = arith.addi %add3A_547, %mul3A_546 : vector<16xi32>
        %gather3A_549 = tpu.vector_load_idx %arg23[%add3A_548] : memref<2560xf32, #tpu.memory_space<vmem>>[vector<16xi32>], vector<16xf32>,
        %add3A_550 = arith.constant 1 : i32
        %add3A_551 = vector.broadcast %add3A_550 : i32 to vector<16xi32>
        %add3A_552 = arith.addi %add3A_548, %add3A_551 : vector<16xi32>
        %gather3A_553 = tpu.vector_load_idx %arg23[%add3A_552] : memref<2560xf32, #tpu.memory_space<vmem>>[vector<16xi32>], vector<16xf32>,
        %max3A_554 = arith.maximumf %gather3A_549, %gather3A_553 : vector<16xf32>
        %add3A_555 = arith.constant 2 : i32
        %add3A_556 = vector.broadcast %add3A_555 : i32 to vector<16xi32>
        %add3A_557 = arith.addi %add3A_548, %add3A_556 : vector<16xi32>
        %gather3A_558 = tpu.vector_load_idx %arg23[%add3A_557] : memref<2560xf32, #tpu.memory_space<vmem>>[vector<16xi32>], vector<16xf32>,
        %max3A_559 = arith.maximumf %max3A_554, %gather3A_558 : vector<16xf32>
        %add3A_560 = arith.constant 3 : i32
        %add3A_561 = vector.broadcast %add3A_560 : i32 to vector<16xi32>
        %add3A_562 = arith.addi %add3A_548, %add3A_561 : vector<16xi32>
        %gather3A_563 = tpu.vector_load_idx %arg23[%add3A_562] : memref<2560xf32, #tpu.memory_space<vmem>>[vector<16xi32>], vector<16xf32>,
        %max3A_564 = arith.maximumf %max3A_559, %gather3A_563 : vector<16xf32>
        %add3A_565 = arith.constant 4 : i32
        %add3A_566 = vector.broadcast %add3A_565 : i32 to vector<16xi32>
        %add3A_567 = arith.addi %add3A_548, %add3A_566 : vector<16xi32>
        %gather3A_568 = tpu.vector_load_idx %arg23[%add3A_567] : memref<2560xf32, #tpu.memory_space<vmem>>[vector<16xi32>], vector<16xf32>,
        %max3A_569 = arith.maximumf %max3A_564, %gather3A_568 : vector<16xf32>
        %add3A_570 = arith.constant 5 : i32
        %add3A_571 = vector.broadcast %add3A_570 : i32 to vector<16xi32>
        %add3A_572 = arith.addi %add3A_548, %add3A_571 : vector<16xi32>
        %gather3A_573 = tpu.vector_load_idx %arg23[%add3A_572] : memref<2560xf32, #tpu.memory_space<vmem>>[vector<16xi32>], vector<16xf32>,
        %max3A_574 = arith.maximumf %max3A_569, %gather3A_573 : vector<16xf32>
        %add3A_575 = arith.constant 6 : i32
        %add3A_576 = vector.broadcast %add3A_575 : i32 to vector<16xi32>
        %add3A_577 = arith.addi %add3A_548, %add3A_576 : vector<16xi32>
        %gather3A_578 = tpu.vector_load_idx %arg23[%add3A_577] : memref<2560xf32, #tpu.memory_space<vmem>>[vector<16xi32>], vector<16xf32>,
        %max3A_579 = arith.maximumf %max3A_574, %gather3A_578 : vector<16xf32>
        %add3A_580 = arith.constant 7 : i32
        %add3A_581 = vector.broadcast %add3A_580 : i32 to vector<16xi32>
        %add3A_582 = arith.addi %add3A_548, %add3A_581 : vector<16xi32>
        %gather3A_583 = tpu.vector_load_idx %arg23[%add3A_582] : memref<2560xf32, #tpu.memory_space<vmem>>[vector<16xi32>], vector<16xf32>,
        %max3A_584 = arith.maximumf %max3A_579, %gather3A_583 : vector<16xf32>
        %add3A_585 = arith.constant 8 : i32
        %add3A_586 = vector.broadcast %add3A_585 : i32 to vector<16xi32>
        %add3A_587 = arith.addi %add3A_548, %add3A_586 : vector<16xi32>
        %gather3A_588 = tpu.vector_load_idx %arg23[%add3A_587] : memref<2560xf32, #tpu.memory_space<vmem>>[vector<16xi32>], vector<16xf32>,
        %max3A_589 = arith.maximumf %max3A_584, %gather3A_588 : vector<16xf32>
        %add3A_590 = arith.constant 9 : i32
        %add3A_591 = vector.broadcast %add3A_590 : i32 to vector<16xi32>
        %add3A_592 = arith.addi %add3A_548, %add3A_591 : vector<16xi32>
        %gather3A_593 = tpu.vector_load_idx %arg23[%add3A_592] : memref<2560xf32, #tpu.memory_space<vmem>>[vector<16xi32>], vector<16xf32>,
        %max3A_594 = arith.maximumf %max3A_589, %gather3A_593 : vector<16xf32>
        %add3A_595 = arith.constant 10 : i32
        %add3A_596 = vector.broadcast %add3A_595 : i32 to vector<16xi32>
        %add3A_597 = arith.addi %add3A_548, %add3A_596 : vector<16xi32>
        %gather3A_598 = tpu.vector_load_idx %arg23[%add3A_597] : memref<2560xf32, #tpu.memory_space<vmem>>[vector<16xi32>], vector<16xf32>,
        %max3A_599 = arith.maximumf %max3A_594, %gather3A_598 : vector<16xf32>
        %add3A_600 = arith.constant 11 : i32
        %add3A_601 = vector.broadcast %add3A_600 : i32 to vector<16xi32>
        %add3A_602 = arith.addi %add3A_548, %add3A_601 : vector<16xi32>
        %gather3A_603 = tpu.vector_load_idx %arg23[%add3A_602] : memref<2560xf32, #tpu.memory_space<vmem>>[vector<16xi32>], vector<16xf32>,
        %max3A_604 = arith.maximumf %max3A_599, %gather3A_603 : vector<16xf32>
        %add3A_605 = arith.constant 12 : i32
        %add3A_606 = vector.broadcast %add3A_605 : i32 to vector<16xi32>
        %add3A_607 = arith.addi %add3A_548, %add3A_606 : vector<16xi32>
        %gather3A_608 = tpu.vector_load_idx %arg23[%add3A_607] : memref<2560xf32, #tpu.memory_space<vmem>>[vector<16xi32>], vector<16xf32>,
        %max3A_609 = arith.maximumf %max3A_604, %gather3A_608 : vector<16xf32>
        %add3A_610 = arith.constant 13 : i32
        %add3A_611 = vector.broadcast %add3A_610 : i32 to vector<16xi32>
        %add3A_612 = arith.addi %add3A_548, %add3A_611 : vector<16xi32>
        %gather3A_613 = tpu.vector_load_idx %arg23[%add3A_612] : memref<2560xf32, #tpu.memory_space<vmem>>[vector<16xi32>], vector<16xf32>,
        %max3A_614 = arith.maximumf %max3A_609, %gather3A_613 : vector<16xf32>
        %add3A_615 = arith.constant 14 : i32
        %add3A_616 = vector.broadcast %add3A_615 : i32 to vector<16xi32>
        %add3A_617 = arith.addi %add3A_548, %add3A_616 : vector<16xi32>
        %gather3A_618 = tpu.vector_load_idx %arg23[%add3A_617] : memref<2560xf32, #tpu.memory_space<vmem>>[vector<16xi32>], vector<16xf32>,
        %max3A_619 = arith.maximumf %max3A_614, %gather3A_618 : vector<16xf32>
        %add3A_620 = arith.constant 15 : i32
        %add3A_621 = vector.broadcast %add3A_620 : i32 to vector<16xi32>
        %add3A_622 = arith.addi %add3A_548, %add3A_621 : vector<16xi32>
        %gather3A_623 = tpu.vector_load_idx %arg23[%add3A_622] : memref<2560xf32, #tpu.memory_space<vmem>>[vector<16xi32>], vector<16xf32>,
        %max3A_624 = arith.maximumf %max3A_619, %gather3A_623 : vector<16xf32>
        %mul3A_625 = arith.constant 16 : i32
        %mul3A_626 = arith.muli %scan3A_540, %mul3A_625 : i32
        %swap3A_627 = arith.index_cast %mul3A_626 : i32 to index
        %swap3A_628 = tpu.vector_load %arg24[%swap3A_627] {strides = array<i32>} : memref<256xf32, #tpu.memory_space<vmem>>, vector<16xf32>,
        tpu.vector_store %arg24[%swap3A_627], %max3A_624 {strides = array<i32>} : memref<256xf32, #tpu.memory_space<vmem>>, vector<16xf32>,
        %scan3A_629 = arith.constant 0 : i32
        scf.yield %scan3A_629 : i32
      }
      %scan3A_433 = arith.constant 10 : i32
      %broadcast_in_dim3A_434 = arith.constant -2.000000e+00 : f32
      %broadcast_in_dim3A_435 = vector.broadcast %broadcast_in_dim3A_434 : f32 to vector<16xf32>
      %swap3A_436 = arith.constant 160 : index
      %swap3A_437 = tpu.vector_load %arg24[%swap3A_436] {strides = array<i32>} : memref<256xf32, #tpu.memory_space<vmem>>, vector<16xf32>,
      tpu.vector_store %arg24[%swap3A_436], %broadcast_in_dim3A_435 {strides = array<i32>} : memref<256xf32, #tpu.memory_space<vmem>>, vector<16xf32>,
      %broadcast_in_dim3A_438 = arith.constant -2.000000e+00 : f32
      %broadcast_in_dim3A_439 = vector.broadcast %broadcast_in_dim3A_438 : f32 to vector<16xf32>
      %swap3A_440 = arith.constant 176 : index
      %swap3A_441 = tpu.vector_load %arg24[%swap3A_440] {strides = array<i32>} : memref<256xf32, #tpu.memory_space<vmem>>, vector<16xf32>,
      tpu.vector_store %arg24[%swap3A_440], %broadcast_in_dim3A_439 {strides = array<i32>} : memref<256xf32, #tpu.memory_space<vmem>>, vector<16xf32>,
      %broadcast_in_dim3A_442 = arith.constant -2.000000e+00 : f32
      %broadcast_in_dim3A_443 = vector.broadcast %broadcast_in_dim3A_442 : f32 to vector<16xf32>
      %swap3A_444 = arith.constant 192 : index
      %swap3A_445 = tpu.vector_load %arg24[%swap3A_444] {strides = array<i32>} : memref<256xf32, #tpu.memory_space<vmem>>, vector<16xf32>,
      tpu.vector_store %arg24[%swap3A_444], %broadcast_in_dim3A_443 {strides = array<i32>} : memref<256xf32, #tpu.memory_space<vmem>>, vector<16xf32>,
      %broadcast_in_dim3A_446 = arith.constant -2.000000e+00 : f32
      %broadcast_in_dim3A_447 = vector.broadcast %broadcast_in_dim3A_446 : f32 to vector<16xf32>
      %swap3A_448 = arith.constant 208 : index
      %swap3A_449 = tpu.vector_load %arg24[%swap3A_448] {strides = array<i32>} : memref<256xf32, #tpu.memory_space<vmem>>, vector<16xf32>,
      tpu.vector_store %arg24[%swap3A_448], %broadcast_in_dim3A_447 {strides = array<i32>} : memref<256xf32, #tpu.memory_space<vmem>>, vector<16xf32>,
      %broadcast_in_dim3A_450 = arith.constant -2.000000e+00 : f32
      %broadcast_in_dim3A_451 = vector.broadcast %broadcast_in_dim3A_450 : f32 to vector<16xf32>
      %swap3A_452 = arith.constant 224 : index
      %swap3A_453 = tpu.vector_load %arg24[%swap3A_452] {strides = array<i32>} : memref<256xf32, #tpu.memory_space<vmem>>, vector<16xf32>,
      tpu.vector_store %arg24[%swap3A_452], %broadcast_in_dim3A_451 {strides = array<i32>} : memref<256xf32, #tpu.memory_space<vmem>>, vector<16xf32>,
      %broadcast_in_dim3A_454 = arith.constant -2.000000e+00 : f32
      %broadcast_in_dim3A_455 = vector.broadcast %broadcast_in_dim3A_454 : f32 to vector<16xf32>
      %swap3A_456 = arith.constant 240 : index
      %swap3A_457 = tpu.vector_load %arg24[%swap3A_456] {strides = array<i32>} : memref<256xf32, #tpu.memory_space<vmem>>, vector<16xf32>,
      tpu.vector_store %arg24[%swap3A_456], %broadcast_in_dim3A_455 {strides = array<i32>} : memref<256xf32, #tpu.memory_space<vmem>>, vector<16xf32>,
      %mul3A_458 = arith.constant 16 : i32
      %mul3A_459 = vector.broadcast %mul3A_458 : i32 to vector<16xi32>
      %mul3A_460 = arith.muli %iota3A, %mul3A_459 : vector<16xi32>
      %gather3A = tpu.vector_load_idx %arg24[%mul3A_460] : memref<256xf32, #tpu.memory_space<vmem>>[vector<16xi32>], vector<16xf32>,
      %add3A_461 = arith.constant 1 : i32
      %add3A_462 = vector.broadcast %add3A_461 : i32 to vector<16xi32>
      %add3A_463 = arith.addi %mul3A_460, %add3A_462 : vector<16xi32>
      %gather3A_464 = tpu.vector_load_idx %arg24[%add3A_463] : memref<256xf32, #tpu.memory_space<vmem>>[vector<16xi32>], vector<16xf32>,
      %max3A_465 = arith.maximumf %gather3A, %gather3A_464 : vector<16xf32>
      %add3A_466 = arith.constant 2 : i32
      %add3A_467 = vector.broadcast %add3A_466 : i32 to vector<16xi32>
      %add3A_468 = arith.addi %mul3A_460, %add3A_467 : vector<16xi32>
      %gather3A_469 = tpu.vector_load_idx %arg24[%add3A_468] : memref<256xf32, #tpu.memory_space<vmem>>[vector<16xi32>], vector<16xf32>,
      %max3A_470 = arith.maximumf %max3A_465, %gather3A_469 : vector<16xf32>
      %add3A_471 = arith.constant 3 : i32
      %add3A_472 = vector.broadcast %add3A_471 : i32 to vector<16xi32>
      %add3A_473 = arith.addi %mul3A_460, %add3A_472 : vector<16xi32>
      %gather3A_474 = tpu.vector_load_idx %arg24[%add3A_473] : memref<256xf32, #tpu.memory_space<vmem>>[vector<16xi32>], vector<16xf32>,
      %max3A_475 = arith.maximumf %max3A_470, %gather3A_474 : vector<16xf32>
      %add3A_476 = arith.constant 4 : i32
      %add3A_477 = vector.broadcast %add3A_476 : i32 to vector<16xi32>
      %add3A_478 = arith.addi %mul3A_460, %add3A_477 : vector<16xi32>
      %gather3A_479 = tpu.vector_load_idx %arg24[%add3A_478] : memref<256xf32, #tpu.memory_space<vmem>>[vector<16xi32>], vector<16xf32>,
      %max3A_480 = arith.maximumf %max3A_475, %gather3A_479 : vector<16xf32>
      %add3A_481 = arith.constant 5 : i32
      %add3A_482 = vector.broadcast %add3A_481 : i32 to vector<16xi32>
      %add3A_483 = arith.addi %mul3A_460, %add3A_482 : vector<16xi32>
      %gather3A_484 = tpu.vector_load_idx %arg24[%add3A_483] : memref<256xf32, #tpu.memory_space<vmem>>[vector<16xi32>], vector<16xf32>,
      %max3A_485 = arith.maximumf %max3A_480, %gather3A_484 : vector<16xf32>
      %add3A_486 = arith.constant 6 : i32
      %add3A_487 = vector.broadcast %add3A_486 : i32 to vector<16xi32>
      %add3A_488 = arith.addi %mul3A_460, %add3A_487 : vector<16xi32>
      %gather3A_489 = tpu.vector_load_idx %arg24[%add3A_488] : memref<256xf32, #tpu.memory_space<vmem>>[vector<16xi32>], vector<16xf32>,
      %max3A_490 = arith.maximumf %max3A_485, %gather3A_489 : vector<16xf32>
      %add3A_491 = arith.constant 7 : i32
      %add3A_492 = vector.broadcast %add3A_491 : i32 to vector<16xi32>
      %add3A_493 = arith.addi %mul3A_460, %add3A_492 : vector<16xi32>
      %gather3A_494 = tpu.vector_load_idx %arg24[%add3A_493] : memref<256xf32, #tpu.memory_space<vmem>>[vector<16xi32>], vector<16xf32>,
      %max3A_495 = arith.maximumf %max3A_490, %gather3A_494 : vector<16xf32>
      %add3A_496 = arith.constant 8 : i32
      %add3A_497 = vector.broadcast %add3A_496 : i32 to vector<16xi32>
      %add3A_498 = arith.addi %mul3A_460, %add3A_497 : vector<16xi32>
      %gather3A_499 = tpu.vector_load_idx %arg24[%add3A_498] : memref<256xf32, #tpu.memory_space<vmem>>[vector<16xi32>], vector<16xf32>,
      %max3A_500 = arith.maximumf %max3A_495, %gather3A_499 : vector<16xf32>
      %add3A_501 = arith.constant 9 : i32
      %add3A_502 = vector.broadcast %add3A_501 : i32 to vector<16xi32>
      %add3A_503 = arith.addi %mul3A_460, %add3A_502 : vector<16xi32>
      %gather3A_504 = tpu.vector_load_idx %arg24[%add3A_503] : memref<256xf32, #tpu.memory_space<vmem>>[vector<16xi32>], vector<16xf32>,
      %max3A_505 = arith.maximumf %max3A_500, %gather3A_504 : vector<16xf32>
      %add3A_506 = arith.constant 10 : i32
      %add3A_507 = vector.broadcast %add3A_506 : i32 to vector<16xi32>
      %add3A_508 = arith.addi %mul3A_460, %add3A_507 : vector<16xi32>
      %gather3A_509 = tpu.vector_load_idx %arg24[%add3A_508] : memref<256xf32, #tpu.memory_space<vmem>>[vector<16xi32>], vector<16xf32>,
      %max3A_510 = arith.maximumf %max3A_505, %gather3A_509 : vector<16xf32>
      %add3A_511 = arith.constant 11 : i32
      %add3A_512 = vector.broadcast %add3A_511 : i32 to vector<16xi32>
      %add3A_513 = arith.addi %mul3A_460, %add3A_512 : vector<16xi32>
      %gather3A_514 = tpu.vector_load_idx %arg24[%add3A_513] : memref<256xf32, #tpu.memory_space<vmem>>[vector<16xi32>], vector<16xf32>,
      %max3A_515 = arith.maximumf %max3A_510, %gather3A_514 : vector<16xf32>
      %add3A_516 = arith.constant 12 : i32
      %add3A_517 = vector.broadcast %add3A_516 : i32 to vector<16xi32>
      %add3A_518 = arith.addi %mul3A_460, %add3A_517 : vector<16xi32>
      %gather3A_519 = tpu.vector_load_idx %arg24[%add3A_518] : memref<256xf32, #tpu.memory_space<vmem>>[vector<16xi32>], vector<16xf32>,
      %max3A_520 = arith.maximumf %max3A_515, %gather3A_519 : vector<16xf32>
      %add3A_521 = arith.constant 13 : i32
      %add3A_522 = vector.broadcast %add3A_521 : i32 to vector<16xi32>
      %add3A_523 = arith.addi %mul3A_460, %add3A_522 : vector<16xi32>
      %gather3A_524 = tpu.vector_load_idx %arg24[%add3A_523] : memref<256xf32, #tpu.memory_space<vmem>>[vector<16xi32>], vector<16xf32>,
      %max3A_525 = arith.maximumf %max3A_520, %gather3A_524 : vector<16xf32>
      %add3A_526 = arith.constant 14 : i32
      %add3A_527 = vector.broadcast %add3A_526 : i32 to vector<16xi32>
      %add3A_528 = arith.addi %mul3A_460, %add3A_527 : vector<16xi32>
      %gather3A_529 = tpu.vector_load_idx %arg24[%add3A_528] : memref<256xf32, #tpu.memory_space<vmem>>[vector<16xi32>], vector<16xf32>,
      %max3A_530 = arith.maximumf %max3A_525, %gather3A_529 : vector<16xf32>
      %add3A_531 = arith.constant 15 : i32
      %add3A_532 = vector.broadcast %add3A_531 : i32 to vector<16xi32>
      %add3A_533 = arith.addi %mul3A_460, %add3A_532 : vector<16xi32>
      %gather3A_534 = tpu.vector_load_idx %arg24[%add3A_533] : memref<256xf32, #tpu.memory_space<vmem>>[vector<16xi32>], vector<16xf32>,
      %max3A_535 = arith.maximumf %max3A_530, %gather3A_534 : vector<16xf32>
      %swap3A_536 = arith.constant 0 : index
      %swap3A_537 = tpu.vector_load %arg25[%swap3A_536] {strides = array<i32>} : memref<16xf32, #tpu.memory_space<vmem>>, vector<16xf32>,
      tpu.vector_store %arg25[%swap3A_536], %max3A_535 {strides = array<i32>} : memref<16xf32, #tpu.memory_space<vmem>>, vector<16xf32>,
      %while3A = arith.constant 0 : i32
      %while3A_538 = arith.constant 0 : i32
      %while3A_539:2 = scf.while (%while3A_540 = %while3A, %while3A_541 = %while3A_538) : (i32, i32) -> (i32, i32) {
        %lt3A = arith.constant 100 : i32
        %lt3A_542 = arith.cmpi slt, %while3A_540, %lt3A : i32
        %eq3A_543 = arith.constant 0 : i32
        %eq3A_544 = arith.cmpi eq, %while3A_541, %eq3A_543 : i32
        %and3A = arith.andi %lt3A_542, %eq3A_544 : i1
        scf.condition(%and3A) %while3A_540, %while3A_541 : i32, i32
      } do {
      ^bb0(%while3A_540: i32, %while3A_541: i32):
        %get3A_542 = arith.constant 0 : index
        %get3A_543 = tpu.vector_load %arg25[%get3A_542] {strides = array<i32>} : memref<16xf32, #tpu.memory_space<vmem>>, vector<16xf32>,
        %reduce_max3A_544 = arith.constant true
        %reduce_max3A_545 = vector.broadcast %reduce_max3A_544 : i1 to vector<16xi1>
        %reduce_max3A_546 = tpu.scan <max>, %get3A_543 masked %reduce_max3A_545 : vector<16xf32>, vector<16xi1> -> vector<16xf32>
        %reduce_max3A_547 = vector.extract %reduce_max3A_546[15] : f32 from vector<16xf32>
        %gt3A = arith.constant 0.000000e+00 : f32
        %gt3A_548 = arith.cmpf ogt, %reduce_max3A_547, %gt3A : f32
        %eq3A_549 = vector.broadcast %reduce_max3A_547 : f32 to vector<16xf32>
        %eq3A_550 = arith.cmpf oeq, %get3A_543, %eq3A_549 : vector<16xf32>
        %all_reduce_ffs3A = tpu.all_reduce %eq3A_550 {dim = 0 : i64, kind = #tpu.reduction_kind<find_first_set>} : vector<16xi1> -> vector<16xi32>
        %slice3A = vector.extract_strided_slice %all_reduce_ffs3A {offsets = [0], sizes = [1], strides = [1]} : vector<16xi32> to vector<1xi32>
        %squeeze3A = vector.extract %slice3A[0] : i32 from vector<1xi32>
        %mul3A_551 = arith.constant 16 : i32
        %mul3A_552 = arith.muli %squeeze3A, %mul3A_551 : i32
        %get3A_553 = arith.index_cast %mul3A_552 : i32 to index
        %get3A_554 = tpu.vector_load %arg24[%get3A_553] {strides = array<i32>} : memref<256xf32, #tpu.memory_space<vmem>>, vector<16xf32>,
        %eq3A_555 = vector.broadcast %reduce_max3A_547 : f32 to vector<16xf32>
        %eq3A_556 = arith.cmpf oeq, %get3A_554, %eq3A_555 : vector<16xf32>
        %all_reduce_ffs3A_557 = tpu.all_reduce %eq3A_556 {dim = 0 : i64, kind = #tpu.reduction_kind<find_first_set>} : vector<16xi1> -> vector<16xi32>
        %slice3A_558 = vector.extract_strided_slice %all_reduce_ffs3A_557 {offsets = [0], sizes = [1], strides = [1]} : vector<16xi32> to vector<1xi32>
        %squeeze3A_559 = vector.extract %slice3A_558[0] : i32 from vector<1xi32>
        %mul3A_560 = arith.constant 16 : i32
        %mul3A_561 = arith.muli %squeeze3A, %mul3A_560 : i32
        %add3A_562 = arith.addi %mul3A_561, %squeeze3A_559 : i32
        %mul3A_563 = arith.constant 16 : i32
        %mul3A_564 = arith.muli %add3A_562, %mul3A_563 : i32
        %get3A_565 = arith.index_cast %mul3A_564 : i32 to index
        %get3A_566 = tpu.vector_load %arg23[%get3A_565] {strides = array<i32>} : memref<2560xf32, #tpu.memory_space<vmem>>, vector<16xf32>,
        %eq3A_567 = vector.broadcast %reduce_max3A_547 : f32 to vector<16xf32>
        %eq3A_568 = arith.cmpf oeq, %get3A_566, %eq3A_567 : vector<16xf32>
        %all_reduce_ffs3A_569 = tpu.all_reduce %eq3A_568 {dim = 0 : i64, kind = #tpu.reduction_kind<find_first_set>} : vector<16xi1> -> vector<16xi32>
        %slice3A_570 = vector.extract_strided_slice %all_reduce_ffs3A_569 {offsets = [0], sizes = [1], strides = [1]} : vector<16xi32> to vector<1xi32>
        %squeeze3A_571 = vector.extract %slice3A_570[0] : i32 from vector<1xi32>
        %mul3A_572 = arith.constant 16 : i32
        %mul3A_573 = arith.muli %add3A_562, %mul3A_572 : i32
        %add3A_574 = arith.addi %mul3A_573, %squeeze3A_571 : i32
        %mul3A_575 = arith.constant 64 : i32
        %mul3A_576 = arith.muli %add3A_574, %mul3A_575 : i32
        %dma_start3A_577 = tpu.memref_slice %arg20[%mul3A_576] : memref<163840xf32, #tpu.memory_space<vmem_shared>> -> memref<64xf32, #tpu.memory_space<vmem_shared>>
        %dma_start3A_578 = tpu.memref_slice %arg20[%mul3A_576] : memref<163840xf32, #tpu.memory_space<vmem_shared>> -> memref<64xf32, #tpu.memory_space<vmem_shared>>
        tpu.enqueue_dma source(%dma_start3A_578 : memref<64xf32, #tpu.memory_space<vmem_shared>>) target(%arg27 : memref<64xf32, #tpu.memory_space<vmem>>) target_semaphore(%arg28 : memref<!tpu.dma_semaphore, #tpu.memory_space<semaphore_mem>>)
        %mul3A_579 = arith.constant 16 : i32
        %mul3A_580 = arith.muli %add3A_574, %mul3A_579 : i32
        %get3A_581 = arith.index_cast %mul3A_580 : i32 to index
        %get3A_582 = tpu.vector_load %arg22[%get3A_581] {strides = array<i32>} : memref<40960xf32, #tpu.memory_space<vmem>>, vector<16xf32>,
        %eq3A_583 = vector.broadcast %reduce_max3A_547 : f32 to vector<16xf32>
        %eq3A_584 = arith.cmpf oeq, %get3A_582, %eq3A_583 : vector<16xf32>
        %all_reduce_ffs3A_585 = tpu.all_reduce %eq3A_584 {dim = 0 : i64, kind = #tpu.reduction_kind<find_first_set>} : vector<16xi1> -> vector<16xi32>
        %slice3A_586 = vector.extract_strided_slice %all_reduce_ffs3A_585 {offsets = [0], sizes = [1], strides = [1]} : vector<16xi32> to vector<1xi32>
        %squeeze3A_587 = vector.extract %slice3A_586[0] : i32 from vector<1xi32>
        %mul3A_588 = arith.constant 16 : i32
        %mul3A_589 = arith.muli %add3A_574, %mul3A_588 : i32
        %add3A_590 = arith.addi %mul3A_589, %squeeze3A_587 : i32
        %convert_element_type3A_591 = arith.extui %gt3A_548 : i1 to i32
        %cond3A_592 = arith.constant 0 : i32
        %cond3A_593 = arith.cmpi ne, %convert_element_type3A_591, %cond3A_592 : i32
        scf.if %cond3A_593 {
          %eq3A_697 = vector.broadcast %squeeze3A_587 : i32 to vector<16xi32>
          %eq3A_698 = arith.cmpi eq, %iota3A, %eq3A_697 : vector<16xi32>
          %jit3A_699 = arith.constant -1.000000e+00 : f32
          %broadcast_in_dim3A_700 = vector.broadcast %jit3A_699 : f32 to vector<16xf32>
          %select_n3A_701 = arith.select %eq3A_698, %broadcast_in_dim3A_700, %get3A_582 : vector<16xi1>, vector<16xf32>
          %broadcast_in_dim3A_702 = vector.broadcast %add3A_590 : i32 to vector<16xi32>
          %broadcast_in_dim3A_703 = arith.constant -1.000000e+00 : f32
          %broadcast_in_dim3A_704 = vector.broadcast %broadcast_in_dim3A_703 : f32 to vector<16xf32>
          %eq3A_705 = arith.constant 0 : i32
          %eq3A_706 = vector.broadcast %eq3A_705 : i32 to vector<16xi32>
          %eq3A_707 = arith.cmpi eq, %iota3A, %eq3A_706 : vector<16xi32>
          tpu.vector_store_idx %arg22[%broadcast_in_dim3A_702], %broadcast_in_dim3A_704 masked %eq3A_707 : memref<40960xf32, #tpu.memory_space<vmem>>[vector<16xi32>], vector<16xf32>, vector<16xi1>
          %reduce_max3A_708 = arith.constant true
          %reduce_max3A_709 = vector.broadcast %reduce_max3A_708 : i1 to vector<16xi1>
          %reduce_max3A_710 = tpu.scan <max>, %select_n3A_701 masked %reduce_max3A_709 : vector<16xf32>, vector<16xi1> -> vector<16xf32>
          %reduce_max3A_711 = vector.extract %reduce_max3A_710[15] : f32 from vector<16xf32>
          %broadcast_in_dim3A_712 = vector.broadcast %add3A_574 : i32 to vector<16xi32>
          %broadcast_in_dim3A_713 = vector.broadcast %reduce_max3A_711 : f32 to vector<16xf32>
          %eq3A_714 = arith.constant 0 : i32
          %eq3A_715 = vector.broadcast %eq3A_714 : i32 to vector<16xi32>
          %eq3A_716 = arith.cmpi eq, %iota3A, %eq3A_715 : vector<16xi32>
          tpu.vector_store_idx %arg23[%broadcast_in_dim3A_712], %broadcast_in_dim3A_713 masked %eq3A_716 : memref<2560xf32, #tpu.memory_space<vmem>>[vector<16xi32>], vector<16xf32>, vector<16xi1>
          %mul3A_717 = arith.constant 16 : i32
          %mul3A_718 = arith.muli %add3A_562, %mul3A_717 : i32
          %get3A_719 = arith.index_cast %mul3A_718 : i32 to index
          %get3A_720 = tpu.vector_load %arg23[%get3A_719] {strides = array<i32>} : memref<2560xf32, #tpu.memory_space<vmem>>, vector<16xf32>,
          %reduce_max3A_721 = arith.constant true
          %reduce_max3A_722 = vector.broadcast %reduce_max3A_721 : i1 to vector<16xi1>
          %reduce_max3A_723 = tpu.scan <max>, %get3A_720 masked %reduce_max3A_722 : vector<16xf32>, vector<16xi1> -> vector<16xf32>
          %reduce_max3A_724 = vector.extract %reduce_max3A_723[15] : f32 from vector<16xf32>
          %broadcast_in_dim3A_725 = vector.broadcast %add3A_562 : i32 to vector<16xi32>
          %broadcast_in_dim3A_726 = vector.broadcast %reduce_max3A_724 : f32 to vector<16xf32>
          %eq3A_727 = arith.constant 0 : i32
          %eq3A_728 = vector.broadcast %eq3A_727 : i32 to vector<16xi32>
          %eq3A_729 = arith.cmpi eq, %iota3A, %eq3A_728 : vector<16xi32>
          tpu.vector_store_idx %arg24[%broadcast_in_dim3A_725], %broadcast_in_dim3A_726 masked %eq3A_729 : memref<256xf32, #tpu.memory_space<vmem>>[vector<16xi32>], vector<16xf32>, vector<16xi1>
          %mul3A_730 = arith.constant 16 : i32
          %mul3A_731 = arith.muli %squeeze3A, %mul3A_730 : i32
          %get3A_732 = arith.index_cast %mul3A_731 : i32 to index
          %get3A_733 = tpu.vector_load %arg24[%get3A_732] {strides = array<i32>} : memref<256xf32, #tpu.memory_space<vmem>>, vector<16xf32>,
          %reduce_max3A_734 = arith.constant true
          %reduce_max3A_735 = vector.broadcast %reduce_max3A_734 : i1 to vector<16xi1>
          %reduce_max3A_736 = tpu.scan <max>, %get3A_733 masked %reduce_max3A_735 : vector<16xf32>, vector<16xi1> -> vector<16xf32>
          %reduce_max3A_737 = vector.extract %reduce_max3A_736[15] : f32 from vector<16xf32>
          %broadcast_in_dim3A_738 = vector.broadcast %squeeze3A : i32 to vector<16xi32>
          %broadcast_in_dim3A_739 = vector.broadcast %reduce_max3A_737 : f32 to vector<16xf32>
          %eq3A_740 = arith.constant 0 : i32
          %eq3A_741 = vector.broadcast %eq3A_740 : i32 to vector<16xi32>
          %eq3A_742 = arith.cmpi eq, %iota3A, %eq3A_741 : vector<16xi32>
          tpu.vector_store_idx %arg25[%broadcast_in_dim3A_738], %broadcast_in_dim3A_739 masked %eq3A_742 : memref<16xf32, #tpu.memory_space<vmem>>[vector<16xi32>], vector<16xf32>, vector<16xi1>
        } else {
        }
        %dma_wait3A_594 = tpu.memref_slice %arg20[%mul3A_576] : memref<163840xf32, #tpu.memory_space<vmem_shared>> -> memref<64xf32, #tpu.memory_space<vmem_shared>>
        %dma_wait3A_595 = tpu.memref_slice %arg20[%mul3A_576] : memref<163840xf32, #tpu.memory_space<vmem_shared>> -> memref<64xf32, #tpu.memory_space<vmem_shared>>
        tpu.wait_dma2 semaphore(%arg28 : memref<!tpu.dma_semaphore, #tpu.memory_space<semaphore_mem>>) src(%dma_wait3A_595 : memref<64xf32, #tpu.memory_space<vmem_shared>>) dst(%arg27 : memref<64xf32, #tpu.memory_space<vmem>>)
        %broadcast_in_dim3A_596 = vector.broadcast %squeeze3A_587 : i32 to vector<16xi32>
        %gather3A_597 = tpu.vector_load_idx %arg27[%broadcast_in_dim3A_596] : memref<64xf32, #tpu.memory_space<vmem>>[vector<16xi32>], vector<16xf32>,
        %add3A_598 = arith.constant 16 : i32
        %add3A_599 = arith.addi %squeeze3A_587, %add3A_598 : i32
        %broadcast_in_dim3A_600 = vector.broadcast %add3A_599 : i32 to vector<16xi32>
        %gather3A_601 = tpu.vector_load_idx %arg27[%broadcast_in_dim3A_600] : memref<64xf32, #tpu.memory_space<vmem>>[vector<16xi32>], vector<16xf32>,
        %add3A_602 = arith.constant 32 : i32
        %add3A_603 = arith.addi %squeeze3A_587, %add3A_602 : i32
        %broadcast_in_dim3A_604 = vector.broadcast %add3A_603 : i32 to vector<16xi32>
        %gather3A_605 = tpu.vector_load_idx %arg27[%broadcast_in_dim3A_604] : memref<64xf32, #tpu.memory_space<vmem>>[vector<16xi32>], vector<16xf32>,
        %add3A_606 = arith.constant 48 : i32
        %add3A_607 = arith.addi %squeeze3A_587, %add3A_606 : i32
        %broadcast_in_dim3A_608 = vector.broadcast %add3A_607 : i32 to vector<16xi32>
        %gather3A_609 = tpu.vector_load_idx %arg27[%broadcast_in_dim3A_608] : memref<64xf32, #tpu.memory_space<vmem>>[vector<16xi32>], vector<16xf32>,
        %jit3A = arith.constant 10240 : i32
        %div3A = arith.divsi %add3A_590, %jit3A : i32
        %sign3A = arith.constant 0 : i32
        %sign3A_610 = arith.cmpi sgt, %add3A_590, %sign3A : i32
        %sign3A_611 = arith.extui %sign3A_610 : i1 to i32
        %sign3A_612 = arith.constant 0 : i32
        %sign3A_613 = arith.cmpi slt, %add3A_590, %sign3A_612 : i32
        %sign3A_614 = arith.extui %sign3A_613 : i1 to i32
        %sign3A_615 = arith.subi %sign3A_611, %sign3A_614 : i32
        %sign3A_616 = arith.constant 0 : i32
        %sign3A_617 = arith.cmpi sgt, %jit3A, %sign3A_616 : i32
        %sign3A_618 = arith.extui %sign3A_617 : i1 to i32
        %sign3A_619 = arith.constant 0 : i32
        %sign3A_620 = arith.cmpi slt, %jit3A, %sign3A_619 : i32
        %sign3A_621 = arith.extui %sign3A_620 : i1 to i32
        %sign3A_622 = arith.subi %sign3A_618, %sign3A_621 : i32
        %ne3A = arith.cmpi ne, %sign3A_615, %sign3A_622 : i32
        %rem3A = arith.remsi %add3A_590, %jit3A : i32
        %ne3A_623 = arith.constant 0 : i32
        %ne3A_624 = arith.cmpi ne, %rem3A, %ne3A_623 : i32
        %and3A = arith.andi %ne3A, %ne3A_624 : i1
        %sub3A = arith.constant 1 : i32
        %sub3A_625 = arith.subi %div3A, %sub3A : i32
        %select_n3A = arith.select %and3A, %sub3A_625, %div3A : i32
        %add3A_626 = arith.constant 1 : i32
        %add3A_627 = arith.addi %select_n3A, %add3A_626 : i32
        %convert_element_type3A_628 = arith.sitofp %add3A_627 : i32 to f32
        %mul3A_629 = arith.mulf %convert_element_type3A_628, %add3A_326 : f32
        %add3A_630 = vector.broadcast %mul3A_629 : f32 to vector<16xf32>
        %add3A_631 = arith.addf %gather3A_597, %add3A_630 : vector<16xf32>
        %add3A_632 = vector.broadcast %mul3A_629 : f32 to vector<16xf32>
        %add3A_633 = arith.addf %gather3A_601, %add3A_632 : vector<16xf32>
        %add3A_634 = vector.broadcast %mul3A_629 : f32 to vector<16xf32>
        %add3A_635 = arith.addf %gather3A_605, %add3A_634 : vector<16xf32>
        %add3A_636 = vector.broadcast %mul3A_629 : f32 to vector<16xf32>
        %add3A_637 = arith.addf %gather3A_609, %add3A_636 : vector<16xf32>
        %sub3A_638 = arith.subf %add3A_635, %add3A_631 : vector<16xf32>
        %sub3A_639 = arith.subf %add3A_637, %add3A_633 : vector<16xf32>
        %mul3A_640 = arith.mulf %sub3A_638, %sub3A_639 : vector<16xf32>
        %add3A_641 = arith.constant 15 : i32
        %add3A_642 = arith.addi %while3A_540, %add3A_641 : i32
        %jit3A_643 = arith.constant 16 : i32
        %div3A_644 = arith.divsi %add3A_642, %jit3A_643 : i32
        %sign3A_645 = arith.constant 0 : i32
        %sign3A_646 = arith.cmpi sgt, %add3A_642, %sign3A_645 : i32
        %sign3A_647 = arith.extui %sign3A_646 : i1 to i32
        %sign3A_648 = arith.constant 0 : i32
        %sign3A_649 = arith.cmpi slt, %add3A_642, %sign3A_648 : i32
        %sign3A_650 = arith.extui %sign3A_649 : i1 to i32
        %sign3A_651 = arith.subi %sign3A_647, %sign3A_650 : i32
        %sign3A_652 = arith.constant 0 : i32
        %sign3A_653 = arith.cmpi sgt, %jit3A_643, %sign3A_652 : i32
        %sign3A_654 = arith.extui %sign3A_653 : i1 to i32
        %sign3A_655 = arith.constant 0 : i32
        %sign3A_656 = arith.cmpi slt, %jit3A_643, %sign3A_655 : i32
        %sign3A_657 = arith.extui %sign3A_656 : i1 to i32
        %sign3A_658 = arith.subi %sign3A_654, %sign3A_657 : i32
        %ne3A_659 = arith.cmpi ne, %sign3A_651, %sign3A_658 : i32
        %rem3A_660 = arith.remsi %add3A_642, %jit3A_643 : i32
        %ne3A_661 = arith.constant 0 : i32
        %ne3A_662 = arith.cmpi ne, %rem3A_660, %ne3A_661 : i32
        %and3A_663 = arith.andi %ne3A_659, %ne3A_662 : i1
        %sub3A_664 = arith.constant 1 : i32
        %sub3A_665 = arith.subi %div3A_644, %sub3A_664 : i32
        %select_n3A_666 = arith.select %and3A_663, %sub3A_665, %div3A_644 : i32
        %broadcast_in_dim3A_667 = arith.constant 0 : i32
        %broadcast_in_dim3A_668 = vector.broadcast %broadcast_in_dim3A_667 : i32 to vector<16xi32>
        %while3A_669 = arith.constant 0 : i32
        %while3A_670 = arith.subi %select_n3A_666, %while3A_669 : i32
        %while3A_671 = arith.addi %while3A_669, %while3A_670 : i32
        %while3A_672 = arith.constant 1 : i32
        %while3A_673 = arith.divsi %while3A_670, %while3A_672 : i32
        %while3A_674 = arith.muli %while3A_673, %while3A_672 : i32
        %while3A_675 = arith.addi %while3A_669, %while3A_674 : i32
        %while3A_676 = arith.constant 1 : i32
        %while3A_677 = scf.for %while3A_697 = %while3A_669 to %while3A_675 step %while3A_676 iter_args(%while3A_698 = %broadcast_in_dim3A_668) -> (vector<16xi32>)  : i32 {
          %mul3A_699 = arith.constant 16 : i32
          %mul3A_700 = arith.muli %while3A_697, %mul3A_699 : i32
          %get3A_701 = arith.index_cast %mul3A_700 : i32 to index
          %get3A_702 = tpu.vector_load %arg29[%get3A_701] {strides = array<i32>} : memref<112xf32, #tpu.memory_space<vmem>>, vector<16xf32>,
          %get3A_703 = arith.index_cast %mul3A_700 : i32 to index
          %get3A_704 = tpu.vector_load %arg30[%get3A_703] {strides = array<i32>} : memref<112xf32, #tpu.memory_space<vmem>>, vector<16xf32>,
          %get3A_705 = arith.index_cast %mul3A_700 : i32 to index
          %get3A_706 = tpu.vector_load %arg31[%get3A_705] {strides = array<i32>} : memref<112xf32, #tpu.memory_space<vmem>>, vector<16xf32>,
          %get3A_707 = arith.index_cast %mul3A_700 : i32 to index
          %get3A_708 = tpu.vector_load %arg32[%get3A_707] {strides = array<i32>} : memref<112xf32, #tpu.memory_space<vmem>>, vector<16xf32>,
          %get3A_709 = arith.index_cast %mul3A_700 : i32 to index
          %get3A_710 = tpu.vector_load %arg33[%get3A_709] {strides = array<i32>} : memref<112xf32, #tpu.memory_space<vmem>>, vector<16xf32>,
          %max3A_711 = arith.maximumf %get3A_702, %add3A_631 : vector<16xf32>
          %max3A_712 = arith.maximumf %get3A_704, %add3A_633 : vector<16xf32>
          %min3A = arith.minimumf %get3A_706, %add3A_635 : vector<16xf32>
          %min3A_713 = arith.minimumf %get3A_708, %add3A_637 : vector<16xf32>
          %sub3A_714 = arith.subf %min3A, %max3A_711 : vector<16xf32>
          %max3A_715 = arith.constant 0.000000e+00 : f32
          %max3A_716 = vector.broadcast %max3A_715 : f32 to vector<16xf32>
          %max3A_717 = arith.maximumf %sub3A_714, %max3A_716 : vector<16xf32>
          %sub3A_718 = arith.subf %min3A_713, %max3A_712 : vector<16xf32>
          %max3A_719 = arith.constant 0.000000e+00 : f32
          %max3A_720 = vector.broadcast %max3A_719 : f32 to vector<16xf32>
          %max3A_721 = arith.maximumf %sub3A_718, %max3A_720 : vector<16xf32>
          %mul3A_722 = arith.mulf %max3A_717, %max3A_721 : vector<16xf32>
          %add3A_723 = arith.addf %get3A_710, %mul3A_640 : vector<16xf32>
          %sub3A_724 = arith.subf %add3A_723, %mul3A_722 : vector<16xf32>
          %add3A_725 = arith.constant 9.99999971E-10 : f32
          %add3A_726 = vector.broadcast %add3A_725 : f32 to vector<16xf32>
          %add3A_727 = arith.addf %sub3A_724, %add3A_726 : vector<16xf32>
          %div3A_728 = arith.divf %mul3A_722, %add3A_727 : vector<16xf32>
          %mul3A_729 = arith.constant 16 : i32
          %mul3A_730 = arith.muli %while3A_697, %mul3A_729 : i32
          %add3A_731 = vector.broadcast %mul3A_730 : i32 to vector<16xi32>
          %add3A_732 = arith.addi %add3A_731, %iota3A : vector<16xi32>
          %lt3A = vector.broadcast %while3A_540 : i32 to vector<16xi32>
          %lt3A_733 = arith.cmpi slt, %add3A_732, %lt3A : vector<16xi32>
          %gt3A_734 = arith.constant 5.000000e-01 : f32
          %gt3A_735 = vector.broadcast %gt3A_734 : f32 to vector<16xf32>
          %gt3A_736 = arith.cmpf ogt, %div3A_728, %gt3A_735 : vector<16xf32>
          %and3A_737 = arith.andi %gt3A_736, %lt3A_733 : vector<16xi1>
          %convert_element_type3A_738 = arith.extui %and3A_737 : vector<16xi1> to vector<16xi32>
          %or3A = arith.ori %while3A_698, %convert_element_type3A_738 : vector<16xi32>
          scf.yield %or3A : vector<16xi32>
        }
        %while3A_678 = arith.constant 1 : i32
        %while3A_679 = scf.for %while3A_697 = %while3A_675 to %while3A_671 step %while3A_678 iter_args(%while3A_698 = %while3A_677) -> (vector<16xi32>)  : i32 {
          %mul3A_699 = arith.constant 16 : i32
          %mul3A_700 = arith.muli %while3A_697, %mul3A_699 : i32
          %get3A_701 = arith.index_cast %mul3A_700 : i32 to index
          %get3A_702 = tpu.vector_load %arg29[%get3A_701] {strides = array<i32>} : memref<112xf32, #tpu.memory_space<vmem>>, vector<16xf32>,
          %get3A_703 = arith.index_cast %mul3A_700 : i32 to index
          %get3A_704 = tpu.vector_load %arg30[%get3A_703] {strides = array<i32>} : memref<112xf32, #tpu.memory_space<vmem>>, vector<16xf32>,
          %get3A_705 = arith.index_cast %mul3A_700 : i32 to index
          %get3A_706 = tpu.vector_load %arg31[%get3A_705] {strides = array<i32>} : memref<112xf32, #tpu.memory_space<vmem>>, vector<16xf32>,
          %get3A_707 = arith.index_cast %mul3A_700 : i32 to index
          %get3A_708 = tpu.vector_load %arg32[%get3A_707] {strides = array<i32>} : memref<112xf32, #tpu.memory_space<vmem>>, vector<16xf32>,
          %get3A_709 = arith.index_cast %mul3A_700 : i32 to index
          %get3A_710 = tpu.vector_load %arg33[%get3A_709] {strides = array<i32>} : memref<112xf32, #tpu.memory_space<vmem>>, vector<16xf32>,
          %max3A_711 = arith.maximumf %get3A_702, %add3A_631 : vector<16xf32>
          %max3A_712 = arith.maximumf %get3A_704, %add3A_633 : vector<16xf32>
          %min3A = arith.minimumf %get3A_706, %add3A_635 : vector<16xf32>
          %min3A_713 = arith.minimumf %get3A_708, %add3A_637 : vector<16xf32>
          %sub3A_714 = arith.subf %min3A, %max3A_711 : vector<16xf32>
          %max3A_715 = arith.constant 0.000000e+00 : f32
          %max3A_716 = vector.broadcast %max3A_715 : f32 to vector<16xf32>
          %max3A_717 = arith.maximumf %sub3A_714, %max3A_716 : vector<16xf32>
          %sub3A_718 = arith.subf %min3A_713, %max3A_712 : vector<16xf32>
          %max3A_719 = arith.constant 0.000000e+00 : f32
          %max3A_720 = vector.broadcast %max3A_719 : f32 to vector<16xf32>
          %max3A_721 = arith.maximumf %sub3A_718, %max3A_720 : vector<16xf32>
          %mul3A_722 = arith.mulf %max3A_717, %max3A_721 : vector<16xf32>
          %add3A_723 = arith.addf %get3A_710, %mul3A_640 : vector<16xf32>
          %sub3A_724 = arith.subf %add3A_723, %mul3A_722 : vector<16xf32>
          %add3A_725 = arith.constant 9.99999971E-10 : f32
          %add3A_726 = vector.broadcast %add3A_725 : f32 to vector<16xf32>
          %add3A_727 = arith.addf %sub3A_724, %add3A_726 : vector<16xf32>
          %div3A_728 = arith.divf %mul3A_722, %add3A_727 : vector<16xf32>
          %mul3A_729 = arith.constant 16 : i32
          %mul3A_730 = arith.muli %while3A_697, %mul3A_729 : i32
          %add3A_731 = vector.broadcast %mul3A_730 : i32 to vector<16xi32>
          %add3A_732 = arith.addi %add3A_731, %iota3A : vector<16xi32>
          %lt3A = vector.broadcast %while3A_540 : i32 to vector<16xi32>
          %lt3A_733 = arith.cmpi slt, %add3A_732, %lt3A : vector<16xi32>
          %gt3A_734 = arith.constant 5.000000e-01 : f32
          %gt3A_735 = vector.broadcast %gt3A_734 : f32 to vector<16xf32>
          %gt3A_736 = arith.cmpf ogt, %div3A_728, %gt3A_735 : vector<16xf32>
          %and3A_737 = arith.andi %gt3A_736, %lt3A_733 : vector<16xi1>
          %convert_element_type3A_738 = arith.extui %and3A_737 : vector<16xi1> to vector<16xi32>
          %or3A = arith.ori %while3A_698, %convert_element_type3A_738 : vector<16xi32>
          scf.yield %or3A : vector<16xi32>
        }
        %gt3A_680 = arith.constant 0 : i32
        %gt3A_681 = vector.broadcast %gt3A_680 : i32 to vector<16xi32>
        %gt3A_682 = arith.cmpi sgt, %while3A_679, %gt3A_681 : vector<16xi32>
        %all_reduce_population_count3A = tpu.all_reduce %gt3A_682 {dim = 0 : i64, kind = #tpu.reduction_kind<sum>} : vector<16xi1> -> vector<16xi32>
        %slice3A_683 = vector.extract_strided_slice %all_reduce_population_count3A {offsets = [0], sizes = [1], strides = [1]} : vector<16xi32> to vector<1xi32>
        %squeeze3A_684 = vector.extract %slice3A_683[0] : i32 from vector<1xi32>
        %gt3A_685 = arith.constant 0 : i32
        %gt3A_686 = arith.cmpi sgt, %squeeze3A_684, %gt3A_685 : i32
        %not3A = arith.constant true
        %not3A_687 = arith.xori %gt3A_686, %not3A : i1
        %and3A_688 = arith.andi %gt3A_548, %not3A_687 : i1
        %convert_element_type3A_689 = arith.extui %and3A_688 : i1 to i32
        %cond3A_690 = arith.constant 0 : i32
        %cond3A_691 = arith.cmpi ne, %convert_element_type3A_689, %cond3A_690 : i32
        scf.if %cond3A_691 {
          %broadcast_in_dim3A_697 = vector.broadcast %while3A_540 : i32 to vector<16xi32>
          %eq3A_698 = arith.constant 0 : i32
          %eq3A_699 = vector.broadcast %eq3A_698 : i32 to vector<16xi32>
          %eq3A_700 = arith.cmpi eq, %iota3A, %eq3A_699 : vector<16xi32>
          tpu.vector_store_idx %arg29[%broadcast_in_dim3A_697], %add3A_631 masked %eq3A_700 : memref<112xf32, #tpu.memory_space<vmem>>[vector<16xi32>], vector<16xf32>, vector<16xi1>
          %broadcast_in_dim3A_701 = vector.broadcast %while3A_540 : i32 to vector<16xi32>
          %eq3A_702 = arith.constant 0 : i32
          %eq3A_703 = vector.broadcast %eq3A_702 : i32 to vector<16xi32>
          %eq3A_704 = arith.cmpi eq, %iota3A, %eq3A_703 : vector<16xi32>
          tpu.vector_store_idx %arg30[%broadcast_in_dim3A_701], %add3A_633 masked %eq3A_704 : memref<112xf32, #tpu.memory_space<vmem>>[vector<16xi32>], vector<16xf32>, vector<16xi1>
          %broadcast_in_dim3A_705 = vector.broadcast %while3A_540 : i32 to vector<16xi32>
          %eq3A_706 = arith.constant 0 : i32
          %eq3A_707 = vector.broadcast %eq3A_706 : i32 to vector<16xi32>
          %eq3A_708 = arith.cmpi eq, %iota3A, %eq3A_707 : vector<16xi32>
          tpu.vector_store_idx %arg31[%broadcast_in_dim3A_705], %add3A_635 masked %eq3A_708 : memref<112xf32, #tpu.memory_space<vmem>>[vector<16xi32>], vector<16xf32>, vector<16xi1>
          %broadcast_in_dim3A_709 = vector.broadcast %while3A_540 : i32 to vector<16xi32>
          %eq3A_710 = arith.constant 0 : i32
          %eq3A_711 = vector.broadcast %eq3A_710 : i32 to vector<16xi32>
          %eq3A_712 = arith.cmpi eq, %iota3A, %eq3A_711 : vector<16xi32>
          tpu.vector_store_idx %arg32[%broadcast_in_dim3A_709], %add3A_637 masked %eq3A_712 : memref<112xf32, #tpu.memory_space<vmem>>[vector<16xi32>], vector<16xf32>, vector<16xi1>
          %broadcast_in_dim3A_713 = vector.broadcast %while3A_540 : i32 to vector<16xi32>
          %eq3A_714 = arith.constant 0 : i32
          %eq3A_715 = vector.broadcast %eq3A_714 : i32 to vector<16xi32>
          %eq3A_716 = arith.cmpi eq, %iota3A, %eq3A_715 : vector<16xi32>
          tpu.vector_store_idx %arg33[%broadcast_in_dim3A_713], %mul3A_640 masked %eq3A_716 : memref<112xf32, #tpu.memory_space<vmem>>[vector<16xi32>], vector<16xf32>, vector<16xi1>
          %broadcast_in_dim3A_717 = vector.broadcast %while3A_540 : i32 to vector<16xi32>
          %eq3A_718 = arith.constant 0 : i32
          %eq3A_719 = vector.broadcast %eq3A_718 : i32 to vector<16xi32>
          %eq3A_720 = arith.cmpi eq, %iota3A, %eq3A_719 : vector<16xi32>
          tpu.vector_store_idx %arg34[%broadcast_in_dim3A_717], %gather3A_597 masked %eq3A_720 : memref<128xf32, #tpu.memory_space<vmem>>[vector<16xi32>], vector<16xf32>, vector<16xi1>
          %broadcast_in_dim3A_721 = vector.broadcast %while3A_540 : i32 to vector<16xi32>
          %eq3A_722 = arith.constant 0 : i32
          %eq3A_723 = vector.broadcast %eq3A_722 : i32 to vector<16xi32>
          %eq3A_724 = arith.cmpi eq, %iota3A, %eq3A_723 : vector<16xi32>
          tpu.vector_store_idx %arg35[%broadcast_in_dim3A_721], %gather3A_601 masked %eq3A_724 : memref<128xf32, #tpu.memory_space<vmem>>[vector<16xi32>], vector<16xf32>, vector<16xi1>
          %broadcast_in_dim3A_725 = vector.broadcast %while3A_540 : i32 to vector<16xi32>
          %eq3A_726 = arith.constant 0 : i32
          %eq3A_727 = vector.broadcast %eq3A_726 : i32 to vector<16xi32>
          %eq3A_728 = arith.cmpi eq, %iota3A, %eq3A_727 : vector<16xi32>
          tpu.vector_store_idx %arg36[%broadcast_in_dim3A_725], %gather3A_605 masked %eq3A_728 : memref<128xf32, #tpu.memory_space<vmem>>[vector<16xi32>], vector<16xf32>, vector<16xi1>
          %broadcast_in_dim3A_729 = vector.broadcast %while3A_540 : i32 to vector<16xi32>
          %eq3A_730 = arith.constant 0 : i32
          %eq3A_731 = vector.broadcast %eq3A_730 : i32 to vector<16xi32>
          %eq3A_732 = arith.cmpi eq, %iota3A, %eq3A_731 : vector<16xi32>
          tpu.vector_store_idx %arg37[%broadcast_in_dim3A_729], %gather3A_609 masked %eq3A_732 : memref<128xf32, #tpu.memory_space<vmem>>[vector<16xi32>], vector<16xf32>, vector<16xi1>
          %broadcast_in_dim3A_733 = vector.broadcast %while3A_540 : i32 to vector<16xi32>
          %broadcast_in_dim3A_734 = vector.broadcast %reduce_max3A_547 : f32 to vector<16xf32>
          %eq3A_735 = arith.constant 0 : i32
          %eq3A_736 = vector.broadcast %eq3A_735 : i32 to vector<16xi32>
          %eq3A_737 = arith.cmpi eq, %iota3A, %eq3A_736 : vector<16xi32>
          tpu.vector_store_idx %arg38[%broadcast_in_dim3A_733], %broadcast_in_dim3A_734 masked %eq3A_737 : memref<128xf32, #tpu.memory_space<vmem>>[vector<16xi32>], vector<16xf32>, vector<16xi1>
          %broadcast_in_dim3A_738 = vector.broadcast %while3A_540 : i32 to vector<16xi32>
          %broadcast_in_dim3A_739 = vector.broadcast %add3A_627 : i32 to vector<16xi32>
          %eq3A_740 = arith.constant 0 : i32
          %eq3A_741 = vector.broadcast %eq3A_740 : i32 to vector<16xi32>
          %eq3A_742 = arith.cmpi eq, %iota3A, %eq3A_741 : vector<16xi32>
          tpu.vector_store_idx %arg39[%broadcast_in_dim3A_738], %broadcast_in_dim3A_739 masked %eq3A_742 : memref<128xi32, #tpu.memory_space<vmem>>[vector<16xi32>], vector<16xi32>, vector<16xi1>
        } else {
        }
        %convert_element_type3A_692 = arith.extui %and3A_688 : i1 to i32
        %add3A_693 = arith.addi %while3A_540, %convert_element_type3A_692 : i32
        %jit3A_694 = arith.constant 0 : i32
        %jit3A_695 = arith.constant 1 : i32
        %select_n3A_696 = arith.select %gt3A_548, %jit3A_694, %jit3A_695 : i32
        scf.yield %add3A_693, %select_n3A_696 : i32, i32
      }
      "tpu.region"() ({
        %run_scoped3A = tpu.sem_alloc : memref<!tpu.dma_semaphore, #tpu.memory_space<semaphore_mem>>
        tpu.enqueue_dma source(%arg34 : memref<128xf32, #tpu.memory_space<vmem>>) target(%arg5 : memref<128xf32, #tpu.memory_space<hbm>>) target_semaphore(%run_scoped3A : memref<!tpu.dma_semaphore, #tpu.memory_space<semaphore_mem>>)
        tpu.wait_dma2 semaphore(%run_scoped3A : memref<!tpu.dma_semaphore, #tpu.memory_space<semaphore_mem>>) src(%arg34 : memref<128xf32, #tpu.memory_space<vmem>>) dst(%arg5 : memref<128xf32, #tpu.memory_space<hbm>>)
        tpu.yield
      }) : () -> ()
      "tpu.region"() ({
        %run_scoped3A = tpu.sem_alloc : memref<!tpu.dma_semaphore, #tpu.memory_space<semaphore_mem>>
        tpu.enqueue_dma source(%arg35 : memref<128xf32, #tpu.memory_space<vmem>>) target(%arg6 : memref<128xf32, #tpu.memory_space<hbm>>) target_semaphore(%run_scoped3A : memref<!tpu.dma_semaphore, #tpu.memory_space<semaphore_mem>>)
        tpu.wait_dma2 semaphore(%run_scoped3A : memref<!tpu.dma_semaphore, #tpu.memory_space<semaphore_mem>>) src(%arg35 : memref<128xf32, #tpu.memory_space<vmem>>) dst(%arg6 : memref<128xf32, #tpu.memory_space<hbm>>)
        tpu.yield
      }) : () -> ()
      "tpu.region"() ({
        %run_scoped3A = tpu.sem_alloc : memref<!tpu.dma_semaphore, #tpu.memory_space<semaphore_mem>>
        tpu.enqueue_dma source(%arg36 : memref<128xf32, #tpu.memory_space<vmem>>) target(%arg7 : memref<128xf32, #tpu.memory_space<hbm>>) target_semaphore(%run_scoped3A : memref<!tpu.dma_semaphore, #tpu.memory_space<semaphore_mem>>)
        tpu.wait_dma2 semaphore(%run_scoped3A : memref<!tpu.dma_semaphore, #tpu.memory_space<semaphore_mem>>) src(%arg36 : memref<128xf32, #tpu.memory_space<vmem>>) dst(%arg7 : memref<128xf32, #tpu.memory_space<hbm>>)
        tpu.yield
      }) : () -> ()
      "tpu.region"() ({
        %run_scoped3A = tpu.sem_alloc : memref<!tpu.dma_semaphore, #tpu.memory_space<semaphore_mem>>
        tpu.enqueue_dma source(%arg37 : memref<128xf32, #tpu.memory_space<vmem>>) target(%arg8 : memref<128xf32, #tpu.memory_space<hbm>>) target_semaphore(%run_scoped3A : memref<!tpu.dma_semaphore, #tpu.memory_space<semaphore_mem>>)
        tpu.wait_dma2 semaphore(%run_scoped3A : memref<!tpu.dma_semaphore, #tpu.memory_space<semaphore_mem>>) src(%arg37 : memref<128xf32, #tpu.memory_space<vmem>>) dst(%arg8 : memref<128xf32, #tpu.memory_space<hbm>>)
        tpu.yield
      }) : () -> ()
      "tpu.region"() ({
        %run_scoped3A = tpu.sem_alloc : memref<!tpu.dma_semaphore, #tpu.memory_space<semaphore_mem>>
        tpu.enqueue_dma source(%arg38 : memref<128xf32, #tpu.memory_space<vmem>>) target(%arg9 : memref<128xf32, #tpu.memory_space<hbm>>) target_semaphore(%run_scoped3A : memref<!tpu.dma_semaphore, #tpu.memory_space<semaphore_mem>>)
        tpu.wait_dma2 semaphore(%run_scoped3A : memref<!tpu.dma_semaphore, #tpu.memory_space<semaphore_mem>>) src(%arg38 : memref<128xf32, #tpu.memory_space<vmem>>) dst(%arg9 : memref<128xf32, #tpu.memory_space<hbm>>)
        tpu.yield
      }) : () -> ()
      "tpu.region"() ({
        %run_scoped3A = tpu.sem_alloc : memref<!tpu.dma_semaphore, #tpu.memory_space<semaphore_mem>>
        tpu.enqueue_dma source(%arg39 : memref<128xi32, #tpu.memory_space<vmem>>) target(%arg10 : memref<128xi32, #tpu.memory_space<hbm>>) target_semaphore(%run_scoped3A : memref<!tpu.dma_semaphore, #tpu.memory_space<semaphore_mem>>)
        tpu.wait_dma2 semaphore(%run_scoped3A : memref<!tpu.dma_semaphore, #tpu.memory_space<semaphore_mem>>) src(%arg39 : memref<128xi32, #tpu.memory_space<vmem>>) dst(%arg10 : memref<128xi32, #tpu.memory_space<hbm>>)
        tpu.yield
      }) : () -> ()
    } else {
    }
    return
  }
}

</mosaic_0001>

<sc_bundles>
// kernel: kernel.3.cloned.1.call-start
scs
__scs_entry_jumppad:
0x0: {  	(pc) =	sbr.rel $0x88, $3  }
0x1: {  	(tag) =	ssettag $0x0;
	lr =	simm.s32 $0x1  }
0x2: {  	[smem:$0x3F9E] =	sst lr;
	_ =	strace $0xD0000000  }
0x3: {  	_ = 	snop  }
0x4: {  	_ = 	snop  }
0x5: {  	_ = 	snop  }
0x6: {  	_ = 	snop  }
0x7: {  	_ = 	snop  }
__scs_overlays_trampoline_lowered:
0x8: {  	[smem:$0x3FAD] =	sst s0  }
0x9: {  	[smem:$0x3FAE] =	sst s1  }
0xa: {  	[smem:$0x3FAF] =	sst s2  }
0xb: {  	[smem:$0x3FB0] =	sst s3  }
0xc: {  	[smem:$0x3FB1] =	sst s4  }
0xd: {  	[smem:$0x3FB2] =	sst s5  }
0xe: {  	[smem:$0x3FB3] =	sst s6  }
0xf: {  	[smem:$0x3FB4] =	sst s7  }
0x10: {  	[smem:$0x3FB5] =	sst s8  }
0x11: {  	[smem:$0x3FB6] =	sst s9;
	s0 =	simm.s32 @!p0 $0x0  }
0x12: {  	s1 =	sld [smem:$0x3F9C];
	s0 =	simm.s32 @p0 $0x1  }
0x13: {  	[smem:$0x3FB7] =	sst s0;
	s0 =	simm.s32 @!p1 $0x0  }
0x14: {  	s2 =	sld [smem:$0x3F9B];
	s0 =	simm.s32 @p1 $0x1  }
0x15: {  	[smem:$0x3FB8] =	sst s0;
	s0 =	simm.s32 @!p2 $0x0  }
0x16: {  	s3 =	sld [smem:$0x3FDB];
	s0 =	simm.s32 @p2 $0x1  }
0x17: {  	s4 =	simm.s32 $0x1BF5;
	[smem:$0x3FBA] =	sst s0  }
0x18: {  	s0 =	sld [smem:$0x3F9D];
	_ =	swait.ge [sflag:s4], $0x0  }
0x19: {  	s7 =	sld [smem:$0x3F9E]  }
0x1a: {  	s8 =	sadd.s32 $0xFFFFE003, lr  }
0x1b: {  	s9 =	sadd.s32 $0xFFFFFEF7, lr;
	s5 =	simm.s32 $0xFFFFFFFF;
	p2 =	slt.u32 s8, $0xFFFFF086  }
0x1c: {  	p1 =	slt.u32 s9, $0xF7A;
	s5 =	simm.s32 @!p2 $0x0  }
0x1d: {  	s5 =	simm.s32 @p1 $0x1;
	p0 =	seq.s32 s7, s2  }
0x1e: {  	s7 =	smul.u32 @!p0 $0xF7A, s2;
	p2 =	seq.s32 @!p0 s5, $0x0  }
0x1f: {  	s9 =	smul.u32 $0xF7A, s1;
	s8 =	simm.s32 @!p0 $0x1BF5;
	p2 =	por !p2, p0  }
0x20: {  	[sflag:s8] =	ssyncset.s32 @!p0 $0xFFFFF086;
	s6 =	sadd.s32 @!p0 s3, s7;
	s7 =	simm.s32 @!p0 $0x108  }
0x21: {  	s3 =	sadd.s32 s3, s9;
	s6 =	sadd.s32 @!p0 $0x88, s6;
	s7 =	simm.s32 @p2 $0x1082  }
0x22: {  	[simem:s7], [sflag:s8] =	dma.local @!p0 [hbm:s6], $0xF7A  }
0x23: {  	s9 =	sor.u32 $0xD0000000, s2;
	s6 =	simm.s32 $0x108;
	_ =	swait.ge @!p0 [sflag:s8], $0x0  }
0x24: {  	s3 =	sadd.s32 $0x88, s3;
	s6 =	simm.s32 @!p1 $0x1082;
	[sflag:s4] =	ssyncset.s32 $0xFFFFF086  }
0x25: {  	[simem:s6], [sflag:s4] =	dma.local [hbm:s3], $0xF7A  }
0x26: {  	[smem:$0x3F9E] =	sst s1;
	(tag) =	ssettag s2;
	_ =	strace s9  }
0x27: {  	s1 =	sld [smem:$0x3FAE]  }
0x28: {  	s2 =	sld [smem:$0x3FAF]  }
0x29: {  	s4 =	sld [smem:$0x3FB1]  }
0x2a: {  	p0 =	seq.s32 s5, $0x0;
	s5 =	sld [smem:$0x3FB2]  }
0x2b: {  	s6 =	sld [smem:$0x3FB3]  }
0x2c: {  	s7 =	sld [smem:$0x3FB4]  }
0x2d: {  	s3 =	simm.s32 $0x108;
	s8 =	sld [smem:$0x3FB5]  }
0x2e: {  	s3 =	simm.s32 @!p0 $0x1082;
	s9 =	sld [smem:$0x3FB6]  }
0x2f: {  	lr =	sadd.s32 s0, s3;
	s0 =	sld [smem:$0x3FAD]  }
0x30: {  	s3 =	sld [smem:$0x3FB0]  }
0x31: {  	[smem:$0x3FB9] =	sst s10  }
0x32: {  	s10 =	sld [smem:$0x3FB7];
	_ =	sdelay $0x3  }
0x33: {  	p0 =	seq.s32 s10, $0x1;
	s10 =	sld [smem:$0x3FB9];
	_ =	sdelay $0x3  }
0x34: {  	[smem:$0x3FB9] =	sst s10  }
0x35: {  	s10 =	sld [smem:$0x3FB8];
	_ =	sdelay $0x3  }
0x36: {  	p1 =	seq.s32 s10, $0x1;
	s10 =	sld [smem:$0x3FB9];
	_ =	sdelay $0x3  }
0x37: {  	[smem:$0x3FB9] =	sst s10  }
0x38: {  	s10 =	sld [smem:$0x3FBA]  }
0x39: {  	_ = 	snop;
	(pc) =	sbr.ind lr, $3  }
0x3a: {  	_ = 	snop  }
0x3b: {  	_ = 	snop  }
0x3c: {  	p2 =	seq.s32 s10, $0x1;
	s10 =	sld [smem:$0x3FB9]  }
0x3d: {  	_ =	shalt  }
0x3e: {  	_ =	shalt  }
0x3f: {  	_ =	shalt  }
0x40: {  	_ =	shalt  }
0x41: {  	_ =	shalt  }
0x42: {  	_ =	shalt  }
0x43: {  	_ =	shalt  }
0x44: {  	_ =	shalt  }
0x45: {  	_ =	shalt  }
0x46: {  	_ =	shalt  }
0x47: {  	_ =	shalt  }
0x48: {  	_ =	shalt  }
0x49: {  	_ =	shalt  }
0x4a: {  	_ =	shalt  }
0x4b: {  	_ =	shalt  }
0x4c: {  	_ =	shalt  }
0x4d: {  	_ =	shalt  }
0x4e: {  	_ =	shalt  }
0x4f: {  	_ =	shalt  }
0x50: {  	_ =	shalt  }
0x51: {  	_ =	shalt  }
0x52: {  	_ =	shalt  }
0x53: {  	_ =	shalt  }
0x54: {  	_ =	shalt  }
0x55: {  	_ =	shalt  }
0x56: {  	_ =	shalt  }
0x57: {  	_ =	shalt  }
0x58: {  	_ =	shalt  }
0x59: {  	_ =	shalt  }
0x5a: {  	_ =	shalt  }
0x5b: {  	_ =	shalt  }
0x5c: {  	_ =	shalt  }
0x5d: {  	_ =	shalt  }
0x5e: {  	_ =	shalt  }
0x5f: {  	_ =	shalt  }
0x60: {  	_ =	shalt  }
0x61: {  	_ =	shalt  }
0x62: {  	_ =	shalt  }
0x63: {  	_ =	shalt  }
0x64: {  	_ =	shalt  }
0x65: {  	_ =	shalt  }
0x66: {  	_ =	shalt  }
0x67: {  	_ =	shalt  }
0x68: {  	_ =	shalt  }
0x69: {  	_ =	shalt  }
0x6a: {  	_ =	shalt  }
0x6b: {  	_ =	shalt  }
0x6c: {  	_ =	shalt  }
0x6d: {  	_ =	shalt  }
0x6e: {  	_ =	shalt  }
0x6f: {  	_ =	shalt  }
0x70: {  	_ =	shalt  }
0x71: {  	_ =	shalt  }
0x72: {  	_ =	shalt  }
0x73: {  	_ =	shalt  }
0x74: {  	_ =	shalt  }
0x75: {  	_ =	shalt  }
0x76: {  	_ =	shalt  }
0x77: {  	_ =	shalt  }
0x78: {  	_ =	shalt  }
0x79: {  	_ =	shalt  }
0x7a: {  	_ =	shalt  }
0x7b: {  	_ =	shalt  }
0x7c: {  	_ =	shalt  }
0x7d: {  	_ =	shalt  }
0x7e: {  	_ =	shalt  }
0x7f: {  	_ =	shalt  }
0x80: {  	_ =	shalt  }
0x81: {  	_ =	shalt  }
0x82: {  	_ =	shalt  }
0x83: {  	_ =	shalt  }
0x84: {  	_ =	shalt  }
0x85: {  	_ =	shalt  }
0x86: {  	_ =	shalt  }
0x87: {  	_ =	shalt  }
.Lfunc_end0:
.L_simem_size_0:
called_computation_lowered:
.L_overlay_start_0:
0x88: {  	s0 =	sld [smem:$0x3FD9]  }
0x89: {  	s1 =	sld [smem:$0x3FFE];
	_ =	sdelay $0x3  }
0x8a: {  	s0 =	sadd.s32 s1, s0  }
0x8b: {  	[smem:$0x3FC5] =	sst s0  }
0x8c: {  	_ = 	snop  }
0x8d: {  	s0 =	sld [smem:$0x3FD0];
	_ =	sdelay $0x2  }
0x8e: {  	s13 =	simm.s32 $0xA;
	s2 =	simm.s32 $0x10  }
0x8f: {  	[smem:s2], [sflag:s13] =	dma.local [hbm:s0], $0x1  }
0x90: {  	_ =	swait.eq [sflag:s13], $0x1  }
0x91: {  	s14 =	sld [smem:$0x10];
	[sflag:s13] =	ssyncset.done $0x0  }
0x92: {  	s15 =	sld [smem:$0x11];
	[sflag:s13] =	ssyncadd.s32 $0xFFFFFFFF  }
0x93: {  	s16 =	sld [smem:$0x12];
	(tm) =	ssettm $0x1  }
0x94: {  	s3 =	sld [smem:$0x3FFB];
	_ =	sdelay $0x3  }
0x95: {  	_ =	strace s3  }
0x96: {  	s3 =	sld [smem:$0x3FFC];
	_ =	sdelay $0x3  }
0x97: {  	_ =	strace s3  }
0x98: {  	s3 =	sld [smem:$0x3FFD];
	_ =	sdelay $0x3  }
0x99: {  	_ =	strace s3  }
0x9a: {  	_ =	strace $0x8FFFFFFF  }
0x9b: {  	s17 =	sld [smem:$0x3FDB];
	_ =	sdelay $0x1  }
0x9c: {  	s4 =	simm.s32 $_scs_section_size  }
0x9d: {  	s5 =	simm.s32 $_size__tile_overlayer_lowered;
	s6 =	simm.s32 $_tile_overlayer_lowered  }
0x9e: {  	s20 =	simm.s32 $0x1BFF;
	s19 =	sshll.u32 s6, $0x1;
	s3 =	sadd.s32 s4, s17  }
0x9f: {  	s7 =	simm.s32 $0x0;
	s18 =	sshll.u32 s5, $0x1;
	s5 =	sadd.s32 s19, s3  }
0xa0: {  	[timem:s7], [sflag:s20] =	dma.local [hbm:s5], s18  }
0xa1: {  	_ =	swait.ge [sflag:s20], s18  }
0xa2: {  	s4 =	ssub.s32 $0x0, s18;
	[sflag:s20] =	ssyncset.done $0x0  }
0xa3: {  	[sflag:s20] =	ssyncadd.s32 s4;
	_ =	sdelay $0x1  }
0xa4: {  	s21 =	simm.s32 $0x1B8B  }
0xa5: {  	_ =	swait.ge [sflag:s21], $0x1  }
0xa6: {  	[sflag:s21] =	ssyncset.done $0x0  }
0xa7: {  	s23 =	simm.s32 $0x1B8E;
	s22 =	sld [smem:$0x3FFE];
	[sflag:s21] =	ssyncadd.s32 $0xFFFFFFFF  }
0xa8: {  	s24 =	simm.s32 $execute0_lowered;
	[smem:$0x3FD2] =	sst s23  }
0xa9: {  	s5 =	sshll.u32 s24, $0x1;
	_ =	strace $0x80000046;
	[dreg:$0x1] =	wrdreg $0xFFFFFFFF  }
0xaa: {  	s25 =	simm.s32 $_size_execute0_lowered;
	s3 =	sadd.s32 s3, s5;
	[dreg:$0x0] =	wrdreg $0x0  }
0xab: {  	s5 =	sshll.u32 s25, $0x1;
	[dreg:$0x2] =	wrdreg s3  }
0xac: {  	[dreg:$0x3] =	wrdreg s5  }
0xad: {  	[dreg:$0x4] =	wrdreg $0xC0  }
0xae: {  	_ =	task [dreg:s7], $0x5FFFF  }
0xaf: {  	[dreg:$0x1] =	wrdreg $0xFFFFFFFF  }
0xb0: {  	[dreg:$0x0] =	wrdreg $0x60  }
0xb1: {  	[dreg:$0x2] =	wrdreg s22  }
0xb2: {  	[dreg:$0x3] =	wrdreg s14  }
0xb3: {  	[dreg:$0x4] =	wrdreg s15  }
0xb4: {  	[dreg:$0x5] =	wrdreg s16  }
0xb5: {  	[dreg:$0x6] =	wrdreg $0x8D800  }
0xb6: {  	[dreg:$0x7] =	wrdreg $0x98200  }
0xb7: {  	[dreg:$0x8] =	wrdreg $0x97800  }
0xb8: {  	[dreg:$0x9] =	wrdreg $0xC0200  }
0xb9: {  	[dreg:$0xa] =	wrdreg $0x9  }
0xba: {  	_ =	task.clear_ibuf [dreg:s7], $0xBFFFF;
	_ =	strace $0x90000046  }
0xbb: {  	s26 =	simm.s32 $0x9;
	_ =	strace $0x80000048  }
0xbc: {  	_ =	swait.ge [sflag:s26], $0x1  }
0xbd: {  	[sflag:s26] =	ssyncadd.s32 $0xFFFFFFFF  }
0xbe: {  	_ =	strace $0x90000048  }
0xbf: {  	_ =	sfence  }
0xc0: {  	s28 =	sld [smem:$0x0];
	_ =	sdelay $0x1  }
0xc1: {  	s29 =	srdreg.scid  }
0xc2: {  	s30 =	sshll.u32 s29, $0xD;
	s31 =	sshrl.u32 s29, $0x2  }
0xc3: {  	s1 =	sand.u32 $0x1, s29;
	s2 =	sand.u32 $0x4000, s30;
	s0 =	sadd.s32 s31, s28  }
0xc4: {  	s1 =	sor.u32 s2, s1;
	s0 =	sshll.u32 s0, $0x11  }
0xc5: {  	s0 =	sor.u32 s0, s1  }
0xc6: {  	s0 =	sadd.s32 $0x8F2B, s0  }
0xc7: {  	[sflag:s0] =	ssyncadd.remote.s32 $0x1  }
0xc8: {  	_ =	sfence.sel $0xFFFF  }
0xc9: {  	[dreg:$0x0] =	wrdreg $0xFFFFFFFF;
	(pc) =	sbr.abs _section_cstart, $3  }
0xca: {  	[dreg:$0x1] =	wrdreg $0xFFFFFFFF  }
0xcb: {  	_ =	task.clear_ibuf [dreg:s7], $0x2FFFF;
	_ =	strace $0x9FFFFFFF  }
0xcc: {  	(tm) =	ssettm $0x7FFFFFFF  }
0xcd: {  	_ =	shalt  }
tec
execute0_lowered:
.L_overlay_start_1:
0x0: {  	(tag) =	ssettag $0x1  }
0x1: {  	s5 =	rddreg [dreg:$0x0]  }
0x2: {  	s3 =	rddreg [dreg:$0x1]  }
0x3: {  	s2 =	rddreg [dreg:$0x2]  }
0x4: {  	s1 =	rddreg [dreg:$0x3]  }
0x5: {  	s10 =	rddreg [dreg:$0x4]  }
0x6: {  	s4 =	rddreg [dreg:$0x5]  }
0x7: {  	s9 =	rddreg [dreg:$0x6]  }
0x8: {  	s8 =	rddreg [dreg:$0x7];
	s13 =	simm.s32 $0x0  }
0x9: {  	[smem:$0x7FF] =	sst s13  }
0xa: {  	s0 =	rddreg [dreg:$0x8];
	v0 =	vimm.f32 $1.000000000e+01;
	_ =	strace $0x80000047  }
0xb: {  	(erf) = vrcp.f32 v0;
	v0 =	vimm.f32 $5.000000000e+00  }
0xc: {  	s11 =	stileid.u32;
	(erf) = vrcp.f32 v0  }
0xd: {  	s12 =	smul.u32 $0x280, s11;
	_ =	sdelay $0x1  }
0xe: {  	s7 =	sadd.s32 s12, s5  }
0xf: {  	s20 =	simm.s32 $0x14000;
	s6 =	smul.u32 $0x140, s11;
	s14 =	sadd.s32 $0x2600, s7  }
0x10: {  	[tilespmem:s13], [sflag:$0x1] =	stream.linear.gather [hbm4b:s14+s13], $0x1400, $0x38;
	[tilespmem:$0x172B0] =	vst v63  }
0x11: {  	s15 =	simm.s32 $0x1400;
	s6 =	sadd.s32 s6, s5;
	s7 =	sadd.s32 $0x4E00, s7  }
0x12: {  	[tilespmem:s15], [sflag:$0x1] =	stream.strided.gather [hbm4b:s7+s15], $0x3C00, s20, s15, $0x38;
	[tilespmem:$0x172B0] =	vst v63  }
0x13: {  	s21 =	simm.s32 $0x5000;
	s6 =	sadd.s32 $0x1200, s6;
	s7 =	simm.s32 $0x1;
	v0 =	vpop (erf)  }
0x14: {  	[tilespmem:s21], [sflag:$0x1] =	stream.linear.gather [hbm4b:s6+s13], $0xA00, $0x38;
	v1 =	vpop (erf);
	[tilespmem:$0x172B0] =	vst v63  }
0x15: {  	_ =	swait.ge [sflag:s7], $0x1400  }
0x16: {  	[sflag:s7] =	ssyncset.done $0x0  }
0x17: {  	[sflag:s7] =	ssyncadd.s32 $0xFFFFEC00  }
0x18: {  	_ =	swait.ge [sflag:s7], $0x3C00  }
0x19: {  	[sflag:s7] =	ssyncset.done $0x0  }
0x1a: {  	[sflag:s7] =	ssyncadd.s32 $0xFFFFC400  }
0x1b: {  	_ =	swait.ge [sflag:s7], $0xA00  }
0x1c: {  	s23 =	simm.s32 $0x0;
	s22 =	sand.u32 $0x70, s13;
	[sflag:s7] =	ssyncset.done $0x0  }
0x1d: {  	s6 =	sor.u32 s22, s23;
	[sflag:s7] =	ssyncadd.s32 $0xFFFFF600  }
0x1e: {  	v2 =	vld [tilespmem:s6+$0x80]  }
0x1f: {  	v3 =	vld [tilespmem:s6+$0x0]  }
0x20: {  	v4 =	vld [tilespmem:s6+$0x180]  }
0x21: {  	v5 =	vld [tilespmem:s6+$0x100];
	_ =	sdelay $0x1  }
0x22: {  	v6 =	vld [tilespmem:s6+$0x200];
	_ =	sdelay $0x2  }
0x23: {  	v7 =	vmax.f32 v3, v2;
	v8 =	vmax.f32 v5, v4  }
0x24: {  	v7 =	vmax.f32 v7, v8  }
0x25: {  	v7 =	vmax.f32 v7, v6  }
0x26: {  	v3 =	vsub.f32 v3, v7  }
0x27: {  	v2 =	vsub.f32 v2, v7  }
0x28: {  	v3 =	vmul.f32 $1.442695020e+00, v3  }
0x29: {  	v8 =	vld [tilespmem:s6+$0x1780];
	v2 =	vmul.f32 $1.442695020e+00, v2  }
0x2a: {  	v9 =	vld [tilespmem:s6+$0x1700];
	(erf) = vpow2.f32 v3  }
0x2b: {  	v5 =	vsub.f32 v5, v7;
	v4 =	vsub.f32 v4, v7;
	(erf) = vpow2.f32 v2  }
0x2c: {  	v6 =	vsub.f32 v6, v7  }
0x2d: {  	v5 =	vmul.f32 $1.442695020e+00, v5;
	v3 =	vmul.f32 $1.442695020e+00, v4  }
0x2e: {  	v4 =	vmul.f32 v8, v1;
	v2 =	vmul.f32 $1.442695020e+00, v6  }
0x2f: {  	v6 =	vmul.f32 v9, v1;
	(erf) = vpow2.f32 v5  }
0x30: {  	v4 =	vmin.f32 v4, $4.135166650e+00;
	(erf) = vpow2.f32 v2  }
0x31: {  	s24 =	simm.s32 $0x0;
	v2 =	vmin.f32 v6, $4.135166650e+00;
	v4 =	vmul.f32 $1.442695020e+00, v4;
	(erf) = vpow2.f32 v3  }
0x32: {  	s14 =	sor.u32 s22, s24;
	v7 =	vld [tilespmem:s6+$0x1600];
	v2 =	vmul.f32 $1.442695020e+00, v2  }
0x33: {  	v5 =	vld [tilespmem:s14+$0x5000];
	(erf) = vpow2.f32 v4;
	v3 =	vpop (erf)  }
0x34: {  	v6 =	vld [tilespmem:s14+$0x5080];
	(erf) = vpow2.f32 v2;
	v13 =	vpop (erf)  }
0x35: {  	v4 =	vld [tilespmem:s14+$0x5100];
	v3 =	vadd.f32 v13, v3  }
0x36: {  	v2 =	vld [tilespmem:s14+$0x5180]  }
0x37: {  	v8 =	vld [tilespmem:s6+$0x1680]  }
0x38: {  	v14 =	vpop (erf)  }
0x39: {  	v9 =	vadd.f32 v3, v14;
	v3 =	vpop (erf)  }
0x3a: {  	v4 =	vsub.f32 v4, v5;
	v12 =	vpop (erf)  }
0x3b: {  	v7 =	vmul.f32 v7, v0;
	v2 =	vsub.f32 v2, v6;
	v9 =	vadd.f32 v9, v12  }
0x3c: {  	v8 =	vmul.f32 v8, v0;
	v16 =	vmul.f32 $5.000000000e-01, v4;
	v10 =	vpop (erf)  }
0x3d: {  	v7 =	vmul.f32 v7, v4;
	v11 =	vmul.f32 $5.000000000e-01, v2;
	v15 =	vpop (erf);
	v9 =	vadd.f32 v9, v3  }
0x3e: {  	v8 =	vmul.f32 v8, v2;
	v5 =	vadd.f32 v16, v5;
	v15 =	vmul.f32 v15, v4  }
0x3f: {  	v6 =	vadd.f32 v11, v6;
	(erf) = vrcp.f32 v9;
	v9 =	vmul.f32 v10, v2  }
0x40: {  	v7 =	vadd.f32 v7, v5;
	v10 =	vmul.f32 $5.000000000e-01, v15  }
0x41: {  	v8 =	vadd.f32 v8, v6;
	v9 =	vmul.f32 $5.000000000e-01, v9  }
0x42: {  	v11 =	vsub.f32 v7, v10;
	v7 =	vadd.f32 v10, v7  }
0x43: {  	v10 =	vsub.f32 v8, v9;
	v8 =	vadd.f32 v9, v8;
	_ =	sdelay $0x1  }
0x44: {  	v9 =	vmax.f32 v11, $0.0e+00;
	v7 =	vmax.f32 v7, $0.0e+00;
	v11 =	vmax.f32 v8, $0.0e+00  }
0x45: {  	v7 =	vmin.f32 v7, $5.120000000e+02;
	v10 =	vmax.f32 v10, $0.0e+00  }
0x46: {  	v8 =	vmin.f32 v9, $5.120000000e+02;
	v9 =	vmin.f32 v10, $5.120000000e+02;
	v10 =	vmin.f32 v11, $5.120000000e+02  }
0x47: {  	v39 =	vsub.f32 v7, v8;
	v40 =	vsub.f32 v10, v9;
	v11 =	vpop (erf)  }
0x48: {  	v13 =	vmul.f32 v11, v13  }
0x49: {  	vm0 =	vmxor vm0, vm0;
	s25 =	sadd.s32 $0x0, s12;
	vm1 =	vge.f32 v39, $9.999999770e-03;
	vm2 =	vge.f32 v40, $9.999999770e-03  }
0x4a: {  	p0 =	slt.u32 s25, $0x2710;
	vm2 =	vmand vm1, vm2;
	vm1 =	vmmov vm0;
	vm3 =	vgt.f32 v13, $5.000000070e-02  }
0x4b: {  	vm1 =	vmneg @p0 vm1;
	vm2 =	vmand vm2, vm3  }
0x4c: {  	vm2 =	vmand vm1, vm2  }
0x4d: {  	v13 =	vnsel vm2, $0xBF800000, v13  }
0x4e: {  	(xrf0) =	vmax.scan.msk.f32 $0xffff, v13;
	_ =	sdelay $0x3  }
0x4f: {  	v41 =	vmov s13;
	_ =	sdelay $0x1  }
0x50: {  	v42, _, _ =	vpop (xrf0)  }
0x51: {  	v16 =	vbroadcast v42, $0xF  }
0x52: {  	s15 =	simm.s32 $0x8C80  }
0x53: {  	s16 =	sand.u32 $0x40, s13;
	s17 =	sand.u32 $0x3E00, s13;
	[tilespmem:v41+s15+$0x0] =	vst.idx.msk $0x1, v16  }
0x54: {  	s16 =	sor.u32 s16, s17;
	[tilespmem:s14+$0x5A00] =	vst v13  }
0x55: {  	[tilespmem:s16+$0x6400] =	vst v8  }
0x56: {  	[tilespmem:s16+$0x6430] =	vst v10  }
0x57: {  	[tilespmem:s16+$0x6420] =	vst v7  }
0x58: {  	[tilespmem:s16+$0x6410] =	vst v9  }
0x59: {  	v13 =	vld [tilespmem:s6+$0x2900]  }
0x5a: {  	v15 =	vld [tilespmem:s6+$0x2980];
	_ =	sdelay $0x3  }
0x5b: {  	v13 =	vmul.f32 v13, v1  }
0x5c: {  	v15 =	vmul.f32 v15, v1  }
0x5d: {  	v13 =	vmin.f32 v13, $4.135166650e+00  }
0x5e: {  	v15 =	vmin.f32 v15, $4.135166650e+00;
	v13 =	vmul.f32 $1.442695020e+00, v13  }
0x5f: {  	v15 =	vmul.f32 $1.442695020e+00, v15  }
0x60: {  	(erf) = vpow2.f32 v13  }
0x61: {  	(erf) = vpow2.f32 v15;
	_ =	sdelay $0x1  }
0x62: {  	v43 =	vld [tilespmem:s6+$0x2800]  }
0x63: {  	v44 =	vld [tilespmem:s6+$0x2880];
	_ =	sdelay $0x3  }
0x64: {  	v13 =	vmul.f32 v43, v0  }
0x65: {  	v15 =	vmul.f32 v44, v0;
	v45 =	vpop (erf)  }
0x66: {  	v13 =	vmul.f32 v13, v4;
	v16 =	vmul.f32 v45, v4;
	v17 =	vpop (erf)  }
0x67: {  	v15 =	vmul.f32 v15, v2;
	v17 =	vmul.f32 v17, v2  }
0x68: {  	v13 =	vadd.f32 v13, v5;
	v16 =	vmul.f32 $5.000000000e-01, v16  }
0x69: {  	v15 =	vadd.f32 v15, v6;
	v17 =	vmul.f32 $5.000000000e-01, v17  }
0x6a: {  	v18 =	vsub.f32 v13, v16;
	v13 =	vadd.f32 v16, v13  }
0x6b: {  	v46 =	vsub.f32 v15, v17;
	v15 =	vadd.f32 v17, v15  }
0x6c: {  	v47 =	vmax.f32 v18, $0.0e+00;
	v13 =	vmax.f32 v13, $0.0e+00  }
0x6d: {  	v13 =	vmin.f32 v13, $5.120000000e+02;
	v16 =	vmax.f32 v46, $0.0e+00;
	v15 =	vmax.f32 v15, $0.0e+00  }
0x6e: {  	v17 =	vmin.f32 v47, $5.120000000e+02;
	v16 =	vmin.f32 v16, $5.120000000e+02;
	v15 =	vmin.f32 v15, $5.120000000e+02  }
0x6f: {  	v48 =	vsub.f32 v13, v17;
	v19 =	vsub.f32 v15, v16  }
0x70: {  	v14 =	vmul.f32 v11, v14  }
0x71: {  	vm2 =	vge.f32 v48, $9.999999770e-03;
	vm3 =	vge.f32 v19, $9.999999770e-03  }
0x72: {  	vm4 =	vgt.f32 v14, $5.000000070e-02;
	vm2 =	vmand vm2, vm3  }
0x73: {  	vm2 =	vmand vm2, vm4  }
0x74: {  	vm2 =	vmand vm1, vm2  }
0x75: {  	v14 =	vnsel vm2, $0xBF800000, v14  }
0x76: {  	(xrf0) =	vmax.scan.msk.f32 $0xffff, v14;
	_ =	sdelay $0x2  }
0x77: {  	s26 =	simm.s32 $0x28  }
0x78: {  	v49 =	vmov s26;
	_ =	sdelay $0x1  }
0x79: {  	v50, _, _ =	vpop (xrf0)  }
0x7a: {  	v19 =	vbroadcast v50, $0xF;
	_ =	sdelay $0x1  }
0x7b: {  	[tilespmem:v49+s15+$0x0] =	vst.idx.msk $0x1, v19  }
0x7c: {  	[tilespmem:s14+$0x5A80] =	vst v14  }
0x7d: {  	[tilespmem:s16+$0x6480] =	vst v17  }
0x7e: {  	[tilespmem:s16+$0x64A0] =	vst v13  }
0x7f: {  	[tilespmem:s16+$0x64B0] =	vst v15  }
0x80: {  	[tilespmem:s16+$0x6490] =	vst v16  }
0x81: {  	v14 =	vld [tilespmem:s6+$0x2B00]  }
0x82: {  	v18 =	vld [tilespmem:s6+$0x2B80];
	_ =	sdelay $0x3  }
0x83: {  	v14 =	vmul.f32 v14, v1  }
0x84: {  	v18 =	vmul.f32 v18, v1  }
0x85: {  	v14 =	vmin.f32 v14, $4.135166650e+00  }
0x86: {  	v18 =	vmin.f32 v18, $4.135166650e+00;
	v14 =	vmul.f32 $1.442695020e+00, v14  }
0x87: {  	v18 =	vmul.f32 $1.442695020e+00, v18  }
0x88: {  	(erf) = vpow2.f32 v14  }
0x89: {  	(erf) = vpow2.f32 v18;
	_ =	sdelay $0x1  }
0x8a: {  	v51 =	vld [tilespmem:s6+$0x2A00]  }
0x8b: {  	v52 =	vld [tilespmem:s6+$0x2A80];
	_ =	sdelay $0x3  }
0x8c: {  	v14 =	vmul.f32 v51, v0  }
0x8d: {  	v18 =	vmul.f32 v52, v0;
	v53 =	vpop (erf)  }
0x8e: {  	v14 =	vmul.f32 v14, v4;
	v19 =	vmul.f32 v53, v4;
	v20 =	vpop (erf)  }
0x8f: {  	v18 =	vmul.f32 v18, v2;
	v20 =	vmul.f32 v20, v2  }
0x90: {  	v14 =	vadd.f32 v14, v5;
	v19 =	vmul.f32 $5.000000000e-01, v19  }
0x91: {  	v18 =	vadd.f32 v18, v6;
	v20 =	vmul.f32 $5.000000000e-01, v20  }
0x92: {  	v21 =	vsub.f32 v14, v19;
	v14 =	vadd.f32 v19, v14  }
0x93: {  	v54 =	vsub.f32 v18, v20;
	v18 =	vadd.f32 v20, v18  }
0x94: {  	v55 =	vmax.f32 v21, $0.0e+00;
	v14 =	vmax.f32 v14, $0.0e+00  }
0x95: {  	v20 =	vmin.f32 v55, $5.120000000e+02;
	v19 =	vmax.f32 v54, $0.0e+00;
	v18 =	vmax.f32 v18, $0.0e+00  }
0x96: {  	v14 =	vmin.f32 v14, $5.120000000e+02;
	v19 =	vmin.f32 v19, $5.120000000e+02;
	v18 =	vmin.f32 v18, $5.120000000e+02  }
0x97: {  	v56 =	vsub.f32 v14, v20;
	v22 =	vsub.f32 v18, v19  }
0x98: {  	v12 =	vmul.f32 v11, v12  }
0x99: {  	vm2 =	vge.f32 v56, $9.999999770e-03;
	vm3 =	vge.f32 v22, $9.999999770e-03  }
0x9a: {  	vm2 =	vmand vm2, vm3;
	vm3 =	vgt.f32 v12, $5.000000070e-02  }
0x9b: {  	vm2 =	vmand vm2, vm3  }
0x9c: {  	vm2 =	vmand vm1, vm2  }
0x9d: {  	v12 =	vnsel vm2, $0xBF800000, v12  }
0x9e: {  	(xrf0) =	vmax.scan.msk.f32 $0xffff, v12;
	_ =	sdelay $0x2  }
0x9f: {  	s28 =	simm.s32 $0x50  }
0xa0: {  	v57 =	vmov s28;
	_ =	sdelay $0x1  }
0xa1: {  	p0 =	por $0x0, $0x0;
	v58, _, _ =	vpop (xrf0)  }
0xa2: {  	s7 =	simm.s32 @!p0 $0x0;
	v22 =	vbroadcast v58, $0xF  }
0xa3: {  	s7 =	sshll.u32 s7, $0x6  }
0xa4: {  	s22 =	sadd.s32 $0x0, s7;
	[tilespmem:v57+s15+$0x0] =	vst.idx.msk $0x1, v22  }
0xa5: {  	s7 =	sor.u32 $0x100, s22;
	s24 =	sadd.s32 $0x10, s22;
	[tilespmem:s14+$0x5B00] =	vst v12  }
0xa6: {  	s21 =	sadd.s32 $0x20, s22;
	s29 =	sor.u32 $0x100, s24;
	[tilespmem:s7+$0x6400] =	vst v20  }
0xa7: {  	s23 =	sadd.s32 $0x30, s22;
	s30 =	sor.u32 $0x100, s21;
	[tilespmem:s29+$0x6400] =	vst v19  }
0xa8: {  	s31 =	sor.u32 $0x100, s23;
	[tilespmem:s30+$0x6400] =	vst v14  }
0xa9: {  	[tilespmem:s31+$0x6400] =	vst v18  }
0xaa: {  	v12 =	vld [tilespmem:s6+$0x3D00]  }
0xab: {  	v21 =	vld [tilespmem:s6+$0x3D80];
	_ =	sdelay $0x3  }
0xac: {  	v12 =	vmul.f32 v12, v1  }
0xad: {  	v21 =	vmul.f32 v21, v1  }
0xae: {  	v12 =	vmin.f32 v12, $4.135166650e+00  }
0xaf: {  	v21 =	vmin.f32 v21, $4.135166650e+00;
	v12 =	vmul.f32 $1.442695020e+00, v12  }
0xb0: {  	v21 =	vmul.f32 $1.442695020e+00, v21  }
0xb1: {  	(erf) = vpow2.f32 v12  }
0xb2: {  	(erf) = vpow2.f32 v21;
	_ =	sdelay $0x1  }
0xb3: {  	v59 =	vld [tilespmem:s6+$0x3C00]  }
0xb4: {  	v60 =	vld [tilespmem:s6+$0x3C80];
	_ =	sdelay $0x1  }
0xb5: {  	v3 =	vmul.f32 v11, v3  }
0xb6: {  	v7 =	vmax.f32 v8, v7;
	v8 =	vmax.f32 v9, v10;
	v11 =	vmax.f32 v16, v15  }
0xb7: {  	v7 =	vmax.f32 v7, v8;
	v9 =	vmul.f32 v59, v0  }
0xb8: {  	v8 =	vimm.f32 $0.0e+00;
	v10 =	vmax.f32 v17, v13;
	v61 =	vmul.f32 v60, v0;
	v62 =	vpop (erf)  }
0xb9: {  	v10 =	vmax.f32 v10, v11;
	v9 =	vmul.f32 v9, v4;
	v4 =	vmul.f32 v62, v4;
	v11 =	vpop (erf)  }
0xba: {  	v63 =	vmax.f32 v20, v14;
	v12 =	vmul.f32 v61, v2;
	v2 =	vmul.f32 v11, v2  }
0xbb: {  	vm2 =	vgt.f32 v3, $5.000000070e-02;
	v5 =	vadd.f32 v9, v5;
	v4 =	vmul.f32 $5.000000000e-01, v4  }
0xbc: {  	v6 =	vadd.f32 v12, v6;
	v11 =	vmax.f32 v19, v18;
	v2 =	vmul.f32 $5.000000000e-01, v2  }
0xbd: {  	v11 =	vmax.f32 v63, v11;
	v9 =	vsub.f32 v5, v4;
	v4 =	vadd.f32 v4, v5  }
0xbe: {  	v5 =	vmax.f32 v8, v7;
	v7 =	vsub.f32 v6, v2;
	v6 =	vadd.f32 v2, v6  }
0xbf: {  	v2 =	vmax.f32 v5, v10;
	v5 =	vmax.f32 v9, $0.0e+00;
	v4 =	vmax.f32 v4, $0.0e+00  }
0xc0: {  	s18 =	simm.s32 $0x10;
	v4 =	vmin.f32 v4, $5.120000000e+02;
	v8 =	vmax.f32 v7, $0.0e+00;
	v9 =	vmax.f32 v6, $0.0e+00  }
0xc1: {  	s19 =	simm.s32 $0x0;
	s17 =	simm.s32 $0x0;
	s16 =	simm.s32 $0x1;
	v7 =	vmin.f32 v5, $5.120000000e+02;
	v6 =	vmin.f32 v8, $5.120000000e+02;
	v5 =	vmin.f32 v9, $5.120000000e+02  }
0xc2: {  	s7 =	sadd.s32 $0xC800, s5;
	s6 =	sadd.s32 $0xCA00, s5;
	s5 =	sadd.s32 $0xC600, s5;
	v9 =	vsub.f32 v4, v7;
	v8 =	vmax.f32 v7, v4;
	v10 =	vsub.f32 v5, v6  }
.LBB2_1:
0xc3: {  	v2 =	vmax.f32 v2, v11;
	v11 =	vmax.f32 v6, v5;
	s13 =	sadd.s32 $0x100, s13;
	p0 =	por !p0, !p0;
	s19 =	sadd.s32 $0x40, s19  }
0xc4: {  	p1 =	sne.s32 s16, $0x27;
	s20 =	smov.u32 s16;
	s16 =	sadd.s32 $0x1, s16;
	vm3 =	vge.f32 v9, $9.999999770e-03;
	vm4 =	vge.f32 v10, $9.999999770e-03;
	v8 =	vmax.f32 v8, v11  }
0xc5: {  	vm3 =	vmand vm3, vm4;
	v2 =	vmax.f32 v2, v8  }
0xc6: {  	vm2 =	vmand vm3, vm2  }
0xc7: {  	vm1 =	vmand vm1, vm2  }
0xc8: {  	v3 =	vnsel vm1, $0xBF800000, v3  }
0xc9: {  	s25 =	sadd.s32 $0x78, s17;
	s17 =	smov.u32 s20;
	(xrf0) =	vmax.scan.msk.f32 $0xffff, v3  }
0xca: {  	v8 =	vmov s25;
	_ =	sdelay $0x4  }
0xcb: {  	v9, _, _ =	vpop (xrf0)  }
0xcc: {  	s25 =	sor.u32 $0x180, s22;
	v9 =	vbroadcast v9, $0xF  }
0xcd: {  	s24 =	sor.u32 $0x180, s24  }
0xce: {  	s26 =	sor.u32 $0x180, s21;
	s23 =	sor.u32 $0x180, s23;
	s20 =	sshrl.u32 s17, $0x3;
	[tilespmem:v8+s15+$0x0] =	vst.idx.msk $0x1, v9  }
0xcf: {  	s21 =	sand.u32 $0x70, s18;
	s22 =	sshll.u32 s20, $0x9;
	s20 =	sshll.u32 s20, $0xA;
	[tilespmem:s14+$0x5B80] =	vst v3  }
0xd0: {  	s20 =	sor.u32 s21, s20;
	[tilespmem:s25+$0x6400] =	vst v7  }
0xd1: {  	[tilespmem:s24+$0x6400] =	vst v6  }
0xd2: {  	[tilespmem:s26+$0x6400] =	vst v4  }
0xd3: {  	[tilespmem:s23+$0x6400] =	vst v5  }
0xd4: {  	v3 =	vld [tilespmem:s20+$0x80]  }
0xd5: {  	v4 =	vld [tilespmem:s20+$0x0]  }
0xd6: {  	v5 =	vld [tilespmem:s20+$0x180]  }
0xd7: {  	v6 =	vld [tilespmem:s20+$0x100]  }
0xd8: {  	v7 =	vld [tilespmem:s20+$0x200];
	_ =	sdelay $0x3  }
0xd9: {  	v8 =	vmax.f32 v4, v3;
	v9 =	vmax.f32 v6, v5  }
0xda: {  	v8 =	vmax.f32 v8, v9  }
0xdb: {  	v8 =	vmax.f32 v8, v7  }
0xdc: {  	v4 =	vsub.f32 v4, v8;
	v3 =	vsub.f32 v3, v8;
	v9 =	vld [tilespmem:s20+$0x1780]  }
0xdd: {  	v6 =	vsub.f32 v6, v8;
	v5 =	vsub.f32 v5, v8;
	v10 =	vld [tilespmem:s20+$0x1700]  }
0xde: {  	v7 =	vsub.f32 v7, v8;
	v4 =	vmul.f32 $1.442695020e+00, v4;
	v3 =	vmul.f32 $1.442695020e+00, v3  }
0xdf: {  	v6 =	vmul.f32 $1.442695020e+00, v6;
	v5 =	vmul.f32 $1.442695020e+00, v5  }
0xe0: {  	v7 =	vmul.f32 $1.442695020e+00, v7;
	(erf) = vpow2.f32 v4  }
0xe1: {  	v4 =	vmul.f32 v9, v1;
	(erf) = vpow2.f32 v3  }
0xe2: {  	v3 =	vmul.f32 v10, v1  }
0xe3: {  	v4 =	vmin.f32 v4, $4.135166650e+00;
	(erf) = vpow2.f32 v6  }
0xe4: {  	v3 =	vmin.f32 v3, $4.135166650e+00;
	v4 =	vmul.f32 $1.442695020e+00, v4;
	(erf) = vpow2.f32 v7  }
0xe5: {  	v3 =	vmul.f32 $1.442695020e+00, v3;
	(erf) = vpow2.f32 v5  }
0xe6: {  	s14 =	sor.u32 s21, s22;
	(erf) = vpow2.f32 v4  }
0xe7: {  	v5 =	vld [tilespmem:s14+$0x5100];
	(erf) = vpow2.f32 v3  }
0xe8: {  	v3 =	vld [tilespmem:s14+$0x5080]  }
0xe9: {  	v4 =	vld [tilespmem:s14+$0x5180];
	v6 =	vpop (erf)  }
0xea: {  	v7 =	vld [tilespmem:s14+$0x5000];
	v8 =	vpop (erf)  }
0xeb: {  	v6 =	vadd.f32 v8, v6;
	v9 =	vld [tilespmem:s20+$0x1680]  }
0xec: {  	v10 =	vld [tilespmem:s20+$0x1600];
	v11 =	vpop (erf)  }
0xed: {  	v6 =	vadd.f32 v6, v11;
	v12 =	vpop (erf)  }
0xee: {  	v4 =	vsub.f32 v4, v3;
	v13 =	vpop (erf)  }
0xef: {  	v5 =	vsub.f32 v5, v7;
	v6 =	vadd.f32 v6, v13;
	v14 =	vpop (erf)  }
0xf0: {  	v15 =	vmul.f32 $5.000000000e-01, v4;
	v14 =	vmul.f32 v14, v4;
	v16 =	vpop (erf)  }
0xf1: {  	v17 =	vmul.f32 $5.000000000e-01, v5;
	v18 =	vadd.f32 v6, v12;
	v10 =	vmul.f32 v10, v0  }
0xf2: {  	v6 =	vadd.f32 v15, v3;
	v3 =	vmul.f32 v9, v0;
	v9 =	vmul.f32 v16, v5  }
0xf3: {  	v7 =	vadd.f32 v17, v7;
	v10 =	vmul.f32 v10, v5;
	(erf) = vrcp.f32 v18  }
0xf4: {  	v3 =	vmul.f32 v3, v4  }
0xf5: {  	v9 =	vmul.f32 $5.000000000e-01, v9;
	v10 =	vadd.f32 v10, v7  }
0xf6: {  	v14 =	vmul.f32 $5.000000000e-01, v14;
	v3 =	vadd.f32 v3, v6  }
0xf7: {  	v15 =	vsub.f32 v10, v9;
	v9 =	vadd.f32 v9, v10  }
0xf8: {  	v10 =	vsub.f32 v3, v14;
	v3 =	vadd.f32 v14, v3  }
0xf9: {  	v14 =	vmax.f32 v15, $0.0e+00;
	v9 =	vmax.f32 v9, $0.0e+00  }
0xfa: {  	v15 =	vmin.f32 v9, $5.120000000e+02;
	v9 =	vmax.f32 v10, $0.0e+00;
	v3 =	vmax.f32 v3, $0.0e+00  }
0xfb: {  	v10 =	vmin.f32 v14, $5.120000000e+02;
	v14 =	vmin.f32 v9, $5.120000000e+02;
	v16 =	vmin.f32 v3, $5.120000000e+02  }
0xfc: {  	v3 =	vsub.f32 v15, v10;
	v18 =	vpop (erf)  }
0xfd: {  	v17 =	vmax.f32 v10, v15;
	v9 =	vsub.f32 v16, v14;
	v19 =	vmul.f32 v18, v8  }
0xfe: {  	v8 =	vmax.f32 v14, v16;
	v11 =	vmul.f32 v18, v11;
	vm1 =	vge.f32 v3, $9.999999770e-03  }
0xff: {  	s21 =	sadd.s32 s18, s12;
	vm2 =	vge.f32 v9, $9.999999770e-03;
	v9 =	vmul.f32 v18, v13;
	v8 =	vmax.f32 v17, v8  }
0x100: {  	p2 =	slt.u32 s21, $0x2710;
	vm3 =	vgt.f32 v19, $5.000000070e-02;
	vm2 =	vmand vm1, vm2;
	vm1 =	vmmov vm0  }
0x101: {  	v3 =	vmul.f32 v18, v12;
	vm1 =	vmneg @p2 vm1;
	vm2 =	vmand vm2, vm3  }
0x102: {  	vm2 =	vmand vm1, vm2  }
0x103: {  	v12 =	vnsel vm2, $0xBF800000, v19  }
0x104: {  	(xrf0) =	vmax.scan.msk.f32 $0xffff, v12;
	_ =	sdelay $0x3  }
0x105: {  	v13 =	vmov s17;
	_ =	sdelay $0x1  }
0x106: {  	v17, _, _ =	vpop (xrf0)  }
0x107: {  	v17 =	vbroadcast v17, $0xF;
	_ =	sdelay $0x1  }
0x108: {  	s22 =	sand.u32 $0x3E00, s13;
	s21 =	sand.u32 $0x40, s19;
	[tilespmem:v13+s15+$0x0] =	vst.idx.msk $0x1, v17  }
0x109: {  	s21 =	sor.u32 s21, s22;
	[tilespmem:s14+$0x5A00] =	vst v12  }
0x10a: {  	[tilespmem:s21+$0x6400] =	vst v10  }
0x10b: {  	[tilespmem:s21+$0x6430] =	vst v16  }
0x10c: {  	[tilespmem:s21+$0x6420] =	vst v15  }
0x10d: {  	[tilespmem:s21+$0x6410] =	vst v14  }
0x10e: {  	v10 =	vld [tilespmem:s20+$0x2900]  }
0x10f: {  	v12 =	vld [tilespmem:s20+$0x2980];
	_ =	sdelay $0x3  }
0x110: {  	v10 =	vmul.f32 v10, v1  }
0x111: {  	v12 =	vmul.f32 v12, v1  }
0x112: {  	v10 =	vmin.f32 v10, $4.135166650e+00  }
0x113: {  	v12 =	vmin.f32 v12, $4.135166650e+00;
	v10 =	vmul.f32 $1.442695020e+00, v10  }
0x114: {  	v12 =	vmul.f32 $1.442695020e+00, v12  }
0x115: {  	(erf) = vpow2.f32 v10  }
0x116: {  	(erf) = vpow2.f32 v12;
	_ =	sdelay $0x1  }
0x117: {  	v10 =	vld [tilespmem:s20+$0x2800]  }
0x118: {  	v12 =	vld [tilespmem:s20+$0x2880];
	_ =	sdelay $0x3  }
0x119: {  	v10 =	vmul.f32 v10, v0  }
0x11a: {  	v12 =	vmul.f32 v12, v0;
	v13 =	vpop (erf)  }
0x11b: {  	v10 =	vmul.f32 v10, v5;
	v13 =	vmul.f32 v13, v5;
	v14 =	vpop (erf)  }
0x11c: {  	v12 =	vmul.f32 v12, v4;
	v14 =	vmul.f32 v14, v4  }
0x11d: {  	v10 =	vadd.f32 v10, v7;
	v13 =	vmul.f32 $5.000000000e-01, v13  }
0x11e: {  	v12 =	vadd.f32 v12, v6;
	v14 =	vmul.f32 $5.000000000e-01, v14  }
0x11f: {  	v15 =	vsub.f32 v10, v13;
	v10 =	vadd.f32 v13, v10  }
0x120: {  	v13 =	vsub.f32 v12, v14;
	v12 =	vadd.f32 v14, v12  }
0x121: {  	v14 =	vmax.f32 v15, $0.0e+00;
	v10 =	vmax.f32 v10, $0.0e+00  }
0x122: {  	v15 =	vmin.f32 v10, $5.120000000e+02;
	v10 =	vmax.f32 v13, $0.0e+00;
	v12 =	vmax.f32 v12, $0.0e+00  }
0x123: {  	v13 =	vmin.f32 v14, $5.120000000e+02;
	v14 =	vmin.f32 v10, $5.120000000e+02;
	v12 =	vmin.f32 v12, $5.120000000e+02  }
0x124: {  	v10 =	vsub.f32 v15, v13;
	v17 =	vmax.f32 v13, v15;
	v16 =	vsub.f32 v12, v14  }
0x125: {  	v18 =	vmax.f32 v14, v12  }
0x126: {  	vm2 =	vge.f32 v10, $9.999999770e-03;
	v10 =	vmax.f32 v17, v18;
	vm3 =	vge.f32 v16, $9.999999770e-03  }
0x127: {  	vm4 =	vgt.f32 v11, $5.000000070e-02;
	vm2 =	vmand vm2, vm3  }
0x128: {  	vm2 =	vmand vm2, vm4  }
0x129: {  	vm2 =	vmand vm1, vm2  }
0x12a: {  	v11 =	vnsel vm2, $0xBF800000, v11  }
0x12b: {  	(xrf0) =	vmax.scan.msk.f32 $0xffff, v11;
	_ =	sdelay $0x2  }
0x12c: {  	s22 =	sadd.s32 $0x28, s17  }
0x12d: {  	v16 =	vmov s22;
	_ =	sdelay $0x1  }
0x12e: {  	v17, _, _ =	vpop (xrf0)  }
0x12f: {  	v17 =	vbroadcast v17, $0xF;
	_ =	sdelay $0x1  }
0x130: {  	[tilespmem:v16+s15+$0x0] =	vst.idx.msk $0x1, v17  }
0x131: {  	[tilespmem:s14+$0x5A80] =	vst v11  }
0x132: {  	[tilespmem:s21+$0x6480] =	vst v13  }
0x133: {  	[tilespmem:s21+$0x64A0] =	vst v15  }
0x134: {  	[tilespmem:s21+$0x64B0] =	vst v12;
	_ =	sdelay $0x4  }
0x135: {  	[tilespmem:s21+$0x6490] =	vst v14  }
0x136: {  	v11 =	vld [tilespmem:s20+$0x2B00]  }
0x137: {  	v12 =	vld [tilespmem:s20+$0x2B80]  }
0x138: {  	v13 =	vld [tilespmem:s20+$0x2A00]  }
0x139: {  	v14 =	vld [tilespmem:s20+$0x2A80];
	_ =	sdelay $0x1  }
0x13a: {  	v11 =	vmul.f32 v11, v1  }
0x13b: {  	v12 =	vmul.f32 v12, v1  }
0x13c: {  	v13 =	vmul.f32 v13, v0;
	v11 =	vmin.f32 v11, $4.135166650e+00  }
0x13d: {  	v14 =	vmul.f32 v14, v0;
	v12 =	vmin.f32 v12, $4.135166650e+00;
	v11 =	vmul.f32 $1.442695020e+00, v11  }
0x13e: {  	v13 =	vmul.f32 v13, v5;
	v12 =	vmul.f32 $1.442695020e+00, v12  }
0x13f: {  	v14 =	vmul.f32 v14, v4;
	(erf) = vpow2.f32 v11  }
0x140: {  	(erf) = vpow2.f32 v12;
	_ =	sdelay $0x7  }
0x141: {  	v11 =	vpop (erf)  }
0x142: {  	v11 =	vmul.f32 v11, v5;
	v12 =	vpop (erf)  }
0x143: {  	v12 =	vmul.f32 v12, v4  }
0x144: {  	v13 =	vadd.f32 v13, v7;
	v11 =	vmul.f32 $5.000000000e-01, v11  }
0x145: {  	v14 =	vadd.f32 v14, v6;
	v12 =	vmul.f32 $5.000000000e-01, v12  }
0x146: {  	v15 =	vsub.f32 v13, v11;
	v11 =	vadd.f32 v11, v13  }
0x147: {  	v13 =	vsub.f32 v14, v12;
	v12 =	vadd.f32 v12, v14  }
0x148: {  	v14 =	vmax.f32 v15, $0.0e+00;
	v11 =	vmax.f32 v11, $0.0e+00  }
0x149: {  	v14 =	vmin.f32 v14, $5.120000000e+02;
	v13 =	vmax.f32 v13, $0.0e+00;
	v12 =	vmax.f32 v12, $0.0e+00  }
0x14a: {  	v15 =	vmin.f32 v11, $5.120000000e+02;
	v13 =	vmin.f32 v13, $5.120000000e+02;
	v12 =	vmin.f32 v12, $5.120000000e+02  }
0x14b: {  	v11 =	vsub.f32 v15, v14;
	v17 =	vmax.f32 v14, v15;
	v16 =	vsub.f32 v12, v13  }
0x14c: {  	v18 =	vmax.f32 v13, v12  }
0x14d: {  	vm2 =	vge.f32 v11, $9.999999770e-03;
	v11 =	vmax.f32 v17, v18;
	vm3 =	vge.f32 v16, $9.999999770e-03  }
0x14e: {  	vm4 =	vgt.f32 v9, $5.000000070e-02;
	vm2 =	vmand vm2, vm3  }
0x14f: {  	vm2 =	vmand vm2, vm4  }
0x150: {  	vm2 =	vmand vm1, vm2  }
0x151: {  	v9 =	vnsel vm2, $0xBF800000, v9  }
0x152: {  	(xrf0) =	vmax.scan.msk.f32 $0xffff, v9;
	_ =	sdelay $0x2  }
0x153: {  	s21 =	sadd.s32 $0x50, s17  }
0x154: {  	v16 =	vmov s21;
	_ =	sdelay $0x1  }
0x155: {  	s21 =	simm.s32 $0x1;
	v17, _, _ =	vpop (xrf0)  }
0x156: {  	s21 =	simm.s32 @!p0 $0x0;
	v17 =	vbroadcast v17, $0xF  }
0x157: {  	s21 =	sshll.u32 s21, $0x6  }
0x158: {  	s22 =	sadd.s32 s21, s13;
	[tilespmem:v16+s15+$0x0] =	vst.idx.msk $0x1, v17  }
0x159: {  	s23 =	sor.u32 $0x100, s22;
	s24 =	sadd.s32 $0x10, s22;
	s21 =	sadd.s32 $0x20, s22;
	[tilespmem:s14+$0x5B00] =	vst v9  }
0x15a: {  	s25 =	sor.u32 $0x100, s24;
	[tilespmem:s23+$0x6400] =	vst v14;
	s23 =	sadd.s32 $0x30, s22  }
0x15b: {  	[tilespmem:s25+$0x6400] =	vst v13;
	s25 =	sor.u32 $0x100, s21  }
0x15c: {  	[tilespmem:s25+$0x6400] =	vst v15;
	s25 =	sor.u32 $0x100, s23  }
0x15d: {  	[tilespmem:s25+$0x6400] =	vst v12  }
0x15e: {  	v9 =	vld [tilespmem:s20+$0x3D00]  }
0x15f: {  	v12 =	vld [tilespmem:s20+$0x3D80]  }
0x160: {  	v13 =	vld [tilespmem:s20+$0x3C00]  }
0x161: {  	v14 =	vld [tilespmem:s20+$0x3C80];
	_ =	sdelay $0x1  }
0x162: {  	v9 =	vmul.f32 v9, v1  }
0x163: {  	v12 =	vmul.f32 v12, v1  }
0x164: {  	v13 =	vmul.f32 v13, v0;
	v9 =	vmin.f32 v9, $4.135166650e+00  }
0x165: {  	v14 =	vmul.f32 v14, v0;
	v12 =	vmin.f32 v12, $4.135166650e+00;
	v9 =	vmul.f32 $1.442695020e+00, v9  }
0x166: {  	v13 =	vmul.f32 v13, v5;
	v12 =	vmul.f32 $1.442695020e+00, v12  }
0x167: {  	v14 =	vmul.f32 v14, v4;
	(erf) = vpow2.f32 v9  }
0x168: {  	(erf) = vpow2.f32 v12;
	_ =	sdelay $0x7  }
0x169: {  	v9 =	vpop (erf)  }
0x16a: {  	v7 =	vadd.f32 v13, v7;
	v6 =	vadd.f32 v14, v6;
	v5 =	vmul.f32 v9, v5;
	v9 =	vpop (erf)  }
0x16b: {  	v4 =	vmul.f32 v9, v4  }
0x16c: {  	v5 =	vmul.f32 $5.000000000e-01, v5  }
0x16d: {  	v4 =	vmul.f32 $5.000000000e-01, v4  }
0x16e: {  	vm2 =	vgt.f32 v3, $5.000000070e-02;
	v9 =	vsub.f32 v7, v5;
	v5 =	vadd.f32 v5, v7  }
.Ltmp0:
0x16f: {  	v2 =	vmax.f32 v2, v8;
	v7 =	vsub.f32 v6, v4;
	v6 =	vadd.f32 v4, v6;
	(pc) =	sbr.rel @p1 .LBB2_1-.Ltmp0, $4  }
0x170: {  	v2 =	vmax.f32 v2, v10;
	v8 =	vmax.f32 v9, $0.0e+00;
	v4 =	vmax.f32 v5, $0.0e+00  }
0x171: {  	v4 =	vmin.f32 v4, $5.120000000e+02;
	v5 =	vmax.f32 v7, $0.0e+00;
	v9 =	vmax.f32 v6, $0.0e+00  }
0x172: {  	v7 =	vmin.f32 v8, $5.120000000e+02;
	v6 =	vmin.f32 v5, $5.120000000e+02;
	v5 =	vmin.f32 v9, $5.120000000e+02  }
0x173: {  	s18 =	sadd.s32 $0x10, s18;
	v9 =	vsub.f32 v4, v7;
	v8 =	vmax.f32 v7, v4;
	v10 =	vsub.f32 v5, v6  }
0x174: {  	_ = 	snop  }
0x175: {  	vm3 =	vge.f32 v9, $9.999999770e-03;
	vm4 =	vge.f32 v10, $9.999999770e-03  }
0x176: {  	vm3 =	vmand vm3, vm4  }
0x177: {  	vm2 =	vmand vm3, vm2  }
0x178: {  	vm1 =	vmand vm1, vm2  }
0x179: {  	v0 =	vnsel vm1, $0xBF800000, v3  }
0x17a: {  	(xrf0) =	vmax.scan.msk.f32 $0xffff, v0;
	_ =	sdelay $0x2  }
0x17b: {  	s13 =	sadd.s32 $0x78, s17  }
0x17c: {  	v1 =	vmov s13;
	_ =	sdelay $0x1  }
0x17d: {  	v61, _, _ =	vpop (xrf0)  }
0x17e: {  	v3 =	vbroadcast v61, $0xF;
	_ =	sdelay $0x1  }
0x17f: {  	[tilespmem:v1+s15+$0x0] =	vst.idx.msk $0x1, v3  }
0x180: {  	s19 =	sor.u32 $0x180, s22;
	[tilespmem:s14+$0x5B80] =	vst v0  }
0x181: {  	s20 =	sor.u32 $0x180, s24;
	[tilespmem:s19+$0x6400] =	vst v7  }
0x182: {  	v62 =	vmax.f32 v6, v5;
	s22 =	sor.u32 $0x180, s21;
	[tilespmem:s20+$0x6400] =	vst v6  }
0x183: {  	v63 =	vmax.f32 v2, v11;
	s23 =	sor.u32 $0x180, s23;
	v0 =	vmax.f32 v8, v62;
	[tilespmem:s22+$0x6400] =	vst v4  }
0x184: {  	v0 =	vmax.f32 v63, v0;
	[tilespmem:s23+$0x6400] =	vst v5  }
0x185: {  	s12 =	sadd.s32 s12, s10;
	s24 =	simm.s32 $0x5A00;
	[tilespmem:$0x8C00] =	vst v0  }
0x186: {  	[spmem:s12] =	stream.linear.scatter [tilespmem:s24], [sflag:$0x1], $0x80, $0x38;
	[tilespmem:$0x172B0] =	vst v63  }
0x187: {  	s26 =	simm.s32 $0x5C00;
	s25 =	sadd.s32 $0x80, s12  }
0x188: {  	[spmem:s25] =	stream.linear.scatter [tilespmem:s26], [sflag:$0x1], $0x80, $0x38;
	[tilespmem:$0x172B0] =	vst v63  }
0x189: {  	s29 =	simm.s32 $0x5E00;
	s28 =	sadd.s32 $0x100, s12  }
0x18a: {  	[spmem:s28] =	stream.linear.scatter [tilespmem:s29], [sflag:$0x1], $0x80, $0x38;
	[tilespmem:$0x172B0] =	vst v63  }
0x18b: {  	s31 =	simm.s32 $0x6000;
	s16 =	smul.u32 $0x2800, s11;
	s30 =	sadd.s32 $0x180, s12  }
0x18c: {  	[spmem:s30] =	stream.linear.scatter [tilespmem:s31], [sflag:$0x1], $0x80, $0x38;
	[tilespmem:$0x172B0] =	vst v63  }
0x18d: {  	s17 =	sshrl.u32 s16, $0x2;
	s15 =	simm.s32 $0x6200;
	s14 =	sadd.s32 $0x200, s12  }
0x18e: {  	[spmem:s14] =	stream.linear.scatter [tilespmem:s15], [sflag:$0x1], $0x80, $0x38;
	[tilespmem:$0x172B0] =	vst v63  }
0x18f: {  	s18 =	simm.s32 $0x6400;
	s13 =	sadd.s32 s17, s4  }
0x190: {  	[spmem:s13] =	stream.linear.scatter [tilespmem:s18], [sflag:$0x1], $0x80, $0x38;
	[tilespmem:$0x172B0] =	vst v63  }
0x191: {  	s19 =	sadd.s32 $0x80, s13;
	s20 =	simm.s32 $0x6600  }
0x192: {  	[spmem:s19] =	stream.linear.scatter [tilespmem:s20], [sflag:$0x1], $0x80, $0x38;
	[tilespmem:$0x172B0] =	vst v63  }
0x193: {  	s21 =	sadd.s32 $0x100, s13;
	s22 =	simm.s32 $0x6800  }
0x194: {  	[spmem:s21] =	stream.linear.scatter [tilespmem:s22], [sflag:$0x1], $0x80, $0x38;
	[tilespmem:$0x172B0] =	vst v63  }
0x195: {  	s23 =	sadd.s32 $0x180, s13;
	s24 =	simm.s32 $0x6A00  }
0x196: {  	[spmem:s23] =	stream.linear.scatter [tilespmem:s24], [sflag:$0x1], $0x80, $0x38;
	[tilespmem:$0x172B0] =	vst v63  }
0x197: {  	s25 =	sadd.s32 $0x200, s13;
	s26 =	simm.s32 $0x6C00  }
0x198: {  	[spmem:s25] =	stream.linear.scatter [tilespmem:s26], [sflag:$0x1], $0x80, $0x38;
	[tilespmem:$0x172B0] =	vst v63  }
0x199: {  	s28 =	sadd.s32 $0x280, s13;
	s29 =	simm.s32 $0x6E00  }
0x19a: {  	[spmem:s28] =	stream.linear.scatter [tilespmem:s29], [sflag:$0x1], $0x80, $0x38;
	[tilespmem:$0x172B0] =	vst v63  }
0x19b: {  	s30 =	sadd.s32 $0x300, s13;
	s31 =	simm.s32 $0x7000  }
0x19c: {  	[spmem:s30] =	stream.linear.scatter [tilespmem:s31], [sflag:$0x1], $0x80, $0x38;
	[tilespmem:$0x172B0] =	vst v63  }
0x19d: {  	s16 =	simm.s32 $0x7200;
	s15 =	sadd.s32 $0x380, s13  }
0x19e: {  	[spmem:s15] =	stream.linear.scatter [tilespmem:s16], [sflag:$0x1], $0x80, $0x38;
	[tilespmem:$0x172B0] =	vst v63  }
0x19f: {  	s17 =	sadd.s32 $0x400, s13;
	s18 =	simm.s32 $0x7400  }
0x1a0: {  	[spmem:s17] =	stream.linear.scatter [tilespmem:s18], [sflag:$0x1], $0x80, $0x38;
	[tilespmem:$0x172B0] =	vst v63  }
0x1a1: {  	s19 =	sadd.s32 $0x480, s13;
	s20 =	simm.s32 $0x7600  }
0x1a2: {  	[spmem:s19] =	stream.linear.scatter [tilespmem:s20], [sflag:$0x1], $0x80, $0x38;
	[tilespmem:$0x172B0] =	vst v63  }
0x1a3: {  	s21 =	sadd.s32 $0x500, s13;
	s22 =	simm.s32 $0x7800  }
0x1a4: {  	[spmem:s21] =	stream.linear.scatter [tilespmem:s22], [sflag:$0x1], $0x80, $0x38;
	[tilespmem:$0x172B0] =	vst v63  }
0x1a5: {  	s23 =	sadd.s32 $0x580, s13;
	s24 =	simm.s32 $0x7A00  }
0x1a6: {  	[spmem:s23] =	stream.linear.scatter [tilespmem:s24], [sflag:$0x1], $0x80, $0x38;
	[tilespmem:$0x172B0] =	vst v63  }
0x1a7: {  	s25 =	sadd.s32 $0x600, s13;
	s26 =	simm.s32 $0x7C00  }
0x1a8: {  	[spmem:s25] =	stream.linear.scatter [tilespmem:s26], [sflag:$0x1], $0x80, $0x38;
	[tilespmem:$0x172B0] =	vst v63  }
0x1a9: {  	s28 =	sadd.s32 $0x680, s13;
	s29 =	simm.s32 $0x7E00  }
0x1aa: {  	[spmem:s28] =	stream.linear.scatter [tilespmem:s29], [sflag:$0x1], $0x80, $0x38;
	[tilespmem:$0x172B0] =	vst v63  }
0x1ab: {  	s30 =	sadd.s32 $0x700, s13;
	s31 =	simm.s32 $0x8000  }
0x1ac: {  	[spmem:s30] =	stream.linear.scatter [tilespmem:s31], [sflag:$0x1], $0x80, $0x38;
	[tilespmem:$0x172B0] =	vst v63  }
0x1ad: {  	s15 =	sadd.s32 $0x780, s13;
	s16 =	simm.s32 $0x8200  }
0x1ae: {  	[spmem:s15] =	stream.linear.scatter [tilespmem:s16], [sflag:$0x1], $0x80, $0x38;
	[tilespmem:$0x172B0] =	vst v63  }
0x1af: {  	s17 =	sadd.s32 $0x800, s13;
	s18 =	simm.s32 $0x8400  }
0x1b0: {  	[spmem:s17] =	stream.linear.scatter [tilespmem:s18], [sflag:$0x1], $0x80, $0x38;
	[tilespmem:$0x172B0] =	vst v63  }
0x1b1: {  	s19 =	sadd.s32 $0x880, s13;
	s20 =	simm.s32 $0x8600  }
0x1b2: {  	[spmem:s19] =	stream.linear.scatter [tilespmem:s20], [sflag:$0x1], $0x80, $0x38;
	[tilespmem:$0x172B0] =	vst v63  }
0x1b3: {  	s21 =	sadd.s32 $0x900, s13;
	s22 =	simm.s32 $0x8800  }
0x1b4: {  	[spmem:s21] =	stream.linear.scatter [tilespmem:s22], [sflag:$0x1], $0x80, $0x38;
	[tilespmem:$0x172B0] =	vst v63  }
0x1b5: {  	s23 =	sadd.s32 $0x980, s13;
	s24 =	simm.s32 $0x8A00;
	s13 =	smul.u32 $0x28, s11  }
0x1b6: {  	[spmem:s23] =	stream.linear.scatter [tilespmem:s24], [sflag:$0x1], $0x80, $0x38;
	[tilespmem:$0x172B0] =	vst v63  }
0x1b7: {  	s25 =	sadd.s32 s13, s9;
	s26 =	simm.s32 $0x8C80  }
0x1b8: {  	[spmem:s25] =	stream.linear.scatter [tilespmem:s26], [sflag:$0x1], $0x28, $0x38;
	[tilespmem:$0x172B0] =	vst v63  }
0x1b9: {  	s28 =	sadd.s32 $0x2800, s12;
	s29 =	simm.s32 $0x5A80  }
0x1ba: {  	[spmem:s28] =	stream.linear.scatter [tilespmem:s29], [sflag:$0x1], $0x80, $0x38;
	[tilespmem:$0x172B0] =	vst v63  }
0x1bb: {  	s30 =	sadd.s32 $0x2880, s12;
	s31 =	simm.s32 $0x5C80  }
0x1bc: {  	[spmem:s30] =	stream.linear.scatter [tilespmem:s31], [sflag:$0x1], $0x80, $0x38;
	[tilespmem:$0x172B0] =	vst v63  }
0x1bd: {  	s16 =	sadd.s32 $0x2900, s12;
	s17 =	simm.s32 $0x5E80  }
0x1be: {  	[spmem:s16] =	stream.linear.scatter [tilespmem:s17], [sflag:$0x1], $0x80, $0x38;
	[tilespmem:$0x172B0] =	vst v63  }
0x1bf: {  	s14 =	sadd.s32 $0x280, s13;
	s18 =	sadd.s32 $0x2980, s12;
	s19 =	simm.s32 $0x6080  }
0x1c0: {  	[spmem:s18] =	stream.linear.scatter [tilespmem:s19], [sflag:$0x1], $0x80, $0x38;
	[tilespmem:$0x172B0] =	vst v63  }
0x1c1: {  	s20 =	sadd.s32 $0x2A00, s12;
	s21 =	simm.s32 $0x6280;
	s22 =	sshll.u32 s14, $0x6  }
0x1c2: {  	[spmem:s20] =	stream.linear.scatter [tilespmem:s21], [sflag:$0x1], $0x80, $0x38;
	[tilespmem:$0x172B0] =	vst v63  }
0x1c3: {  	s15 =	sadd.s32 s22, s4;
	s16 =	simm.s32 $0x6480  }
0x1c4: {  	[spmem:s15] =	stream.linear.scatter [tilespmem:s16], [sflag:$0x1], $0x80, $0x38;
	[tilespmem:$0x172B0] =	vst v63  }
0x1c5: {  	s23 =	sadd.s32 $0x80, s15;
	s24 =	simm.s32 $0x6680  }
0x1c6: {  	[spmem:s23] =	stream.linear.scatter [tilespmem:s24], [sflag:$0x1], $0x80, $0x38;
	[tilespmem:$0x172B0] =	vst v63  }
0x1c7: {  	s25 =	sadd.s32 $0x100, s15;
	s26 =	simm.s32 $0x6880  }
0x1c8: {  	[spmem:s25] =	stream.linear.scatter [tilespmem:s26], [sflag:$0x1], $0x80, $0x38;
	[tilespmem:$0x172B0] =	vst v63  }
0x1c9: {  	s28 =	sadd.s32 $0x180, s15;
	s29 =	simm.s32 $0x6A80  }
0x1ca: {  	[spmem:s28] =	stream.linear.scatter [tilespmem:s29], [sflag:$0x1], $0x80, $0x38;
	[tilespmem:$0x172B0] =	vst v63  }
0x1cb: {  	s30 =	sadd.s32 $0x200, s15;
	s31 =	simm.s32 $0x6C80  }
0x1cc: {  	[spmem:s30] =	stream.linear.scatter [tilespmem:s31], [sflag:$0x1], $0x80, $0x38;
	[tilespmem:$0x172B0] =	vst v63  }
0x1cd: {  	s17 =	sadd.s32 $0x280, s15;
	s18 =	simm.s32 $0x6E80  }
0x1ce: {  	[spmem:s17] =	stream.linear.scatter [tilespmem:s18], [sflag:$0x1], $0x80, $0x38;
	[tilespmem:$0x172B0] =	vst v63  }
0x1cf: {  	s19 =	sadd.s32 $0x300, s15;
	s20 =	simm.s32 $0x7080  }
0x1d0: {  	[spmem:s19] =	stream.linear.scatter [tilespmem:s20], [sflag:$0x1], $0x80, $0x38;
	[tilespmem:$0x172B0] =	vst v63  }
0x1d1: {  	s22 =	simm.s32 $0x7280;
	s21 =	sadd.s32 $0x380, s15  }
0x1d2: {  	[spmem:s21] =	stream.linear.scatter [tilespmem:s22], [sflag:$0x1], $0x80, $0x38;
	[tilespmem:$0x172B0] =	vst v63  }
0x1d3: {  	s23 =	sadd.s32 $0x400, s15;
	s24 =	simm.s32 $0x7480  }
0x1d4: {  	[spmem:s23] =	stream.linear.scatter [tilespmem:s24], [sflag:$0x1], $0x80, $0x38;
	[tilespmem:$0x172B0] =	vst v63  }
0x1d5: {  	s25 =	sadd.s32 $0x480, s15;
	s26 =	simm.s32 $0x7680  }
0x1d6: {  	[spmem:s25] =	stream.linear.scatter [tilespmem:s26], [sflag:$0x1], $0x80, $0x38;
	[tilespmem:$0x172B0] =	vst v63  }
0x1d7: {  	s28 =	sadd.s32 $0x500, s15;
	s29 =	simm.s32 $0x7880  }
0x1d8: {  	[spmem:s28] =	stream.linear.scatter [tilespmem:s29], [sflag:$0x1], $0x80, $0x38;
	[tilespmem:$0x172B0] =	vst v63  }
0x1d9: {  	s30 =	sadd.s32 $0x580, s15;
	s31 =	simm.s32 $0x7A80  }
0x1da: {  	[spmem:s30] =	stream.linear.scatter [tilespmem:s31], [sflag:$0x1], $0x80, $0x38;
	[tilespmem:$0x172B0] =	vst v63  }
0x1db: {  	s17 =	sadd.s32 $0x600, s15;
	s18 =	simm.s32 $0x7C80  }
0x1dc: {  	[spmem:s17] =	stream.linear.scatter [tilespmem:s18], [sflag:$0x1], $0x80, $0x38;
	[tilespmem:$0x172B0] =	vst v63  }
0x1dd: {  	s19 =	sadd.s32 $0x680, s15;
	s20 =	simm.s32 $0x7E80  }
0x1de: {  	[spmem:s19] =	stream.linear.scatter [tilespmem:s20], [sflag:$0x1], $0x80, $0x38;
	[tilespmem:$0x172B0] =	vst v63  }
0x1df: {  	s21 =	sadd.s32 $0x700, s15;
	s22 =	simm.s32 $0x8080  }
0x1e0: {  	[spmem:s21] =	stream.linear.scatter [tilespmem:s22], [sflag:$0x1], $0x80, $0x38;
	[tilespmem:$0x172B0] =	vst v63  }
0x1e1: {  	s23 =	sadd.s32 $0x780, s15;
	s24 =	simm.s32 $0x8280  }
0x1e2: {  	[spmem:s23] =	stream.linear.scatter [tilespmem:s24], [sflag:$0x1], $0x80, $0x38;
	[tilespmem:$0x172B0] =	vst v63  }
0x1e3: {  	s25 =	sadd.s32 $0x800, s15;
	s26 =	simm.s32 $0x8480  }
0x1e4: {  	[spmem:s25] =	stream.linear.scatter [tilespmem:s26], [sflag:$0x1], $0x80, $0x38;
	[tilespmem:$0x172B0] =	vst v63  }
0x1e5: {  	s28 =	sadd.s32 $0x880, s15;
	s29 =	simm.s32 $0x8680  }
0x1e6: {  	[spmem:s28] =	stream.linear.scatter [tilespmem:s29], [sflag:$0x1], $0x80, $0x38;
	[tilespmem:$0x172B0] =	vst v63  }
0x1e7: {  	s30 =	sadd.s32 $0x900, s15;
	s31 =	simm.s32 $0x8880  }
0x1e8: {  	[spmem:s30] =	stream.linear.scatter [tilespmem:s31], [sflag:$0x1], $0x80, $0x38;
	[tilespmem:$0x172B0] =	vst v63  }
0x1e9: {  	s15 =	sadd.s32 $0x980, s15;
	s17 =	simm.s32 $0x8A80  }
0x1ea: {  	[spmem:s15] =	stream.linear.scatter [tilespmem:s17], [sflag:$0x1], $0x80, $0x38;
	[tilespmem:$0x172B0] =	vst v63  }
0x1eb: {  	s14 =	sadd.s32 s14, s9;
	s18 =	simm.s32 $0x8CA8  }
0x1ec: {  	[spmem:s14] =	stream.linear.scatter [tilespmem:s18], [sflag:$0x1], $0x28, $0x38;
	[tilespmem:$0x172B0] =	vst v63  }
0x1ed: {  	s19 =	sadd.s32 $0x5000, s12;
	s20 =	simm.s32 $0x5B00  }
0x1ee: {  	[spmem:s19] =	stream.linear.scatter [tilespmem:s20], [sflag:$0x1], $0x80, $0x38;
	[tilespmem:$0x172B0] =	vst v63  }
0x1ef: {  	s21 =	sadd.s32 $0x5080, s12;
	s22 =	simm.s32 $0x5D00  }
0x1f0: {  	[spmem:s21] =	stream.linear.scatter [tilespmem:s22], [sflag:$0x1], $0x80, $0x38;
	[tilespmem:$0x172B0] =	vst v63  }
0x1f1: {  	s23 =	sadd.s32 $0x5100, s12;
	s24 =	simm.s32 $0x5F00  }
0x1f2: {  	[spmem:s23] =	stream.linear.scatter [tilespmem:s24], [sflag:$0x1], $0x80, $0x38;
	[tilespmem:$0x172B0] =	vst v63  }
0x1f3: {  	s25 =	sadd.s32 $0x5180, s12;
	s26 =	simm.s32 $0x6100;
	s14 =	sadd.s32 $0x500, s13  }
0x1f4: {  	[spmem:s25] =	stream.linear.scatter [tilespmem:s26], [sflag:$0x1], $0x80, $0x38;
	[tilespmem:$0x172B0] =	vst v63  }
0x1f5: {  	s28 =	sadd.s32 $0x5200, s12;
	s29 =	simm.s32 $0x6300;
	s30 =	sshll.u32 s14, $0x6  }
0x1f6: {  	[spmem:s28] =	stream.linear.scatter [tilespmem:s29], [sflag:$0x1], $0x80, $0x38;
	[tilespmem:$0x172B0] =	vst v63  }
0x1f7: {  	s31 =	simm.s32 $0x6500;
	s15 =	sadd.s32 s30, s4  }
0x1f8: {  	[spmem:s15] =	stream.linear.scatter [tilespmem:s31], [sflag:$0x1], $0x80, $0x38;
	[tilespmem:$0x172B0] =	vst v63  }
0x1f9: {  	s18 =	simm.s32 $0x6700;
	s17 =	sadd.s32 $0x80, s15  }
0x1fa: {  	[spmem:s17] =	stream.linear.scatter [tilespmem:s18], [sflag:$0x1], $0x80, $0x38;
	[tilespmem:$0x172B0] =	vst v63  }
0x1fb: {  	s20 =	simm.s32 $0x6900;
	s19 =	sadd.s32 $0x100, s15  }
0x1fc: {  	[spmem:s19] =	stream.linear.scatter [tilespmem:s20], [sflag:$0x1], $0x80, $0x38;
	[tilespmem:$0x172B0] =	vst v63  }
0x1fd: {  	s21 =	sadd.s32 $0x180, s15;
	s22 =	simm.s32 $0x6B00  }
0x1fe: {  	[spmem:s21] =	stream.linear.scatter [tilespmem:s22], [sflag:$0x1], $0x80, $0x38;
	[tilespmem:$0x172B0] =	vst v63  }
0x1ff: {  	s23 =	sadd.s32 $0x200, s15;
	s24 =	simm.s32 $0x6D00  }
0x200: {  	[spmem:s23] =	stream.linear.scatter [tilespmem:s24], [sflag:$0x1], $0x80, $0x38;
	[tilespmem:$0x172B0] =	vst v63  }
0x201: {  	s25 =	sadd.s32 $0x280, s15;
	s26 =	simm.s32 $0x6F00  }
0x202: {  	[spmem:s25] =	stream.linear.scatter [tilespmem:s26], [sflag:$0x1], $0x80, $0x38;
	[tilespmem:$0x172B0] =	vst v63  }
0x203: {  	s28 =	sadd.s32 $0x300, s15;
	s29 =	simm.s32 $0x7100  }
0x204: {  	[spmem:s28] =	stream.linear.scatter [tilespmem:s29], [sflag:$0x1], $0x80, $0x38;
	[tilespmem:$0x172B0] =	vst v63  }
0x205: {  	s30 =	sadd.s32 $0x380, s15;
	s31 =	simm.s32 $0x7300  }
0x206: {  	[spmem:s30] =	stream.linear.scatter [tilespmem:s31], [sflag:$0x1], $0x80, $0x38;
	[tilespmem:$0x172B0] =	vst v63  }
0x207: {  	s17 =	sadd.s32 $0x400, s15;
	s18 =	simm.s32 $0x7500  }
0x208: {  	[spmem:s17] =	stream.linear.scatter [tilespmem:s18], [sflag:$0x1], $0x80, $0x38;
	[tilespmem:$0x172B0] =	vst v63  }
0x209: {  	s19 =	sadd.s32 $0x480, s15;
	s20 =	simm.s32 $0x7700  }
0x20a: {  	[spmem:s19] =	stream.linear.scatter [tilespmem:s20], [sflag:$0x1], $0x80, $0x38;
	[tilespmem:$0x172B0] =	vst v63  }
0x20b: {  	s21 =	sadd.s32 $0x500, s15;
	s22 =	simm.s32 $0x7900  }
0x20c: {  	[spmem:s21] =	stream.linear.scatter [tilespmem:s22], [sflag:$0x1], $0x80, $0x38;
	[tilespmem:$0x172B0] =	vst v63  }
0x20d: {  	s23 =	sadd.s32 $0x580, s15;
	s24 =	simm.s32 $0x7B00  }
0x20e: {  	[spmem:s23] =	stream.linear.scatter [tilespmem:s24], [sflag:$0x1], $0x80, $0x38;
	[tilespmem:$0x172B0] =	vst v63  }
0x20f: {  	s25 =	sadd.s32 $0x600, s15;
	s26 =	simm.s32 $0x7D00  }
0x210: {  	[spmem:s25] =	stream.linear.scatter [tilespmem:s26], [sflag:$0x1], $0x80, $0x38;
	[tilespmem:$0x172B0] =	vst v63  }
0x211: {  	s28 =	sadd.s32 $0x680, s15;
	s29 =	simm.s32 $0x7F00  }
0x212: {  	[spmem:s28] =	stream.linear.scatter [tilespmem:s29], [sflag:$0x1], $0x80, $0x38;
	[tilespmem:$0x172B0] =	vst v63  }
0x213: {  	s30 =	sadd.s32 $0x700, s15;
	s31 =	simm.s32 $0x8100  }
0x214: {  	[spmem:s30] =	stream.linear.scatter [tilespmem:s31], [sflag:$0x1], $0x80, $0x38;
	[tilespmem:$0x172B0] =	vst v63  }
0x215: {  	s17 =	sadd.s32 $0x780, s15;
	s18 =	simm.s32 $0x8300  }
0x216: {  	[spmem:s17] =	stream.linear.scatter [tilespmem:s18], [sflag:$0x1], $0x80, $0x38;
	[tilespmem:$0x172B0] =	vst v63  }
0x217: {  	s19 =	sadd.s32 $0x800, s15;
	s20 =	simm.s32 $0x8500  }
0x218: {  	[spmem:s19] =	stream.linear.scatter [tilespmem:s20], [sflag:$0x1], $0x80, $0x38;
	[tilespmem:$0x172B0] =	vst v63  }
0x219: {  	s21 =	sadd.s32 $0x880, s15;
	s22 =	simm.s32 $0x8700  }
0x21a: {  	[spmem:s21] =	stream.linear.scatter [tilespmem:s22], [sflag:$0x1], $0x80, $0x38;
	[tilespmem:$0x172B0] =	vst v63  }
0x21b: {  	s23 =	sadd.s32 $0x900, s15;
	s24 =	simm.s32 $0x8900  }
0x21c: {  	[spmem:s23] =	stream.linear.scatter [tilespmem:s24], [sflag:$0x1], $0x80, $0x38;
	[tilespmem:$0x172B0] =	vst v63  }
0x21d: {  	s15 =	sadd.s32 $0x980, s15;
	s25 =	simm.s32 $0x8B00  }
0x21e: {  	[spmem:s15] =	stream.linear.scatter [tilespmem:s25], [sflag:$0x1], $0x80, $0x38;
	[tilespmem:$0x172B0] =	vst v63  }
0x21f: {  	s14 =	sadd.s32 s14, s9;
	s26 =	simm.s32 $0x8CD0  }
0x220: {  	[spmem:s14] =	stream.linear.scatter [tilespmem:s26], [sflag:$0x1], $0x28, $0x38;
	[tilespmem:$0x172B0] =	vst v63  }
0x221: {  	s28 =	sadd.s32 $0x7800, s12;
	s29 =	simm.s32 $0x5B80  }
0x222: {  	[spmem:s28] =	stream.linear.scatter [tilespmem:s29], [sflag:$0x1], $0x80, $0x38;
	[tilespmem:$0x172B0] =	vst v63  }
0x223: {  	s30 =	sadd.s32 $0x7880, s12;
	s31 =	simm.s32 $0x5D80  }
0x224: {  	[spmem:s30] =	stream.linear.scatter [tilespmem:s31], [sflag:$0x1], $0x80, $0x38;
	[tilespmem:$0x172B0] =	vst v63  }
0x225: {  	s16 =	simm.s32 $0x5F80;
	s15 =	sadd.s32 $0x7900, s12  }
0x226: {  	[spmem:s15] =	stream.linear.scatter [tilespmem:s16], [sflag:$0x1], $0x80, $0x38;
	[tilespmem:$0x172B0] =	vst v63  }
0x227: {  	s17 =	sadd.s32 $0x7980, s12;
	s18 =	simm.s32 $0x6180  }
0x228: {  	[spmem:s17] =	stream.linear.scatter [tilespmem:s18], [sflag:$0x1], $0x80, $0x38;
	[tilespmem:$0x172B0] =	vst v63  }
0x229: {  	s19 =	simm.s32 $0x6380;
	s12 =	sadd.s32 $0x7A00, s12  }
0x22a: {  	[spmem:s12] =	stream.linear.scatter [tilespmem:s19], [sflag:$0x1], $0x80, $0x38;
	[tilespmem:$0x172B0] =	vst v63  }
0x22b: {  	s12 =	sadd.s32 $0x780, s13  }
0x22c: {  	s13 =	sshll.u32 s12, $0x6  }
0x22d: {  	s20 =	simm.s32 $0x6580;
	s13 =	sadd.s32 s13, s4  }
0x22e: {  	[spmem:s13] =	stream.linear.scatter [tilespmem:s20], [sflag:$0x1], $0x80, $0x38;
	[tilespmem:$0x172B0] =	vst v63  }
0x22f: {  	s22 =	simm.s32 $0x6780;
	s21 =	sadd.s32 $0x80, s13  }
0x230: {  	[spmem:s21] =	stream.linear.scatter [tilespmem:s22], [sflag:$0x1], $0x80, $0x38;
	[tilespmem:$0x172B0] =	vst v63  }
0x231: {  	s24 =	simm.s32 $0x6980;
	s23 =	sadd.s32 $0x100, s13  }
0x232: {  	[spmem:s23] =	stream.linear.scatter [tilespmem:s24], [sflag:$0x1], $0x80, $0x38;
	[tilespmem:$0x172B0] =	vst v63  }
0x233: {  	s26 =	simm.s32 $0x6B80;
	s25 =	sadd.s32 $0x180, s13  }
0x234: {  	[spmem:s25] =	stream.linear.scatter [tilespmem:s26], [sflag:$0x1], $0x80, $0x38;
	[tilespmem:$0x172B0] =	vst v63  }
0x235: {  	s29 =	simm.s32 $0x6D80;
	s28 =	sadd.s32 $0x200, s13  }
0x236: {  	[spmem:s28] =	stream.linear.scatter [tilespmem:s29], [sflag:$0x1], $0x80, $0x38;
	[tilespmem:$0x172B0] =	vst v63  }
0x237: {  	s31 =	simm.s32 $0x6F80;
	s30 =	sadd.s32 $0x280, s13  }
0x238: {  	[spmem:s30] =	stream.linear.scatter [tilespmem:s31], [sflag:$0x1], $0x80, $0x38;
	[tilespmem:$0x172B0] =	vst v63  }
0x239: {  	s16 =	simm.s32 $0x7180;
	s15 =	sadd.s32 $0x300, s13  }
0x23a: {  	[spmem:s15] =	stream.linear.scatter [tilespmem:s16], [sflag:$0x1], $0x80, $0x38;
	[tilespmem:$0x172B0] =	vst v63  }
0x23b: {  	s18 =	simm.s32 $0x7380;
	s17 =	sadd.s32 $0x380, s13  }
0x23c: {  	[spmem:s17] =	stream.linear.scatter [tilespmem:s18], [sflag:$0x1], $0x80, $0x38;
	[tilespmem:$0x172B0] =	vst v63  }
0x23d: {  	s19 =	sadd.s32 $0x400, s13;
	s20 =	simm.s32 $0x7580  }
0x23e: {  	[spmem:s19] =	stream.linear.scatter [tilespmem:s20], [sflag:$0x1], $0x80, $0x38;
	[tilespmem:$0x172B0] =	vst v63  }
0x23f: {  	s21 =	sadd.s32 $0x480, s13;
	s22 =	simm.s32 $0x7780  }
0x240: {  	[spmem:s21] =	stream.linear.scatter [tilespmem:s22], [sflag:$0x1], $0x80, $0x38;
	[tilespmem:$0x172B0] =	vst v63  }
0x241: {  	s23 =	sadd.s32 $0x500, s13;
	s24 =	simm.s32 $0x7980  }
0x242: {  	[spmem:s23] =	stream.linear.scatter [tilespmem:s24], [sflag:$0x1], $0x80, $0x38;
	[tilespmem:$0x172B0] =	vst v63  }
0x243: {  	s25 =	sadd.s32 $0x580, s13;
	s26 =	simm.s32 $0x7B80  }
0x244: {  	[spmem:s25] =	stream.linear.scatter [tilespmem:s26], [sflag:$0x1], $0x80, $0x38;
	[tilespmem:$0x172B0] =	vst v63  }
0x245: {  	s28 =	sadd.s32 $0x600, s13;
	s29 =	simm.s32 $0x7D80  }
0x246: {  	[spmem:s28] =	stream.linear.scatter [tilespmem:s29], [sflag:$0x1], $0x80, $0x38;
	[tilespmem:$0x172B0] =	vst v63  }
0x247: {  	s30 =	sadd.s32 $0x680, s13;
	s31 =	simm.s32 $0x7F80  }
0x248: {  	[spmem:s30] =	stream.linear.scatter [tilespmem:s31], [sflag:$0x1], $0x80, $0x38;
	[tilespmem:$0x172B0] =	vst v63  }
0x249: {  	s15 =	sadd.s32 $0x700, s13;
	s16 =	simm.s32 $0x8180  }
0x24a: {  	[spmem:s15] =	stream.linear.scatter [tilespmem:s16], [sflag:$0x1], $0x80, $0x38;
	[tilespmem:$0x172B0] =	vst v63  }
0x24b: {  	s17 =	sadd.s32 $0x780, s13;
	s18 =	simm.s32 $0x8380  }
0x24c: {  	[spmem:s17] =	stream.linear.scatter [tilespmem:s18], [sflag:$0x1], $0x80, $0x38;
	[tilespmem:$0x172B0] =	vst v63  }
0x24d: {  	s19 =	sadd.s32 $0x800, s13;
	s20 =	simm.s32 $0x8580  }
0x24e: {  	[spmem:s19] =	stream.linear.scatter [tilespmem:s20], [sflag:$0x1], $0x80, $0x38;
	[tilespmem:$0x172B0] =	vst v63  }
0x24f: {  	s21 =	sadd.s32 $0x880, s13;
	s22 =	simm.s32 $0x8780  }
0x250: {  	[spmem:s21] =	stream.linear.scatter [tilespmem:s22], [sflag:$0x1], $0x80, $0x38;
	[tilespmem:$0x172B0] =	vst v63  }
0x251: {  	s23 =	sadd.s32 $0x900, s13;
	s24 =	simm.s32 $0x8980  }
0x252: {  	[spmem:s23] =	stream.linear.scatter [tilespmem:s24], [sflag:$0x1], $0x80, $0x38;
	[tilespmem:$0x172B0] =	vst v63  }
0x253: {  	s13 =	sadd.s32 $0x980, s13;
	s25 =	simm.s32 $0x8B80  }
0x254: {  	[spmem:s13] =	stream.linear.scatter [tilespmem:s25], [sflag:$0x1], $0x80, $0x38;
	[tilespmem:$0x172B0] =	vst v63  }
0x255: {  	s12 =	sadd.s32 s12, s9;
	s26 =	sshll.u32 s11, $0x4;
	s28 =	simm.s32 $0x8CF8  }
0x256: {  	[spmem:s12] =	stream.linear.scatter [tilespmem:s28], [sflag:$0x1], $0x28, $0x38;
	[tilespmem:$0x172B0] =	vst v63  }
0x257: {  	s29 =	sadd.s32 s26, s8;
	s30 =	simm.s32 $0x8C00;
	s31 =	simm.s32 $0x1  }
0x258: {  	[spmem:s29] =	stream.linear.scatter [tilespmem:s30], [sflag:$0x1], $0x10, $0x38;
	[tilespmem:$0x172B0] =	vst v63  }
0x259: {  	_ =	swait.ge [sflag:s31], $0x280  }
0x25a: {  	[sflag:s31] =	ssyncset.done $0x0  }
0x25b: {  	[sflag:s31] =	ssyncadd.s32 $0xFFFFFD80  }
0x25c: {  	_ =	swait.ge [sflag:s31], $0xA00  }
0x25d: {  	[sflag:s31] =	ssyncset.done $0x0  }
0x25e: {  	[sflag:s31] =	ssyncadd.s32 $0xFFFFF600  }
0x25f: {  	_ =	swait.ge [sflag:s31], $0x28  }
0x260: {  	[sflag:s31] =	ssyncset.done $0x0  }
0x261: {  	[sflag:s31] =	ssyncadd.s32 $0xFFFFFFD8  }
0x262: {  	_ =	swait.ge [sflag:s31], $0x280  }
0x263: {  	[sflag:s31] =	ssyncset.done $0x0  }
0x264: {  	[sflag:s31] =	ssyncadd.s32 $0xFFFFFD80  }
0x265: {  	_ =	swait.ge [sflag:s31], $0xA00  }
0x266: {  	[sflag:s31] =	ssyncset.done $0x0  }
0x267: {  	[sflag:s31] =	ssyncadd.s32 $0xFFFFF600  }
0x268: {  	_ =	swait.ge [sflag:s31], $0x28  }
0x269: {  	[sflag:s31] =	ssyncset.done $0x0  }
0x26a: {  	[sflag:s31] =	ssyncadd.s32 $0xFFFFFFD8  }
0x26b: {  	_ =	swait.ge [sflag:s31], $0x280  }
0x26c: {  	[sflag:s31] =	ssyncset.done $0x0  }
0x26d: {  	[sflag:s31] =	ssyncadd.s32 $0xFFFFFD80  }
0x26e: {  	_ =	swait.ge [sflag:s31], $0xA00  }
0x26f: {  	[sflag:s31] =	ssyncset.done $0x0  }
0x270: {  	[sflag:s31] =	ssyncadd.s32 $0xFFFFF600  }
0x271: {  	_ =	swait.ge [sflag:s31], $0x28  }
0x272: {  	[sflag:s31] =	ssyncset.done $0x0  }
0x273: {  	[sflag:s31] =	ssyncadd.s32 $0xFFFFFFD8  }
0x274: {  	_ =	swait.ge [sflag:s31], $0x280  }
0x275: {  	[sflag:s31] =	ssyncset.done $0x0  }
0x276: {  	[sflag:s31] =	ssyncadd.s32 $0xFFFFFD80  }
0x277: {  	_ =	swait.ge [sflag:s31], $0xA00  }
0x278: {  	[sflag:s31] =	ssyncset.done $0x0  }
0x279: {  	[sflag:s31] =	ssyncadd.s32 $0xFFFFF600  }
0x27a: {  	_ =	swait.ge [sflag:s31], $0x28  }
0x27b: {  	[sflag:s31] =	ssyncset.done $0x0  }
0x27c: {  	[sflag:s31] =	ssyncadd.s32 $0xFFFFFFD8  }
0x27d: {  	_ =	swait.ge [sflag:s31], $0x10  }
0x27e: {  	[sflag:s31] =	ssyncset.done $0x0  }
0x27f: {  	[sflag:s31] =	ssyncadd.s32 $0xFFFFFFF0  }
0x280: {  	p0 =	sne.s32 s11, $0x0;
	[bflag:$0x0] =	sbarrier.arrive $0xFFFF  }
0x281: {  	_ =	sfence.sel @p0 $0x180000  }
0x282: {  	[bflag:$0x0] =	sbarrier.arrive @p0 $0xFFFF  }
0x283: {  	_ =	strace @p0 $0x90000047  }
0x284: {  	[bflag:$0x2] =	sbarrier.arrive @p0 $0xFFFF  }
0x285: {  	_ =	shalt @p0  }
.LBB2_3:
0x286: {  	s11 =	simm.s32 $0xC030;
	s28 =	simm.s32 $0x2  }
0x287: {  	[tilespmem:s11], [sflag:$0x2] =	stream.linear.gather [spmem:s10], $0xA000, $0x38;
	[tilespmem:$0x172B0] =	vst v63  }
0x288: {  	_ =	swait.ge [sflag:s28], $0xA000  }
0x289: {  	[sflag:s28] =	ssyncset.done $0x0  }
0x28a: {  	s10 =	simm.s32 $0x16030;
	[sflag:s28] =	ssyncadd.s32 $0xFFFF6000  }
0x28b: {  	[tilespmem:s10], [sflag:$0x2] =	stream.linear.gather [spmem:s9], $0xA00, $0x38;
	[tilespmem:$0x172B0] =	vst v63  }
0x28c: {  	_ =	swait.ge [sflag:s28], $0xA00  }
0x28d: {  	[sflag:s28] =	ssyncset.done $0x0  }
0x28e: {  	s29 =	simm.s32 $0x16BB0;
	[sflag:s28] =	ssyncadd.s32 $0xFFFFF600  }
0x28f: {  	[tilespmem:s29], [sflag:$0x2] =	stream.linear.gather [spmem:s8], $0x100, $0x38;
	[tilespmem:$0x172B0] =	vst v63  }
0x290: {  	_ =	swait.ge [sflag:s28], $0x100  }
0x291: {  	[sflag:s28] =	ssyncset.done $0x0  }
0x292: {  	v10 =	vimm.f32 $0.0e+00;
	[sflag:s28] =	ssyncadd.s32 $0xFFFFFF00  }
0x293: {  	[tilespmem:$0x16FB0] =	vst v10  }
0x294: {  	[tilespmem:$0x17030] =	vst v10  }
0x295: {  	[tilespmem:$0x170B0] =	vst v10  }
0x296: {  	[tilespmem:$0x17130] =	vst v10  }
0x297: {  	v15 =	vimm.s32 $0x0;
	[tilespmem:$0x171B0] =	vst v10  }
0x298: {  	[tilespmem:$0x17230] =	vst v15  }
0x299: {  	[tilespmem:$0x16FC0] =	vst v10  }
0x29a: {  	[tilespmem:$0x17040] =	vst v10  }
0x29b: {  	[tilespmem:$0x170C0] =	vst v10  }
0x29c: {  	[tilespmem:$0x17140] =	vst v10  }
0x29d: {  	[tilespmem:$0x171C0] =	vst v10  }
0x29e: {  	[tilespmem:$0x17240] =	vst v15  }
0x29f: {  	[tilespmem:$0x16FD0] =	vst v10  }
0x2a0: {  	[tilespmem:$0x17050] =	vst v10  }
0x2a1: {  	[tilespmem:$0x170D0] =	vst v10  }
0x2a2: {  	[tilespmem:$0x17150] =	vst v10  }
0x2a3: {  	[tilespmem:$0x171D0] =	vst v10  }
0x2a4: {  	[tilespmem:$0x17250] =	vst v15  }
0x2a5: {  	[tilespmem:$0x16FE0] =	vst v10  }
0x2a6: {  	[tilespmem:$0x17060] =	vst v10  }
0x2a7: {  	[tilespmem:$0x170E0] =	vst v10  }
0x2a8: {  	[tilespmem:$0x17160] =	vst v10  }
0x2a9: {  	[tilespmem:$0x171E0] =	vst v10  }
0x2aa: {  	[tilespmem:$0x17260] =	vst v15  }
0x2ab: {  	[tilespmem:$0x16FF0] =	vst v10  }
0x2ac: {  	[tilespmem:$0x17070] =	vst v10  }
0x2ad: {  	[tilespmem:$0x170F0] =	vst v10  }
0x2ae: {  	[tilespmem:$0x17170] =	vst v10  }
0x2af: {  	[tilespmem:$0x171F0] =	vst v10  }
0x2b0: {  	[tilespmem:$0x17270] =	vst v15  }
0x2b1: {  	[tilespmem:$0x17000] =	vst v10  }
0x2b2: {  	[tilespmem:$0x17080] =	vst v10  }
0x2b3: {  	[tilespmem:$0x17100] =	vst v10  }
0x2b4: {  	[tilespmem:$0x17180] =	vst v10  }
0x2b5: {  	[tilespmem:$0x17200] =	vst v10  }
0x2b6: {  	[tilespmem:$0x17280] =	vst v15  }
0x2b7: {  	[tilespmem:$0x17010] =	vst v10  }
0x2b8: {  	[tilespmem:$0x17090] =	vst v10  }
0x2b9: {  	v0 =	vld [tilespmem:$0x16BB0];
	[tilespmem:$0x17110] =	vst v10  }
0x2ba: {  	v4 =	vlaneseq.u32;
	v3 =	vld [tilespmem:$0x16BC0];
	[tilespmem:$0x17190] =	vst v10  }
0x2bb: {  	v11 =	vmul.u32 $0x10, v4;
	v5 =	vand.u32 $0x7, v4;
	v1 =	vld [tilespmem:$0x16BD0];
	[tilespmem:$0x17210] =	vst v10  }
0x2bc: {  	v7 =	vmul.u32 $0x10, v5;
	v2 =	vld [tilespmem:$0x16BE0];
	[tilespmem:$0x17290] =	vst v15  }
0x2bd: {  	s30 =	simm.s32 $0x0;
	v12 =	vor.u32 $0x1, v11;
	v4 =	vld [tilespmem:$0x16BF0];
	[tilespmem:$0x17020] =	vst v10  }
0x2be: {  	v8 =	vor.u32 s30, v11;
	v13 =	vor.u32 $0xFFFFFF80, v7;
	v16 =	vor.u32 s30, v12;
	v5 =	vld [tilespmem:$0x16C00];
	[tilespmem:$0x170A0] =	vst v10  }
0x2bf: {  	v14 =	vor.u32 $0x2, v11;
	v18 =	vand.u32 v13, v8;
	v6 =	vld [tilespmem:$0x16C10];
	[tilespmem:$0x17120] =	vst v10  }
0x2c0: {  	v17 =	vor.u32 $0x3, v11;
	v19 =	vor.u32 s30, v14;
	v7 =	vld [tilespmem:$0x16C20];
	[tilespmem:$0x171A0] =	vst v10  }
0x2c1: {  	v20 =	vor.u32 $0x4, v11;
	v21 =	vor.u32 s30, v17;
	v8 =	vld [tilespmem:$0x16C30];
	[tilespmem:$0x17220] =	vst v10  }
0x2c2: {  	v22 =	vor.u32 $0x5, v11;
	v9 =	vld [tilespmem:$0x16C40];
	[tilespmem:$0x172A0] =	vst v15;
	v15 =	vor.u32 s30, v20  }
0x2c3: {  	v23 =	vor.u32 $0x6, v11;
	v29 =	vor.u32 s30, v22;
	v16 =	vld.idx.msk [tilespmem:v16+s10+$0x0], $0xffff  }
0x2c4: {  	v24 =	vor.u32 $0x7, v11;
	v30 =	vor.u32 s30, v23;
	v18 =	vld.idx.msk [tilespmem:v18+s10+$0x0], $0xffff  }
0x2c5: {  	v25 =	vor.u32 $0x8, v11;
	v31 =	vor.u32 s30, v24;
	v19 =	vld.idx.msk [tilespmem:v19+s10+$0x0], $0xffff  }
0x2c6: {  	v26 =	vor.u32 $0x9, v11;
	v32 =	vor.u32 s30, v25;
	v21 =	vld.idx.msk [tilespmem:v21+s10+$0x0], $0xffff  }
0x2c7: {  	v27 =	vor.u32 $0xA, v11;
	v33 =	vor.u32 s30, v26;
	v15 =	vld.idx.msk [tilespmem:v15+s10+$0x0], $0xffff  }
0x2c8: {  	v28 =	vor.u32 $0xB, v11;
	v35 =	vor.u32 s30, v27;
	v34 =	vld.idx.msk [tilespmem:v29+s10+$0x0], $0xffff  }
0x2c9: {  	v37 =	vor.u32 s30, v28;
	v29 =	vor.u32 $0xC, v11;
	v36 =	vld.idx.msk [tilespmem:v30+s10+$0x0], $0xffff;
	v16 =	vmax.f32 v18, v16  }
0x2ca: {  	v30 =	vor.u32 $0xD, v11;
	v38 =	vor.u32 s30, v29;
	v18 =	vld.idx.msk [tilespmem:v31+s10+$0x0], $0xffff;
	v16 =	vmax.f32 v16, v19  }
0x2cb: {  	v39 =	vor.u32 s30, v30;
	v31 =	vor.u32 $0xE, v11;
	v19 =	vld.idx.msk [tilespmem:v32+s10+$0x0], $0xffff;
	v16 =	vmax.f32 v16, v21  }
0x2cc: {  	v32 =	vor.u32 $0xF, v11;
	v41 =	vor.u32 s30, v31;
	v21 =	vld.idx.msk [tilespmem:v33+s10+$0x0], $0xffff;
	v15 =	vmax.f32 v16, v15  }
0x2cd: {  	v42 =	vor.u32 s30, v32;
	v16 =	vld.idx.msk [tilespmem:v35+s10+$0x0], $0xffff;
	v15 =	vmax.f32 v15, v34  }
0x2ce: {  	v43 =	vld.idx.msk [tilespmem:v37+s10+$0x0], $0xffff;
	v15 =	vmax.f32 v15, v36  }
0x2cf: {  	v44 =	vld.idx.msk [tilespmem:v38+s10+$0x0], $0xffff;
	v15 =	vmax.f32 v15, v18  }
0x2d0: {  	v45 =	vld.idx.msk [tilespmem:v39+s10+$0x0], $0xffff;
	v15 =	vmax.f32 v15, v19  }
0x2d1: {  	v33 =	vld.idx.msk [tilespmem:v41+s10+$0x0], $0xffff;
	v15 =	vmax.f32 v15, v21  }
0x2d2: {  	s31 =	simm.s32 $0x100;
	v35 =	vld.idx.msk [tilespmem:v42+s10+$0x0], $0xffff;
	v16 =	vmax.f32 v15, v16  }
0x2d3: {  	v10 =	vld [tilespmem:$0x16C50];
	v19 =	vor.u32 s31, v11;
	v18 =	vmax.f32 v16, v43  }
0x2d4: {  	v46 =	vor.u32 s31, v12;
	v47 =	vand.u32 v13, v19;
	v19 =	vld [tilespmem:$0x16C90];
	v21 =	vmax.f32 v18, v44  }
0x2d5: {  	v15 =	vld [tilespmem:$0x16C60];
	v21 =	vmax.f32 v21, v45  }
0x2d6: {  	v48 =	vor.u32 s31, v14;
	v16 =	vld [tilespmem:$0x16C70];
	v33 =	vmax.f32 v21, v33  }
0x2d7: {  	v49 =	vor.u32 s31, v17;
	s8 =	simm.s32 $0x16A30;
	v18 =	vld [tilespmem:$0x16C80];
	v33 =	vmax.f32 v33, v35  }
0x2d8: {  	v50 =	vor.u32 s31, v20;
	v21 =	vld [tilespmem:$0x16CA0];
	[tilespmem:s8+$0x0] =	vst v33  }
0x2d9: {  	v51 =	vor.u32 s31, v22;
	v33 =	vld.idx.msk [tilespmem:v46+s10+$0x0], $0xffff  }
0x2da: {  	v52 =	vor.u32 s31, v23;
	v36 =	vld.idx.msk [tilespmem:v47+s10+$0x0], $0xffff  }
0x2db: {  	v40 =	vor.u32 s31, v24;
	v37 =	vld.idx.msk [tilespmem:v48+s10+$0x0], $0xffff  }
0x2dc: {  	v41 =	vor.u32 s31, v25;
	v38 =	vld.idx.msk [tilespmem:v49+s10+$0x0], $0xffff  }
0x2dd: {  	v42 =	vor.u32 s31, v26;
	v35 =	vld.idx.msk [tilespmem:v50+s10+$0x0], $0xffff  }
0x2de: {  	v43 =	vor.u32 s31, v27;
	v34 =	vld.idx.msk [tilespmem:v51+s10+$0x0], $0xffff  }
0x2df: {  	v44 =	vor.u32 s31, v28;
	v39 =	vld.idx.msk [tilespmem:v52+s10+$0x0], $0xffff;
	v33 =	vmax.f32 v36, v33  }
0x2e0: {  	v53 =	vld.idx.msk [tilespmem:v40+s10+$0x0], $0xffff;
	v33 =	vmax.f32 v33, v37  }
0x2e1: {  	v54 =	vor.u32 s31, v29;
	v55 =	vld.idx.msk [tilespmem:v41+s10+$0x0], $0xffff;
	v33 =	vmax.f32 v33, v38  }
0x2e2: {  	v57 =	vor.u32 s31, v30;
	v56 =	vld.idx.msk [tilespmem:v42+s10+$0x0], $0xffff;
	v33 =	vmax.f32 v33, v35  }
0x2e3: {  	v59 =	vor.u32 s31, v31;
	v58 =	vld.idx.msk [tilespmem:v43+s10+$0x0], $0xffff;
	v33 =	vmax.f32 v33, v34  }
0x2e4: {  	v61 =	vor.u32 s31, v32;
	v60 =	vld.idx.msk [tilespmem:v44+s10+$0x0], $0xffff;
	v33 =	vmax.f32 v33, v39  }
0x2e5: {  	v33 =	vmax.f32 v33, v53  }
0x2e6: {  	v40 =	vld.idx.msk [tilespmem:v54+s10+$0x0], $0xffff;
	v33 =	vmax.f32 v33, v55  }
0x2e7: {  	v62 =	vmax.f32 v33, v56;
	v33 =	vld.idx.msk [tilespmem:v57+s10+$0x0], $0xffff  }
0x2e8: {  	v35 =	vld.idx.msk [tilespmem:v59+s10+$0x0], $0xffff;
	v36 =	vmax.f32 v62, v58  }
0x2e9: {  	v63 =	vmax.f32 v36, v60;
	v36 =	vld.idx.msk [tilespmem:v61+s10+$0x0], $0xffff  }
0x2ea: {  	s9 =	simm.s32 $0x200  }
0x2eb: {  	s11 =	simm.s32 $0x300;
	v37 =	vor.u32 s9, v11;
	v34 =	vor.u32 s9, v12;
	v38 =	vmax.f32 v63, v40  }
.LBB2_4:
0x2ec: {  	p0 =	sne.s32 s11, $0x900;
	v37 =	vand.u32 v13, v37;
	v33 =	vmax.f32 v38, v33  }
0x2ed: {  	v38 =	vor.u32 s9, v14;
	v33 =	vmax.f32 v33, v35  }
0x2ee: {  	s8 =	sadd.s32 $0x10, s8;
	v35 =	vor.u32 s9, v17;
	v33 =	vmax.f32 v33, v36  }
0x2ef: {  	v36 =	vor.u32 s9, v20;
	[tilespmem:s8+$0x0] =	vst v33  }
0x2f0: {  	v33 =	vld.idx.msk [tilespmem:v34+s10+$0x0], $0xffff;
	v34 =	vor.u32 s9, v22  }
0x2f1: {  	v39 =	vor.u32 s9, v23;
	v37 =	vld.idx.msk [tilespmem:v37+s10+$0x0], $0xffff  }
0x2f2: {  	v40 =	vor.u32 s9, v24;
	v38 =	vld.idx.msk [tilespmem:v38+s10+$0x0], $0xffff  }
0x2f3: {  	v41 =	vor.u32 s9, v25;
	v35 =	vld.idx.msk [tilespmem:v35+s10+$0x0], $0xffff  }
0x2f4: {  	v42 =	vor.u32 s9, v26;
	v36 =	vld.idx.msk [tilespmem:v36+s10+$0x0], $0xffff  }
0x2f5: {  	v43 =	vor.u32 s9, v27;
	v34 =	vld.idx.msk [tilespmem:v34+s10+$0x0], $0xffff  }
0x2f6: {  	v44 =	vor.u32 s9, v28;
	v39 =	vld.idx.msk [tilespmem:v39+s10+$0x0], $0xffff  }
0x2f7: {  	v33 =	vmax.f32 v37, v33;
	v37 =	vld.idx.msk [tilespmem:v40+s10+$0x0], $0xffff;
	v40 =	vor.u32 s9, v29  }
0x2f8: {  	v33 =	vmax.f32 v33, v38;
	v38 =	vld.idx.msk [tilespmem:v41+s10+$0x0], $0xffff;
	v41 =	vor.u32 s9, v30  }
0x2f9: {  	v33 =	vmax.f32 v33, v35;
	v35 =	vor.u32 s9, v31;
	v42 =	vld.idx.msk [tilespmem:v42+s10+$0x0], $0xffff  }
0x2fa: {  	v33 =	vmax.f32 v33, v36;
	v36 =	vor.u32 s9, v32;
	s9 =	smov.u32 s11;
	v43 =	vld.idx.msk [tilespmem:v43+s10+$0x0], $0xffff  }
0x2fb: {  	v33 =	vmax.f32 v33, v34;
	v34 =	vld.idx.msk [tilespmem:v44+s10+$0x0], $0xffff  }
0x2fc: {  	v33 =	vmax.f32 v33, v39;
	v39 =	vld.idx.msk [tilespmem:v40+s10+$0x0], $0xffff  }
0x2fd: {  	v37 =	vmax.f32 v33, v37;
	v33 =	vld.idx.msk [tilespmem:v41+s10+$0x0], $0xffff  }
.Ltmp1:
0x2fe: {  	v37 =	vmax.f32 v37, v38;
	v35 =	vld.idx.msk [tilespmem:v35+s10+$0x0], $0xffff;
	(pc) =	sbr.rel @p0 .LBB2_4-.Ltmp1, $4  }
0x2ff: {  	v37 =	vmax.f32 v37, v42;
	v36 =	vld.idx.msk [tilespmem:v36+s10+$0x0], $0xffff  }
0x300: {  	v37 =	vmax.f32 v37, v43  }
0x301: {  	v38 =	vmax.f32 v37, v34  }
0x302: {  	s11 =	sadd.s32 $0x100, s11;
	v37 =	vor.u32 s9, v11;
	v34 =	vor.u32 s9, v12;
	v38 =	vmax.f32 v38, v39  }
0x303: {  	v11 =	vand.u32 v13, v37;
	v12 =	vmax.f32 v38, v33  }
0x304: {  	v54 =	vor.u32 s9, v14;
	v12 =	vmax.f32 v12, v35  }
0x305: {  	v55 =	vor.u32 s9, v17;
	s8 =	sadd.s32 $0x10, s8;
	v12 =	vmax.f32 v12, v36  }
0x306: {  	v56 =	vor.u32 s9, v20;
	[tilespmem:s8+$0x0] =	vst v12  }
0x307: {  	v57 =	vor.u32 s9, v22;
	v12 =	vld.idx.msk [tilespmem:v34+s10+$0x0], $0xffff  }
0x308: {  	v58 =	vor.u32 s9, v23;
	v11 =	vld.idx.msk [tilespmem:v11+s10+$0x0], $0xffff  }
0x309: {  	v59 =	vor.u32 s9, v24;
	v13 =	vld.idx.msk [tilespmem:v54+s10+$0x0], $0xffff  }
0x30a: {  	v60 =	vor.u32 s9, v25;
	v14 =	vld.idx.msk [tilespmem:v55+s10+$0x0], $0xffff  }
0x30b: {  	v61 =	vor.u32 s9, v26;
	v17 =	vld.idx.msk [tilespmem:v56+s10+$0x0], $0xffff  }
0x30c: {  	v62 =	vor.u32 s9, v27;
	v20 =	vld.idx.msk [tilespmem:v57+s10+$0x0], $0xffff  }
0x30d: {  	v63 =	vor.u32 s9, v28;
	v22 =	vld.idx.msk [tilespmem:v58+s10+$0x0], $0xffff;
	v11 =	vmax.f32 v11, v12  }
0x30e: {  	v34 =	vor.u32 s9, v29;
	v33 =	vld.idx.msk [tilespmem:v59+s10+$0x0], $0xffff;
	v11 =	vmax.f32 v11, v13  }
0x30f: {  	v36 =	vor.u32 s9, v30;
	v35 =	vld.idx.msk [tilespmem:v60+s10+$0x0], $0xffff;
	v11 =	vmax.f32 v11, v14  }
0x310: {  	v38 =	vor.u32 s9, v31;
	v37 =	vld.idx.msk [tilespmem:v61+s10+$0x0], $0xffff;
	v11 =	vmax.f32 v11, v17  }
0x311: {  	v40 =	vor.u32 s9, v32;
	v0 =	vmax.f32 v0, v3;
	v39 =	vld.idx.msk [tilespmem:v62+s10+$0x0], $0xffff;
	v11 =	vmax.f32 v11, v20  }
0x312: {  	v0 =	vmax.f32 v0, v1;
	v3 =	vld.idx.msk [tilespmem:v63+s10+$0x0], $0xffff;
	v11 =	vmax.f32 v11, v22  }
0x313: {  	v0 =	vmax.f32 v0, v2;
	v1 =	vld.idx.msk [tilespmem:v34+s10+$0x0], $0xffff;
	v11 =	vmax.f32 v11, v33  }
0x314: {  	v0 =	vmax.f32 v0, v4;
	v2 =	vld.idx.msk [tilespmem:v36+s10+$0x0], $0xffff;
	v11 =	vmax.f32 v11, v35  }
0x315: {  	v0 =	vmax.f32 v0, v5;
	v41 =	vld.idx.msk [tilespmem:v38+s10+$0x0], $0xffff;
	v11 =	vmax.f32 v11, v37  }
0x316: {  	v42 =	vld.idx.msk [tilespmem:v40+s10+$0x0], $0xffff;
	v0 =	vmax.f32 v0, v6;
	v11 =	vmax.f32 v11, v39  }
0x317: {  	v0 =	vmax.f32 v0, v7;
	v3 =	vmax.f32 v11, v3  }
0x318: {  	v0 =	vmax.f32 v0, v8;
	v1 =	vmax.f32 v3, v1  }
0x319: {  	v0 =	vmax.f32 v0, v9;
	v1 =	vmax.f32 v1, v2  }
0x31a: {  	v0 =	vmax.f32 v0, v10;
	v1 =	vmax.f32 v1, v41  }
0x31b: {  	s8 =	sadd.s32 $0x10, s8;
	v0 =	vmax.f32 v0, v15;
	v1 =	vmax.f32 v1, v42  }
0x31c: {  	v0 =	vmax.f32 v0, v16;
	v2 =	vlaneseq.u32;
	[tilespmem:s8+$0x0] =	vst v1;
	v1 =	vimm.f32 $-2.000000000e+00  }
0x31d: {  	v0 =	vmax.f32 v0, v18;
	v3 =	vmul.u32 $0x10, v2;
	[tilespmem:$0x16AD0] =	vst v1  }
0x31e: {  	v0 =	vmax.f32 v0, v19;
	[tilespmem:$0x16AE0] =	vst v1  }
0x31f: {  	v0 =	vmax.f32 v0, v21;
	v43 =	vor.u32 $0x1, v3;
	[tilespmem:$0x16AF0] =	vst v1  }
0x320: {  	(xrf0) =	vmax.scan.msk.f32 $0xffff, v0;
	v0 =	vor.u32 $0x2, v3;
	[tilespmem:$0x16B00] =	vst v1  }
0x321: {  	v44 =	vor.u32 $0x3, v3;
	[tilespmem:$0x16B10] =	vst v1  }
0x322: {  	s30 =	simm.s32 $0x16A30;
	[tilespmem:$0x16B20] =	vst v1;
	v1 =	vor.u32 $0x4, v3  }
0x323: {  	v46 =	vor.u32 $0x5, v3;
	v45 =	vld.idx.msk [tilespmem:v3+s30+$0x0], $0xffff  }
0x324: {  	v47 =	vor.u32 $0x6, v3;
	v4 =	vld.idx.msk [tilespmem:v43+s30+$0x0], $0xffff  }
0x325: {  	v48 =	vor.u32 $0x7, v3;
	v0 =	vld.idx.msk [tilespmem:v0+s30+$0x0], $0xffff  }
0x326: {  	v50 =	vor.u32 $0x8, v3;
	v5 =	vld.idx.msk [tilespmem:v44+s30+$0x0], $0xffff  }
0x327: {  	v49, _, _ =	vpop (xrf0);
	v51 =	vor.u32 $0x9, v3;
	v1 =	vld.idx.msk [tilespmem:v1+s30+$0x0], $0xffff  }
0x328: {  	(v2sf) =	vpush v49, $0xF;
	v52 =	vor.u32 $0xA, v3;
	v7 =	vld.idx.msk [tilespmem:v46+s30+$0x0], $0xffff  }
0x329: {  	v54 =	vor.u32 $0xB, v3;
	v53 =	vld.idx.msk [tilespmem:v47+s30+$0x0], $0xffff;
	v4 =	vmax.f32 v45, v4  }
0x32a: {  	v56 =	vor.u32 $0xC, v3;
	v55 =	vld.idx.msk [tilespmem:v48+s30+$0x0], $0xffff;
	v0 =	vmax.f32 v4, v0  }
0x32b: {  	v58 =	vor.u32 $0xD, v3;
	v57 =	vld.idx.msk [tilespmem:v50+s30+$0x0], $0xffff;
	v0 =	vmax.f32 v0, v5  }
0x32c: {  	v59 =	vor.u32 $0xE, v3;
	v0 =	vmax.f32 v0, v1;
	v1 =	vld.idx.msk [tilespmem:v51+s30+$0x0], $0xffff  }
0x32d: {  	v3 =	vor.u32 $0xF, v3;
	v60 =	vld.idx.msk [tilespmem:v52+s30+$0x0], $0xffff;
	v0 =	vmax.f32 v0, v7  }
0x32e: {  	v61 =	vld.idx.msk [tilespmem:v54+s30+$0x0], $0xffff;
	v0 =	vmax.f32 v0, v53  }
0x32f: {  	v62 =	vld.idx.msk [tilespmem:v56+s30+$0x0], $0xffff;
	v0 =	vmax.f32 v0, v55  }
0x330: {  	v63 =	vld.idx.msk [tilespmem:v58+s30+$0x0], $0xffff;
	v0 =	vmax.f32 v0, v57  }
0x331: {  	v0 =	vmax.f32 v0, v1;
	v1 =	vld.idx.msk [tilespmem:v59+s30+$0x0], $0xffff  }
0x332: {  	v3 =	vld.idx.msk [tilespmem:v3+s30+$0x0], $0xffff;
	v0 =	vmax.f32 v0, v60  }
0x333: {  	v0 =	vmax.f32 v0, v61  }
.Ltmp2:
0x334: {  	v0 =	vmax.f32 v0, v62;
	(pc) =	sbr.rel .LBB2_6-.Ltmp2, $4  }
0x335: {  	v0 =	vmax.f32 v0, v63  }
0x336: {  	v0 =	vmax.f32 v0, v1  }
0x337: {  	s11 =	simm.s32 $0x1;
	s31 =	spop (v2sf);
	v0 =	vmax.f32 v0, v3  }
0x338: {  	s9 =	simm.s32 $0x0;
	s10 =	simm.s32 $0x16CB0;
	s8 =	sadd.f32 $1.000000000e+00, s31;
	v1 =	vimm.s32 $0x0;
	[tilespmem:$0x16B30] =	vst v0;
	v0 =	vmul.u32 $0xFFFFFFFF, v2  }
.LBB2_8:
0x339: {  	s16 =	simm.s32 $0x16F30;
	v23 =	vimm.s32 $0x0;
	v26 =	vmov v16;
	s17 =	simm.s32 $0x0  }
.LBB2_18:
0x33a: {  	s16 =	sadd.s32 @p1 $0x10, s16  }
0x33b: {  	v25 =	vmax.f32 @p1 v25, $0.0e+00;
	v15 =	vadd.f32 @p1 v15, v11;
	s15 =	smov.u32 @p1 s16  }
0x33c: {  	v14 =	vmax.f32 v14, v10;
	v18 =	vmin.f32 v18, v8;
	v25 =	vmul.f32 @p1 v25, v28;
	v57 =	vld [tilespmem:s15+$0x0]  }
0x33d: {  	v26 =	vmax.f32 v26, v9;
	v17 =	vmin.f32 v17, v7;
	v14 =	vsub.f32 v18, v14  }
0x33e: {  	v17 =	vsub.f32 v17, v26;
	v15 =	vsub.f32 @p1 v15, v25  }
0x33f: {  	(erf) = vrcp.f32 @p2 v24  }
0x340: {  	v14 =	vmax.f32 v14, $0.0e+00;
	v17 =	vmax.f32 v17, $0.0e+00;
	v15 =	vadd.f32 @p1 $9.999999710e-10, v15  }
0x341: {  	v14 =	vmul.f32 v17, v14;
	v58 =	vadd.f32 v57, v11  }
0x342: {  	v15 =	vpsel p1, v15, v22  }
0x343: {  	v17 =	vsub.f32 v58, v14  }
0x344: {  	(erf) = vrcp.f32 @p1 v15  }
0x345: {  	v18 =	vsel @p4 vm1, $0x1, v1;
	v15 =	vpop @p3 (erf);
	v17 =	vadd.f32 $9.999999710e-10, v17  }
0x346: {  	v15 =	vmul.f32 @p3 v15, v27  }
0x347: {  	s16 =	simm.s32 $0x0;
	s15 =	sadd.s32 @p3 $0x10, s17;
	(erf) = vrcp.f32 v17  }
0x348: {  	s16 =	smov.u32 @p3 s15;
	vm2 =	vgt.f32 @p3 v15, $5.000000000e-01;
	v15 =	vor.u32 @p4 v18, v23;
	v18 =	vmov @p2 v21  }
0x349: {  	vm1 =	vlt.s32 @p3 v29, v13;
	v21 =	vmov @p2 s16;
	v16 =	vpsel p2, v18, v16;
	v17 =	vpop @p2 (erf)  }
0x34a: {  	s15 =	sadd.s32 @p2 $0x10, s16;
	v22 =	vmovc @p1 v25;
	s16 =	simm.s32 $0x0;
	vm1 =	vmand @p3 vm1, vm2;
	v16 =	vmul.f32 @p2 v17, v16;
	v17 =	vpsel p2, v21, v20  }
0x34b: {  	v59 =	vpsel p1, v22, v19;
	s16 =	smov.u32 @p2 s15;
	vm1 =	vmmov @p3 vm1  }
0x34c: {  	v15 =	vpsel p4, v15, v12;
	v18 =	vmov @p1 s16;
	v19 =	vsel @p3 vm1, $0x1, v1  }
0x34d: {  	vm1 =	vlt.s32 @p2 v17, v13;
	vm2 =	vgt.f32 @p2 v16, $5.000000000e-01;
	v16 =	vpsel p1, v59, v0;
	v17 =	vpop @p1 (erf)  }
0x34e: {  	v15 =	vor.u32 @p3 v19, v15;
	vm1 =	vmand @p2 vm1, vm2;
	v16 =	vmul.f32 @p1 v17, v16  }
0x34f: {  	v15 =	vpsel p3, v15, v12;
	vm1 =	vmmov @p2 vm1;
	v17 =	vpsel p1, v18, v0  }
0x350: {  	s15 =	sadd.s32 @p1 $0x10, s16;
	v18 =	vsel @p2 vm1, $0x1, v1;
	vm1 =	vlt.s32 @p1 v17, v13;
	vm2 =	vgt.f32 @p1 v16, $5.000000000e-01;
	v60 =	vpop (erf)  }
0x351: {  	s14 =	smov.u32 @p1 s15;
	v15 =	vor.u32 @p2 v18, v15;
	vm1 =	vmand @p1 vm1, vm2;
	v14 =	vmul.f32 v60, v14  }
0x352: {  	v61 =	vmov s14;
	v15 =	vpsel p2, v15, v12;
	vm1 =	vmmov @p1 vm1  }
0x353: {  	v17 =	vsel @p1 vm1, $0x1, v1;
	vm1 =	vlt.s32 v61, v13;
	vm2 =	vgt.f32 v14, $5.000000000e-01  }
0x354: {  	v13 =	vor.u32 @p1 v17, v15;
	vm1 =	vmand vm1, vm2  }
0x355: {  	v62 =	vpsel p1, v13, v12;
	v63 =	vsel vm1, $0x1, v1  }
0x356: {  	v12 =	vor.u32 v63, v62  }
0x357: {  	vm1 =	vgt.s32 v12, $0x0  }
.LBB2_19:
0x358: {  	v12 =	vmpcnt.ones.xlane vm1;
	_ =	sdelay $0x1  }
0x359: {  	(v2sf) =	vpush v12, $0x0;
	_ =	sdelay $0xe  }
0x35a: {  	s14 =	spop (v2sf)  }
0x35b: {  	p1 =	slt.s32 s14, $0x1  }
0x35c: {  	p0 =	por !p0, !p1  }
0x35d: {  	p0 =	por !p0, !p0  }
0x35e: {  	v12 =	vmov @p0 s9;
	_ =	sdelay $0x3  }
0x35f: {  	s14 =	simm.s32 @p0 $0x16D30  }
0x360: {  	[tilespmem:v12+s14+$0x0] =	vst.idx.msk @p0 $0x1, v10;
	s14 =	simm.s32 @p0 $0x16DB0  }
0x361: {  	[tilespmem:v12+s14+$0x0] =	vst.idx.msk @p0 $0x1, v9;
	s14 =	simm.s32 @p0 $0x16E30  }
0x362: {  	[tilespmem:v12+s14+$0x0] =	vst.idx.msk @p0 $0x1, v8;
	s14 =	simm.s32 @p0 $0x16EB0  }
0x363: {  	s15 =	simm.s32 $0x1;
	[tilespmem:v12+s14+$0x0] =	vst.idx.msk @p0 $0x1, v7;
	s14 =	simm.s32 @p0 $0x16F30  }
0x364: {  	s15 =	simm.s32 @!p0 $0x0;
	[tilespmem:v12+s14+$0x0] =	vst.idx.msk @p0 $0x1, v11;
	s14 =	simm.s32 @p0 $0x16FB0  }
0x365: {  	s9 =	sadd.s32 s15, s9;
	[tilespmem:v12+s14+$0x0] =	vst.idx.msk @p0 $0x1, v6;
	s14 =	simm.s32 @p0 $0x17030  }
0x366: {  	p1 =	sgt.u32 s9, $0x63;
	[tilespmem:v12+s14+$0x0] =	vst.idx.msk @p0 $0x1, v5;
	s14 =	simm.s32 @p0 $0x170B0  }
0x367: {  	p2 =	sgt.f32 @!p1 s12, $0.0e+00;
	[tilespmem:v12+s14+$0x0] =	vst.idx.msk @p0 $0x1, v4;
	s14 =	simm.s32 @p0 $0x17130  }
0x368: {  	s12 =	simm.s32 @p0 $0x171B0;
	[tilespmem:v12+s14+$0x0] =	vst.idx.msk @p0 $0x1, v3  }
0x369: {  	p1 =	por p1, !p2;
	[tilespmem:v12+s12+$0x0] =	vst.idx.msk @p0 $0x1, v2;
	v2 =	vmov @p0 s13;
	s12 =	simm.s32 @p0 $0x17230  }
0x36a: {  	s4 =	simm.s32 @p1 $0x0;
	s8 =	simm.s32 @p1 $0x16FB0;
	[tilespmem:v12+s12+$0x0] =	vst.idx.msk @p0 $0x1, v2  }
0x36b: {  	[hbm4b:s3+s4] =	stream.linear.scatter @p1 [tilespmem:s8], [sflag:$0x2], $0x80, $0x38;
	[tilespmem:$0x172B0] =	vst v63  }
0x36c: {  	s3 =	simm.s32 @p1 $0x2  }
0x36d: {  	_ =	swait.ge @p1 [sflag:s3], $0x80  }
0x36e: {  	[sflag:s3] =	ssyncset.done @p1 $0x0  }
0x36f: {  	s8 =	simm.s32 @p1 $0x17030;
	[sflag:s3] =	ssyncadd.s32 @p1 $0xFFFFFF80  }
0x370: {  	[hbm4b:s7+s4] =	stream.linear.scatter @p1 [tilespmem:s8], [sflag:$0x2], $0x80, $0x38;
	[tilespmem:$0x172B0] =	vst v63  }
0x371: {  	_ =	swait.ge @p1 [sflag:s3], $0x80  }
0x372: {  	[sflag:s3] =	ssyncset.done @p1 $0x0  }
0x373: {  	s7 =	simm.s32 @p1 $0x170B0;
	[sflag:s3] =	ssyncadd.s32 @p1 $0xFFFFFF80  }
0x374: {  	[hbm4b:s6+s4] =	stream.linear.scatter @p1 [tilespmem:s7], [sflag:$0x2], $0x80, $0x38;
	[tilespmem:$0x172B0] =	vst v63  }
0x375: {  	_ =	swait.ge @p1 [sflag:s3], $0x80  }
0x376: {  	[sflag:s3] =	ssyncset.done @p1 $0x0  }
0x377: {  	s6 =	simm.s32 @p1 $0x17130;
	[sflag:s3] =	ssyncadd.s32 @p1 $0xFFFFFF80  }
0x378: {  	[hbm4b:s5+s4] =	stream.linear.scatter @p1 [tilespmem:s6], [sflag:$0x2], $0x80, $0x38;
	[tilespmem:$0x172B0] =	vst v63  }
0x379: {  	_ =	swait.ge @p1 [sflag:s3], $0x80  }
0x37a: {  	[sflag:s3] =	ssyncset.done @p1 $0x0  }
0x37b: {  	s5 =	simm.s32 @p1 $0x171B0;
	[sflag:s3] =	ssyncadd.s32 @p1 $0xFFFFFF80  }
0x37c: {  	[hbm4b:s2+s4] =	stream.linear.scatter @p1 [tilespmem:s5], [sflag:$0x2], $0x80, $0x38;
	[tilespmem:$0x172B0] =	vst v63  }
0x37d: {  	_ =	swait.ge @p1 [sflag:s3], $0x80  }
0x37e: {  	[sflag:s3] =	ssyncset.done @p1 $0x0  }
0x37f: {  	s2 =	simm.s32 @p1 $0x17230;
	[sflag:s3] =	ssyncadd.s32 @p1 $0xFFFFFF80  }
0x380: {  	[hbm4b:s1+s4] =	stream.linear.scatter @p1 [tilespmem:s2], [sflag:$0x2], $0x80, $0x38;
	[tilespmem:$0x172B0] =	vst v63  }
0x381: {  	_ =	swait.ge @p1 [sflag:s3], $0x80  }
0x382: {  	[sflag:s3] =	ssyncset.done @p1 $0x0  }
0x383: {  	[sflag:s3] =	ssyncadd.s32 @p1 $0xFFFFFF80  }
0x384: {  	_ =	sfence.sel @p1 $0x180000  }
0x385: {  	[bflag:$0x0] =	sbarrier.arrive @p1 $0xFFFF  }
0x386: {  	_ =	strace @p1 $0x90000047  }
0x387: {  	s0 =	sadd.s32 @p1 $0x100000, s0;
	[bflag:$0x2] =	sbarrier.arrive @p1 $0xFFFF  }
0x388: {  	[sflag:s0] =	ssyncadd.tile.s32 @p1 $0x1;
	_ =	shalt @p1  }
.Ltmp3:
0x389: {  	_ = 	snop;
	(pc) =	sbr.rel .LBB2_6-.Ltmp3, $4  }
0x38a: {  	_ = 	snop  }
0x38b: {  	_ = 	snop  }
0x38c: {  	_ = 	snop  }
0x38d: {  	_ = 	snop  }
.LBB2_6:
0x38e: {  	v3 =	vld [tilespmem:$0x16B30];
	_ =	sdelay $0x4  }
0x38f: {  	(xrf0) =	vmax.scan.msk.f32 $0xffff, v3;
	_ =	sdelay $0x5  }
0x390: {  	v4, _, _ =	vpop (xrf0)  }
0x391: {  	v2 =	vbroadcast v4, $0xF;
	_ =	sdelay $0x1  }
0x392: {  	vm1 =	veq.f32 v3, v2  }
0x393: {  	v3 =	vmctz.xlane vm1  }
0x394: {  	(v2sf) =	vpush v4, $0xF  }
0x395: {  	(v2sf) =	vpush v3, $0x0;
	_ =	sdelay $0xd  }
0x396: {  	s12 =	spop (v2sf)  }
0x397: {  	s13 =	spop (v2sf)  }
0x398: {  	s13 =	sshll.u32 s13, $0x4  }
0x399: {  	v4 =	vld [tilespmem:s13+$0x16A30];
	_ =	sdelay $0x4  }
0x39a: {  	vm1 =	veq.f32 v4, v2  }
0x39b: {  	v4 =	vmctz.xlane vm1;
	_ =	sdelay $0x1  }
0x39c: {  	(v2sf) =	vpush v4, $0x0;
	_ =	sdelay $0xe  }
0x39d: {  	s14 =	spop (v2sf)  }
0x39e: {  	s14 =	sadd.s32 s13, s14  }
0x39f: {  	s15 =	sshll.u32 s14, $0x4  }
0x3a0: {  	v4 =	vld [tilespmem:s15+$0x16030];
	_ =	sdelay $0x4  }
0x3a1: {  	vm1 =	veq.f32 v4, v2  }
0x3a2: {  	v4 =	vmctz.xlane vm1;
	_ =	sdelay $0x1  }
0x3a3: {  	(v2sf) =	vpush v4, $0x0;
	_ =	sdelay $0xe  }
0x3a4: {  	s16 =	spop (v2sf)  }
0x3a5: {  	s16 =	sadd.s32 s16, s15  }
0x3a6: {  	s17 =	sshll.u32 s16, $0x8  }
0x3a7: {  	s17 =	sshra.s32 s17, $0x2  }
0x3a8: {  	s21 =	sshll.u32 s16, $0x4;
	s17 =	sadd.s32 s17, s4  }
0x3a9: {  	[tilespmem:s10], [sflag:$0x1] =	stream.linear.gather [spmem:s17], $0x40, $0x38;
	[tilespmem:$0x172B0] =	vst v63  }
0x3aa: {  	v4 =	vld [tilespmem:s21+$0xC030];
	_ =	sdelay $0x4  }
0x3ab: {  	vm1 =	veq.f32 v4, v2  }
0x3ac: {  	v5 =	vmctz.xlane vm1;
	_ =	sdelay $0x1  }
0x3ad: {  	(v2sf) =	vpush v5, $0x0;
	_ =	sdelay $0x8  }
0x3ae: {  	p0 =	sgt.f32 s12, $0.0e+00  }
0x3af: {  	v5 =	vbroadcast v5, $0x0  }
0x3b0: {  	v6 =	vlaneseq.u32 @p0  }
0x3b1: {  	vm1 =	veq.s32 @p0 v5, v6  }
0x3b2: {  	v4 =	vsel @p0 vm1, $0xBF800000, v4  }
0x3b3: {  	(xrf0) =	vmax.scan.msk.f32 @p0 $0xffff, v4  }
0x3b4: {  	s18 =	spop (v2sf)  }
0x3b5: {  	s17 =	sadd.s32 s21, s18  }
0x3b6: {  	v4 =	vmov @p0 s17  }
0x3b7: {  	v6 =	vmov @p0 s16;
	_ =	sdelay $0x1  }
0x3b8: {  	v7, _, _ =	vpop @p0 (xrf0)  }
0x3b9: {  	v8 =	vimm.f32 @p0 $-1.000000000e+00;
	s16 =	simm.s32 @p0 $0xC030;
	v7 =	vbroadcast @p0 v7, $0xF  }
0x3ba: {  	[tilespmem:v4+s16+$0x0] =	vst.idx.msk @p0 $0x1, v8;
	s16 =	simm.s32 @p0 $0x16030  }
0x3bb: {  	[tilespmem:v6+s16+$0x0] =	vst.idx.msk @p0 $0x1, v7  }
0x3bc: {  	v4 =	vld @p0 [tilespmem:s15+$0x16030];
	_ =	sdelay $0x4  }
0x3bd: {  	(xrf0) =	vmax.scan.msk.f32 @p0 $0xffff, v4;
	_ =	sdelay $0x3  }
0x3be: {  	v4 =	vmov @p0 s14;
	_ =	sdelay $0x1  }
0x3bf: {  	v6, _, _ =	vpop @p0 (xrf0)  }
0x3c0: {  	v6 =	vbroadcast @p0 v6, $0xF  }
0x3c1: {  	s14 =	simm.s32 @p0 $0x16A30  }
0x3c2: {  	[tilespmem:v4+s14+$0x0] =	vst.idx.msk @p0 $0x1, v6  }
0x3c3: {  	v4 =	vld @p0 [tilespmem:s13+$0x16A30];
	_ =	sdelay $0x4  }
0x3c4: {  	(xrf0) =	vmax.scan.msk.f32 @p0 $0xffff, v4;
	_ =	sdelay $0x1  }
0x3c5: {  	s22 =	smulhi.u32 $0x66666667, s17;
	s23 =	sshra.s32 s17, $0x1F  }
0x3c6: {  	v3 =	vbroadcast @p0 v3, $0x0;
	s14 =	smul.u32 $0x66666667, s23;
	_ =	sdelay $0x1  }
0x3c7: {  	s13 =	sadd.s32 s14, s22  }
0x3c8: {  	s14 =	sshrl.u32 s13, $0x1F;
	s13 =	sshra.s32 s13, $0xC;
	v4, _, _ =	vpop @p0 (xrf0)  }
0x3c9: {  	s13 =	sadd.s32 s14, s13;
	v4 =	vbroadcast @p0 v4, $0xF  }
0x3ca: {  	s24 =	sadd.s32 $0x10, s18;
	s15 =	simm.s32 @p0 $0x16B30;
	s25 =	smul.u32 $0xFFFFD800, s13  }
0x3cb: {  	s26 =	sadd.s32 $0x20, s18;
	s29 =	sadd.s32 $0x30, s18;
	s28 =	ssub.s32 $0x0, s17;
	[tilespmem:v3+s15+$0x0] =	vst.idx.msk @p0 $0x1, v4;
	v3 =	vmov s24  }
0x3cc: {  	p1 =	slt.s32 s17, $0x1;
	p2 =	sne.s32 s25, s28;
	v4 =	vmov s26;
	_ =	swait.ge [sflag:s11], $0x40  }
0x3cd: {  	v7 =	vmov s29;
	p1 =	por !p1, !p2;
	[sflag:s11] =	ssyncset.done $0x0  }
0x3ce: {  	s14 =	simm.s32 $0x1;
	p1 =	por !p1, !p1;
	[sflag:s11] =	ssyncadd.s32 $0xFFFFFFC0  }
0x3cf: {  	s14 =	simm.s32 @!p1 $0x0;
	v6 =	vld.idx.msk [tilespmem:v5+s10+$0x0], $0xffff  }
0x3d0: {  	s13 =	ssub.s32 s13, s14;
	v5 =	vld.idx.msk [tilespmem:v3+s10+$0x0], $0xffff  }
0x3d1: {  	s13 =	sadd.s32 $0x1, s13;
	v4 =	vld.idx.msk [tilespmem:v4+s10+$0x0], $0xffff  }
0x3d2: {  	s30 =	scvt.s32.f32 s13;
	v3 =	vld.idx.msk [tilespmem:v7+s10+$0x0], $0xffff;
	_ =	sdelay $0x1  }
0x3d3: {  	s31 =	sadd.s32 $0xF, s9;
	s14 =	smul.f32 s30, s8  }
0x3d4: {  	s16 =	sshrl.u32 s31, $0x4  }
0x3d5: {  	p1 =	seq.s32 s16, $0x0;
	v10 =	vadd.f32 s14, v6;
	v9 =	vadd.f32 s14, v5  }
.Ltmp4:
0x3d6: {  	v8 =	vadd.f32 s14, v4;
	v7 =	vadd.f32 s14, v3;
	(pc) =	sbr.rel @p1 .LBB2_19-.Ltmp4, $3  }
0x3d7: {  	_ = 	snop  }
0x3d8: {  	v11 =	vsub.f32 v8, v10;
	v12 =	vsub.f32 v7, v9;
	_ =	sdelay $0x1  }
0x3d9: {  	vm1 =	vmmov vm0;
	v11 =	vmul.f32 v12, v11  }
0x3da: {  	s17 =	simm.s32 $0x16DB0;
	p5 =	sne.s32 s16, $0x1  }
.Ltmp5:
0x3db: {  	s14 =	simm.s32 $0x16D30;
	v16 =	vld [tilespmem:s17+$0x0];
	(pc) =	sbr.rel @!p5 .LBB2_8-.Ltmp5, $4  }
0x3dc: {  	s18 =	simm.s32 $0x16E30;
	v14 =	vld [tilespmem:s14+$0x0]  }
0x3dd: {  	s19 =	simm.s32 $0x16EB0;
	s15 =	simm.s32 $0x16F30;
	v18 =	vld [tilespmem:s18+$0x0]  }
0x3de: {  	s16 =	sadd.s32 $0xFFFFFFFF, s16;
	p1 =	por $0x0, $0x0;
	p2 =	por $0x0, $0x0;
	v17 =	vld [tilespmem:s19+$0x0]  }
0x3df: {  	v13 =	vadd.s32 s9, v0;
	v12 =	vimm.s32 $0x0;
	p3 =	por $0x0, $0x0;
	p4 =	por $0x0, $0x0;
	s14 =	simm.s32 $0x0  }
0x3e0: {  	v15 =	vld [tilespmem:s15+$0x0];
	s17 =	simm.s32 $0x16D40;
	p5 =	sne.s32 s16, $0x1  }
.Ltmp6:
0x3e1: {  	s29 =	simm.s32 $0x16DC0;
	v19 =	vmax.f32 v14, v10;
	v14 =	vld [tilespmem:s17+$0x0];
	(pc) =	sbr.rel @!p5 .LBB2_10-.Ltmp6, $4  }
0x3e2: {  	s30 =	simm.s32 $0x16E40;
	v26 =	vld [tilespmem:s29+$0x0];
	v18 =	vmin.f32 v18, v8  }
0x3e3: {  	v16 =	vmax.f32 v16, v9;
	s31 =	simm.s32 $0x16EC0;
	v19 =	vsub.f32 v18, v19;
	v17 =	vmin.f32 v17, v7;
	v18 =	vld [tilespmem:s30+$0x0]  }
0x3e4: {  	v25 =	vsub.f32 v17, v16;
	v17 =	vld [tilespmem:s31+$0x0]  }
0x3e5: {  	p1 =	por $0x1, $0x1;
	s17 =	sadd.s32 $0xFFFFFFFF, s16;
	v28 =	vmax.f32 v19, $0.0e+00  }
0x3e6: {  	v16 =	vmax.f32 v25, $0.0e+00;
	s16 =	simm.s32 $0x16F40;
	p5 =	sne.s32 s17, $0x1  }
.Ltmp7:
0x3e7: {  	v19 =	vadd.f32 v15, v11;
	s18 =	simm.s32 $0x16D50;
	v16 =	vmul.f32 v16, v28;
	v15 =	vld [tilespmem:s16+$0x0];
	(pc) =	sbr.rel @!p5 .LBB2_12-.Ltmp7, $4  }
0x3e8: {  	v21 =	vmax.f32 v14, v10;
	s30 =	simm.s32 $0x16E50;
	v14 =	vld [tilespmem:s18+$0x0];
	v22 =	vmax.f32 v26, v9;
	v18 =	vmin.f32 v18, v8  }
0x3e9: {  	s31 =	simm.s32 $0x16ED0;
	v19 =	vsub.f32 v19, v16;
	v21 =	vsub.f32 v18, v21;
	v17 =	vmin.f32 v17, v7;
	v18 =	vld [tilespmem:s30+$0x0]  }
0x3ea: {  	s29 =	simm.s32 $0x16DD0;
	v25 =	vsub.f32 v17, v22;
	v17 =	vld [tilespmem:s31+$0x0]  }
0x3eb: {  	s17 =	sadd.s32 $0xFFFFFFFF, s17;
	p2 =	por $0x1, $0x1;
	v20 =	vld [tilespmem:s29+$0x0];
	v24 =	vadd.f32 $9.999999710e-10, v19;
	v28 =	vmax.f32 v21, $0.0e+00  }
0x3ec: {  	v19 =	vmax.f32 v25, $0.0e+00;
	s16 =	simm.s32 $0x16F50  }
0x3ed: {  	v21 =	vadd.f32 v15, v11;
	s18 =	simm.s32 $0x16D60;
	p5 =	sne.s32 s17, $0x1;
	v19 =	vmul.f32 v19, v28;
	v15 =	vld [tilespmem:s16+$0x0]  }
.Ltmp8:
0x3ee: {  	s29 =	simm.s32 $0x16DE0;
	v22 =	vmax.f32 v14, v10;
	v14 =	vld [tilespmem:s18+$0x0];
	(pc) =	sbr.rel @!p5 .LBB2_14-.Ltmp8, $4  }
0x3ef: {  	s30 =	simm.s32 $0x16E60;
	v26 =	vld [tilespmem:s29+$0x0];
	v18 =	vmin.f32 v18, v8;
	v21 =	vsub.f32 v21, v19  }
0x3f0: {  	s31 =	simm.s32 $0x16EE0;
	v17 =	vmin.f32 v17, v7;
	v23 =	vsub.f32 v18, v22;
	v18 =	vld [tilespmem:s30+$0x0];
	v20 =	vmax.f32 v20, v9  }
0x3f1: {  	(erf) = vrcp.f32 v24;
	v25 =	vsub.f32 v17, v20;
	v17 =	vld [tilespmem:s31+$0x0]  }
0x3f2: {  	s22 =	sadd.s32 $0xFFFFFFFF, s17;
	p3 =	por $0x1, $0x1;
	v22 =	vadd.f32 $9.999999710e-10, v21;
	v28 =	vmax.f32 v23, $0.0e+00;
	v20 =	vmov s14  }
0x3f3: {  	_ =	sdelay $0x6  }
0x3f4: {  	v21 =	vmax.f32 v25, $0.0e+00;
	s16 =	simm.s32 $0x16F60;
	v24 =	vmax.f32 v14, v10;
	v14 =	vpop (erf);
	(erf) = vrcp.f32 v22  }
0x3f5: {  	v23 =	vadd.f32 v15, v11;
	s19 =	simm.s32 $0x16DF0;
	p5 =	sne.s32 s22, $0x1;
	v21 =	vmul.f32 v21, v28;
	v15 =	vld [tilespmem:s16+$0x0]  }
.Ltmp9:
0x3f6: {  	s20 =	simm.s32 $0x16E70;
	v25 =	vmax.f32 v26, v9;
	v26 =	vld [tilespmem:s19+$0x0];
	v18 =	vmin.f32 v18, v8;
	v27 =	vmul.f32 v14, v16;
	(pc) =	sbr.rel @!p5 .LBB2_16-.Ltmp9, $4  }
0x3f7: {  	s18 =	simm.s32 $0x16D70;
	s17 =	simm.s32 $0x10;
	v23 =	vsub.f32 v23, v21;
	v28 =	vsub.f32 v18, v24;
	v18 =	vld [tilespmem:s20+$0x0]  }
0x3f8: {  	vm1 =	vlt.s32 v20, v13;
	s21 =	simm.s32 $0x16EF0;
	v29 =	vmov s17;
	v17 =	vmin.f32 v17, v7;
	v14 =	vld [tilespmem:s18+$0x0]  }
0x3f9: {  	v25 =	vsub.f32 v17, v25;
	v17 =	vld [tilespmem:s21+$0x0];
	v24 =	vadd.f32 $9.999999710e-10, v23;
	vm2 =	vgt.f32 v27, $5.000000000e-01  }
0x3fa: {  	s22 =	sadd.s32 $0xFFFFFFFF, s22;
	p4 =	por $0x1, $0x1;
	v28 =	vmax.f32 v28, $0.0e+00;
	v23 =	vimm.s32 $0x0;
	vm1 =	vmand vm1, vm2;
	v27 =	vmovc v19  }
.LBB2_17:
0x3fb: {  	p5 =	sne.s32 s22, $0x1;
	v25 =	vmax.f32 v25, $0.0e+00;
	(erf) = vrcp.f32 v24;
	v24 =	vsel vm1, $0x1, v1  }
0x3fc: {  	s16 =	sadd.s32 $0x10, s16;
	v25 =	vmul.f32 v25, v28;
	v28 =	vadd.f32 v15, v11;
	v23 =	vor.u32 v24, v23  }
.Ltmp10:
0x3fd: {  	s18 =	sadd.s32 $0x10, s18;
	vm1 =	vlt.s32 v29, v13;
	v24 =	vmax.f32 v14, v10;
	v15 =	vld [tilespmem:s16+$0x0];
	v29 =	vpop (erf);
	(pc) =	sbr.rel @p5 .LBB2_17-.Ltmp10, $4  }
0x3fe: {  	v18 =	vmin.f32 v18, v8;
	s19 =	sadd.s32 $0x10, s19;
	v14 =	vld [tilespmem:s18+$0x0];
	v28 =	vsub.f32 v28, v25;
	v29 =	vmul.f32 v29, v27;
	v27 =	vmovc v21  }
0x3ff: {  	v30 =	vmax.f32 v26, v9;
	v17 =	vmin.f32 v17, v7;
	s20 =	sadd.s32 $0x10, s20;
	v31 =	vsub.f32 v18, v24;
	v21 =	vmovc v25;
	v26 =	vld [tilespmem:s19+$0x0]  }
0x400: {  	s21 =	sadd.s32 $0x10, s21;
	s17 =	sadd.s32 $0x10, s17;
	v25 =	vsub.f32 v17, v30;
	v18 =	vld [tilespmem:s20+$0x0];
	v24 =	vadd.f32 $9.999999710e-10, v28;
	vm2 =	vgt.f32 v29, $5.000000000e-01  }
0x401: {  	s22 =	sadd.s32 $0xFFFFFFFF, s22;
	v28 =	vmax.f32 v31, $0.0e+00;
	v29 =	vmov s17;
	v17 =	vld [tilespmem:s21+$0x0];
	vm1 =	vmand vm1, vm2  }
.Ltmp11:
0x402: {  	_ = 	snop;
	(pc) =	sbr.rel .LBB2_18-.Ltmp11, $1  }
0x403: {  	_ =	sdelay $0x3  }
.LBB2_10:
.Ltmp12:
0x404: {  	(pc) =	sbr.rel .LBB2_18-.Ltmp12, $2  }
0x405: {  	_ =	sdelay $0x2  }
0x406: {  	s16 =	simm.s32 $0x16F30;
	v23 =	vimm.s32 $0x0;
	s17 =	simm.s32 $0x0  }
.LBB2_12:
.Ltmp13:
0x407: {  	_ = 	snop;
	(pc) =	sbr.rel .LBB2_18-.Ltmp13, $2  }
0x408: {  	_ =	sdelay $0x2  }
0x409: {  	v21 =	vmov v16;
	v23 =	vimm.s32 $0x0;
	s17 =	simm.s32 $0x0;
	v26 =	vmov v20  }
.LBB2_14:
.Ltmp14:
0x40a: {  	(pc) =	sbr.rel .LBB2_18-.Ltmp14, $2  }
0x40b: {  	_ =	sdelay $0x2  }
0x40c: {  	v23 =	vimm.s32 $0x0;
	v29 =	vmovc v20;
	v27 =	vmovc v16;
	v21 =	vmov v19;
	s17 =	simm.s32 $0x0;
	v24 =	vmov v22  }
.LBB2_16:
.Ltmp15:
0x40d: {  	(pc) =	sbr.rel .LBB2_18-.Ltmp15, $2  }
0x40e: {  	_ =	sdelay $0x2  }
0x40f: {  	v23 =	vimm.s32 $0x0;
	v27 =	vmov v19  }
.Lfunc_end2:
_tile_overlayer_lowered:
.L_overlay_start_2:
0x410: {  	(tag) =	ssettag $0x2  }
0x411: {  	s0 =	rddreg [dreg:$0x0];
	s2 =	stileid.u32  }
0x412: {  	s1 =	rddreg [dreg:$0x1];
	p0 =	sne.s32 s2, $0x0  }
0x413: {  	s3 =	rddreg [dreg:$0x2];
	[bflag:$0x3] =	sbarrier.arrive $0xFFFF;
	s2 =	simm.s32 @!p0 $0x1C02  }
0x414: {  	[timem:s3], [sflag:s2] =	dma.local @!p0 [hbm:s0], s1  }
0x415: {  	s0 =	simm.s32 @!p0 $0x2  }
0x416: {  	_ =	swait.ge @!p0 [sflag:s0], s1  }
0x417: {  	s1 =	ssub.s32 @!p0 $0x0, s1;
	[sflag:s0] =	ssyncset.done @!p0 $0x0  }
0x418: {  	[sflag:s0] =	ssyncadd.s32 @!p0 s1  }
0x419: {  	[bflag:$0x3] =	sbarrier.arrive $0xFFFF  }
0x41a: {  	_ =	shalt  }

</sc_bundles>
